<compile_context>
chip_gen: v7x
topology: tpu7x:2x2x1
jax: 0.10.2.dev20260603
libtpu: 0.0.44.dev20260713+nightly
codegen_flags: <defaults>
</compile_context>

<pallas_src>
import jax
import jax.numpy as jnp
from jax import lax
from jax.experimental import pallas as pl
from jax.experimental.pallas import tpu as pltpu
from jax.experimental.pallas import tpu_sc as plsc

N_NODES = 10000
D = 128
B = 128
CHUNKS = 2500
NCORES = 2
NSUB = 16
NW = NCORES * NSUB
CPW = CHUNKS // NW
XTRA = CHUNKS - NW * CPW
NROW = 10016
RPS = NROW // NSUB
NHIST = 10240
RPSH = NHIST // NSUB
NBUF = 3
G = 6
FG = CPW // G
NPAD = 10240

_mesh = plsc.VectorSubcoreMesh(core_axis_name="c", subcore_axis_name="s")
_sc_params = pltpu.CompilerParams(use_tc_tiling_on_sc=False)


def _worker_base(c, s):
    wid = c * NSUB + s
    return wid, CPW * wid + jnp.minimum(wid, XTRA)


def _hist_body(dst_hbm, out_hbm, deg_acc, ones_v, idx_v, zero_v):
    c = lax.axis_index("c")
    s = lax.axis_index("s")
    wid, base = _worker_base(c, s)

    def fill_zero(i, carry):
        zero_v[pl.ds(i * 16, 16)] = jnp.zeros((16,), jnp.float32)
        return carry

    lax.fori_loop(0, RPSH // 16, fill_zero, 0)

    def fill_one(i, carry):
        ones_v[pl.ds(i * 16, 16)] = jnp.ones((16,), jnp.float32)
        return carry

    lax.fori_loop(0, B // 16, fill_one, 0)

    pltpu.sync_copy(zero_v, deg_acc.at[pl.ds(s * RPSH, RPSH)])
    plsc.subcore_barrier()

    def body(j, carry2):
        pltpu.sync_copy(ones_v, deg_acc.at[idx_v.at[j]], add=True)
        return carry2

    def grp(g, carry):
        pltpu.sync_copy(dst_hbm.at[pl.ds(base + g * G, G)], idx_v)
        lax.fori_loop(0, G, body, 0)
        return carry

    lax.fori_loop(0, FG, grp, 0)

    @pl.when(wid < XTRA)
    def _tail():
        pltpu.sync_copy(dst_hbm.at[pl.ds(base + FG * G, 1)],
                        idx_v.at[pl.ds(0, 1)])
        pltpu.sync_copy(ones_v, deg_acc.at[idx_v.at[0]], add=True)

    plsc.subcore_barrier()
    pltpu.sync_copy(deg_acc.at[pl.ds(s * RPSH, RPSH)],
                    out_hbm.at[c, pl.ds(s * RPSH, RPSH)])


_hist = pl.kernel(
    _hist_body,
    out_type=jax.ShapeDtypeStruct((NCORES, NHIST), jnp.float32),
    mesh=_mesh,
    scratch_types=[
        pltpu.VMEM_SHARED((NHIST,), jnp.float32),
        pltpu.VMEM((B,), jnp.float32),
        pltpu.VMEM((G, B), jnp.int32),
        pltpu.VMEM((RPSH,), jnp.float32),
    ],
    compiler_params=_sc_params,
)


def _scatter_body(table_hbm, src_hbm, dst_hbm, out_hbm,
                  acc, rows_v, sidx_v, didx_v, gsem, ssem):
    c = lax.axis_index("c")
    s = lax.axis_index("s")
    wid, base = _worker_base(c, s)

    def zero_row(r, carry):
        for k in range(D // 16):
            rows_v[0, r, pl.ds(k * 16, 16)] = jnp.zeros((16,), jnp.float32)
        return carry

    lax.fori_loop(0, B, zero_row, 0)
    for k in range(RPS // B):
        pltpu.sync_copy(rows_v.at[0], acc.at[pl.ds(s * RPS + k * B, B)])
    _rem = RPS % B
    pltpu.sync_copy(rows_v.at[0, pl.ds(0, _rem)],
                    acc.at[pl.ds(s * RPS + (RPS // B) * B, _rem)])
    plsc.subcore_barrier()

    def emit_group(gbase, n):
        pltpu.sync_copy(src_hbm.at[pl.ds(gbase, n)], sidx_v.at[pl.ds(0, n)])
        pltpu.sync_copy(dst_hbm.at[pl.ds(gbase, n)], didx_v.at[pl.ds(0, n)])
        for j in range(min(2, n)):
            pltpu.make_async_copy(table_hbm.at[sidx_v.at[j]],
                                  rows_v.at[j], gsem.at[j]).start()

        def body(j, carry):
            b = lax.rem(j, NBUF)
            pltpu.make_async_copy(table_hbm.at[sidx_v.at[j]],
                                  rows_v.at[b], gsem.at[b]).wait()
            pltpu.make_async_copy(rows_v.at[b], acc.at[didx_v.at[j]],
                                  ssem.at[b]).start(add=True)

            @pl.when(j + 2 < n)
            def _issue():
                bp = lax.rem(j + 2, NBUF)

                @pl.when(j >= 1)
                def _wait_prev():
                    pltpu.make_async_copy(rows_v.at[bp],
                                          acc.at[didx_v.at[j]],
                                          ssem.at[bp]).wait()

                pltpu.make_async_copy(table_hbm.at[sidx_v.at[j + 2]],
                                      rows_v.at[bp], gsem.at[bp]).start()

            return carry

        lax.fori_loop(0, n, body, 0)
        for j in range(max(0, n - NBUF), n):
            pltpu.make_async_copy(rows_v.at[j % NBUF],
                                  acc.at[didx_v.at[j]],
                                  ssem.at[j % NBUF]).wait()

    def grp(g, carry):
        emit_group(base + g * G, G)
        return carry

    lax.fori_loop(0, FG, grp, 0)

    @pl.when(wid < XTRA)
    def _tail():
        emit_group(base + FG * G, 1)

    plsc.subcore_barrier()
    pltpu.sync_copy(acc.at[pl.ds(s * RPS, RPS)],
                    out_hbm.at[c, pl.ds(s * RPS, RPS)])


_scatter = pl.kernel(
    _scatter_body,
    out_type=jax.ShapeDtypeStruct((NCORES, NROW, D), jnp.float32),
    mesh=_mesh,
    scratch_types=[
        pltpu.VMEM_SHARED((NROW, D), jnp.float32),
        pltpu.VMEM((NBUF, B, D), jnp.float32),
        pltpu.VMEM((G, B), jnp.int32),
        pltpu.VMEM((G, B), jnp.int32),
        pltpu.SemaphoreType.DMA((NBUF,)),
        pltpu.SemaphoreType.DMA((NBUF,)),
    ],
    compiler_params=_sc_params,
)


RB = 2048


def _dv_block(p_ref):
    i = pl.program_id(0)
    d = p_ref[0, pl.ds(i * RB, RB)] + p_ref[1, pl.ds(i * RB, RB)] + 1.0
    return lax.rsqrt(d)[:, None]


def _mm1_body(x_ref, w_ref, p_ref, o_ref):
    h = jnp.dot(x_ref[...], w_ref[...], preferred_element_type=jnp.float32)
    o_ref[...] = h * _dv_block(p_ref)


def _layer2_body(a0_ref, a1_ref, hp_ref, p_ref, b_ref, w_ref, o_ref):
    dv = _dv_block(p_ref)
    pre = (a0_ref[0] + a1_ref[0] + hp_ref[...]) * dv + b_ref[...][None, :]
    g = pre * 0.5 * (1.0 + lax.erf(pre * 0.7071067811865476))
    o_ref[...] = jnp.dot(g, w_ref[...],
                         preferred_element_type=jnp.float32) * dv


def _final_body(a0_ref, a1_ref, hp_ref, p_ref, b_ref, o_ref):
    o_ref[...] = ((a0_ref[0] + a1_ref[0] + hp_ref[...])
                  * _dv_block(p_ref) + b_ref[...][None, :])


_row_spec = pl.BlockSpec((RB, D), lambda i: (i, 0))
_a0_spec = pl.BlockSpec((1, RB, D), lambda i: (0, i, 0))
_a1_spec = pl.BlockSpec((1, RB, D), lambda i: (1, i, 0))
_p_spec = pl.BlockSpec((NCORES, NHIST), lambda i: (0, 0))
_w_spec = pl.BlockSpec((D, D), lambda i: (0, 0))
_b_spec = pl.BlockSpec((D,), lambda i: (0,))
_mat_out = jax.ShapeDtypeStruct((NPAD, D), jnp.float32)
_grid = (NPAD // RB,)

_mm1_call = pl.pallas_call(
    _mm1_body, grid=_grid,
    in_specs=[_row_spec, _w_spec, _p_spec],
    out_specs=_row_spec, out_shape=_mat_out)

_layer2_call = pl.pallas_call(
    _layer2_body, grid=_grid,
    in_specs=[_a0_spec, _a1_spec, _row_spec, _p_spec, _b_spec, _w_spec],
    out_specs=_row_spec, out_shape=_mat_out)

_final_call = pl.pallas_call(
    _final_body, grid=_grid,
    in_specs=[_a0_spec, _a1_spec, _row_spec, _p_spec, _b_spec],
    out_specs=_row_spec,
    out_shape=jax.ShapeDtypeStruct((N_NODES, D), jnp.float32))


@jax.jit
def kernel(x, edge_index, W1, b1, W2, b2):
    src2 = edge_index[0].astype(jnp.int32).reshape(CHUNKS, B)
    dst2 = edge_index[1].astype(jnp.int32).reshape(CHUNKS, B)
    x_p = jnp.zeros((NPAD, D), jnp.float32).at[:x.shape[0]].set(x)

    p = _hist(dst2)
    h1p = _mm1_call(x_p, W1, p)
    A1 = _scatter(h1p, src2, dst2)
    h2p = _layer2_call(A1, A1, h1p, p, b1, W2)
    A2 = _scatter(h2p, src2, dst2)
    return _final_call(A2, A2, h2p, p, b2)

# --- scband reference (transcript-rebuilt; emitter-appended) ---
"""Pipeline reference for scband-gnnenocder-25426206392672 (READ-ONLY COPY).

The authoritative reference and input builder live on the scoring server;
editing this copy changes nothing except your own understanding.
"""

import jax, jax.numpy as jnp
import numpy as np

N_NODES = 10000
N_EDGES = 320000
D = 128


def gcn_conv(x, edge_index, W, b, n_nodes):
    # GCNConv with self-loops and symmetric normalization:
    # out = D^{-1/2} (A + I) D^{-1/2} X W + b
    src = edge_index[0]
    dst = edge_index[1]
    loop = jnp.arange(n_nodes, dtype=edge_index.dtype)
    src = jnp.concatenate([src, loop])
    dst = jnp.concatenate([dst, loop])
    # degree computed on destination nodes (including self loops)
    deg = jnp.zeros((n_nodes,), dtype=x.dtype).at[dst].add(1.0)
    deg_inv_sqrt = jnp.where(deg > 0, 1.0 / jnp.sqrt(deg), 0.0)
    norm = deg_inv_sqrt[src] * deg_inv_sqrt[dst]
    h = x @ W
    msg = h[src] * norm[:, None]
    out = jax.ops.segment_sum(msg, dst, num_segments=n_nodes)
    return out + b


def setup_inputs(seed: int = 0) -> dict:
    key = jax.random.key(seed)
    k1, k2, k3, k4 = jax.random.split(key, 4)
    x = jax.random.normal(k1, (N_NODES, D), dtype=jnp.float32)
    edge_index = jax.random.randint(k2, (2, N_EDGES), 0, N_NODES, dtype=jnp.int64)
    # glorot-style init for the two GCN layer weights
    s = 1.0 / np.sqrt(D)
    W1 = jax.random.uniform(k3, (D, D), dtype=jnp.float32, minval=-s, maxval=s)
    b1 = jnp.zeros((D,), dtype=jnp.float32)
    W2 = jax.random.uniform(k4, (D, D), dtype=jnp.float32, minval=-s, maxval=s)
    b2 = jnp.zeros((D,), dtype=jnp.float32)
    return {"x": x, "edge_index": edge_index, "W1": W1, "b1": b1, "W2": W2, "b2": b2}


def reference(x, edge_index, W1, b1, W2, b2):
    # GNNEnocder eval-mode forward: conv1 -> gelu -> (dropout=identity) -> conv2
    h = gcn_conv(x, edge_index, W1, b1, N_NODES)
    h = jax.nn.gelu(h, approximate=False)
    out = gcn_conv(h, edge_index, W2, b2, N_NODES)
    return out

if __name__ == "__main__":
    import jax
    _d = setup_inputs()
    print(jax.jit(kernel)(*tuple(_d.values())))

</pallas_src>

<mosaic_0001>
#map = affine_map<(d0, d1) -> (0, 0)>
module attributes {stable_mosaic.version = 14 : i64} {
  func.func @_hist_body(%arg0: i32, %arg1: i32, %arg2: memref<2500x128xi32, #tpu.memory_space<hbm>>, %arg3: memref<2x10240xf32, #tpu.memory_space<hbm>>, %arg4: memref<10240xf32, #tpu.memory_space<vmem_shared>>, %arg5: memref<128xf32, #tpu.memory_space<vmem>>, %arg6: memref<6x128xi32, #tpu.memory_space<vmem>>, %arg7: memref<640xf32, #tpu.memory_space<vmem>>) attributes {dimension_semantics = [#tpu.dimension_semantics<core_parallel>, #tpu.dimension_semantics<subcore_parallel>], iteration_bounds = array<i64: 2, 16>, scalar_prefetch = 0 : i64, scratch_operands = 4 : i64, tpu.core_type = #tpu.core_type<sc_vector_subcore>, window_params = [{transform_indices = #map}, {transform_indices = #map}]} {
    %mul3A = arith.constant 16 : i32
    %mul3A_0 = arith.muli %arg0, %mul3A : i32
    %add3A = arith.addi %mul3A_0, %arg1 : i32
    %mul3A_1 = arith.constant 78 : i32
    %mul3A_2 = arith.muli %mul3A_1, %add3A : i32
    %min3A = arith.constant 4 : i32
    %min3A_3 = arith.minsi %add3A, %min3A : i32
    %add3A_4 = arith.addi %mul3A_2, %min3A_3 : i32
    %scan3A = arith.constant 0 : i32
    %scan3A_5 = arith.constant 0 : i32
    %scan3A_6 = arith.constant 40 : i32
    %scan3A_7 = arith.addi %scan3A_5, %scan3A_6 : i32
    %scan3A_8 = arith.constant 1 : i32
    scf.for %scan3A_31 = %scan3A_5 to %scan3A_7 step %scan3A_8  : i32 {
      %broadcast_in_dim3A = arith.constant 0.000000e+00 : f32
      %broadcast_in_dim3A_32 = vector.broadcast %broadcast_in_dim3A : f32 to vector<16xf32>
      %mul3A_33 = arith.constant 16 : i32
      %mul3A_34 = arith.muli %scan3A_31, %mul3A_33 : i32
      %swap3A = arith.index_cast %mul3A_34 : i32 to index
      %swap3A_35 = tpu.vector_load %arg7[%swap3A] {strides = array<i32>} : memref<640xf32, #tpu.memory_space<vmem>>, vector<16xf32>,
      %swap3A_36 = vector.shape_cast %swap3A_35 : vector<16xf32> to vector<16xf32>
      %swap3A_37 = vector.shape_cast %broadcast_in_dim3A_32 : vector<16xf32> to vector<16xf32>
      tpu.vector_store %arg7[%swap3A], %swap3A_37 {strides = array<i32>} : memref<640xf32, #tpu.memory_space<vmem>>, vector<16xf32>,
    }
    %scan3A_9 = arith.constant 40 : i32
    %scan3A_10 = arith.constant 0 : i32
    %scan3A_11 = arith.constant 0 : i32
    %scan3A_12 = arith.constant 8 : i32
    %scan3A_13 = arith.addi %scan3A_11, %scan3A_12 : i32
    %scan3A_14 = arith.constant 1 : i32
    scf.for %scan3A_31 = %scan3A_11 to %scan3A_13 step %scan3A_14  : i32 {
      %broadcast_in_dim3A = arith.constant 1.000000e+00 : f32
      %broadcast_in_dim3A_32 = vector.broadcast %broadcast_in_dim3A : f32 to vector<16xf32>
      %mul3A_33 = arith.constant 16 : i32
      %mul3A_34 = arith.muli %scan3A_31, %mul3A_33 : i32
      %swap3A = arith.index_cast %mul3A_34 : i32 to index
      %swap3A_35 = tpu.vector_load %arg5[%swap3A] {strides = array<i32>} : memref<128xf32, #tpu.memory_space<vmem>>, vector<16xf32>,
      %swap3A_36 = vector.shape_cast %swap3A_35 : vector<16xf32> to vector<16xf32>
      %swap3A_37 = vector.shape_cast %broadcast_in_dim3A_32 : vector<16xf32> to vector<16xf32>
      tpu.vector_store %arg5[%swap3A], %swap3A_37 {strides = array<i32>} : memref<128xf32, #tpu.memory_space<vmem>>, vector<16xf32>,
    }
    %scan3A_15 = arith.constant 8 : i32
    %mul3A_16 = arith.constant 640 : i32
    %mul3A_17 = arith.muli %arg1, %mul3A_16 : i32
    "tpu.region"() ({
      %run_scoped3A = tpu.sem_alloc : memref<!tpu.dma_semaphore, #tpu.memory_space<semaphore_mem>>
      %dma_start3A = tpu.memref_slice %arg4[%mul3A_17] : memref<10240xf32, #tpu.memory_space<vmem_shared>> -> memref<640xf32, #tpu.memory_space<vmem_shared>>
      %dma_start3A_31 = tpu.memref_slice %arg4[%mul3A_17] : memref<10240xf32, #tpu.memory_space<vmem_shared>> -> memref<640xf32, #tpu.memory_space<vmem_shared>>
      tpu.enqueue_dma source(%arg7 : memref<640xf32, #tpu.memory_space<vmem>>) target(%dma_start3A_31 : memref<640xf32, #tpu.memory_space<vmem_shared>>) target_semaphore(%run_scoped3A : memref<!tpu.dma_semaphore, #tpu.memory_space<semaphore_mem>>)
      %dma_wait3A = tpu.memref_slice %arg4[%mul3A_17] : memref<10240xf32, #tpu.memory_space<vmem_shared>> -> memref<640xf32, #tpu.memory_space<vmem_shared>>
      %dma_wait3A_32 = tpu.memref_slice %arg4[%mul3A_17] : memref<10240xf32, #tpu.memory_space<vmem_shared>> -> memref<640xf32, #tpu.memory_space<vmem_shared>>
      tpu.wait_dma2 semaphore(%run_scoped3A : memref<!tpu.dma_semaphore, #tpu.memory_space<semaphore_mem>>) src(%arg7 : memref<640xf32, #tpu.memory_space<vmem>>) dst(%dma_wait3A_32 : memref<640xf32, #tpu.memory_space<vmem_shared>>)
      tpu.yield
    }) : () -> ()
    %barrier3A = arith.constant 0 : index
    tpu.barrier barrier_id(%barrier3A)
    %scan3A_18 = arith.constant 0 : i32
    %scan3A_19 = arith.constant 0 : i32
    %scan3A_20 = arith.constant 13 : i32
    %scan3A_21 = arith.addi %scan3A_19, %scan3A_20 : i32
    %scan3A_22 = arith.constant 1 : i32
    scf.for %scan3A_31 = %scan3A_19 to %scan3A_21 step %scan3A_22  : i32 {
      %mul3A_32 = arith.constant 6 : i32
      %mul3A_33 = arith.muli %scan3A_31, %mul3A_32 : i32
      %add3A_34 = arith.addi %add3A_4, %mul3A_33 : i32
      "tpu.region"() ({
        %run_scoped3A = tpu.sem_alloc : memref<!tpu.dma_semaphore, #tpu.memory_space<semaphore_mem>>
        %dma_start3A = arith.constant 0 : i32
        %dma_start3A_41 = tpu.memref_slice %arg2[%add3A_34, %dma_start3A] : memref<2500x128xi32, #tpu.memory_space<hbm>> -> memref<6x128xi32, #tpu.memory_space<hbm>>
        %dma_start3A_42 = arith.constant 0 : i32
        %dma_start3A_43 = tpu.memref_slice %arg2[%add3A_34, %dma_start3A_42] : memref<2500x128xi32, #tpu.memory_space<hbm>> -> memref<6x128xi32, #tpu.memory_space<hbm>>
        tpu.enqueue_dma source(%dma_start3A_43 : memref<6x128xi32, #tpu.memory_space<hbm>>) target(%arg6 : memref<6x128xi32, #tpu.memory_space<vmem>>) target_semaphore(%run_scoped3A : memref<!tpu.dma_semaphore, #tpu.memory_space<semaphore_mem>>)
        %dma_wait3A = arith.constant 0 : i32
        %dma_wait3A_44 = tpu.memref_slice %arg2[%add3A_34, %dma_wait3A] : memref<2500x128xi32, #tpu.memory_space<hbm>> -> memref<6x128xi32, #tpu.memory_space<hbm>>
        %dma_wait3A_45 = arith.constant 0 : i32
        %dma_wait3A_46 = tpu.memref_slice %arg2[%add3A_34, %dma_wait3A_45] : memref<2500x128xi32, #tpu.memory_space<hbm>> -> memref<6x128xi32, #tpu.memory_space<hbm>>
        tpu.wait_dma2 semaphore(%run_scoped3A : memref<!tpu.dma_semaphore, #tpu.memory_space<semaphore_mem>>) src(%dma_wait3A_46 : memref<6x128xi32, #tpu.memory_space<hbm>>) dst(%arg6 : memref<6x128xi32, #tpu.memory_space<vmem>>)
        tpu.yield
      }) : () -> ()
      %scan3A_35 = arith.constant 0 : i32
      %scan3A_36 = arith.constant 0 : i32
      %scan3A_37 = arith.constant 6 : i32
      %scan3A_38 = arith.addi %scan3A_36, %scan3A_37 : i32
      %scan3A_39 = arith.constant 1 : i32
      scf.for %scan3A_41 = %scan3A_36 to %scan3A_38 step %scan3A_39  : i32 {
        "tpu.region"() ({
          %run_scoped3A = tpu.sem_alloc : memref<!tpu.dma_semaphore, #tpu.memory_space<semaphore_mem>>
          %dma_start3A = arith.constant 0 : i32
          %dma_start3A_42 = tpu.memref_slice %arg6[%scan3A_41, %dma_start3A] : memref<6x128xi32, #tpu.memory_space<vmem>> -> memref<1x128xi32, #tpu.memory_space<vmem>>
          %dma_start3A_43 = tpu.memref_squeeze %dma_start3A_42 : memref<1x128xi32, #tpu.memory_space<vmem>> -> memref<128xi32, #tpu.memory_space<vmem>>
          %dma_start3A_44 = arith.constant 0 : i32
          %dma_start3A_45 = tpu.memref_slice %arg4[%dma_start3A_44] : memref<10240xf32, #tpu.memory_space<vmem_shared>> -> memref<10240xf32, #tpu.memory_space<vmem_shared>>
          tpu.enqueue_indirect_dma source(%arg5 : memref<128xf32, #tpu.memory_space<vmem>>) target(%dma_start3A_45 : memref<10240xf32, #tpu.memory_space<vmem_shared>>) offsets(%dma_start3A_43 : memref<128xi32, #tpu.memory_space<vmem>>) semaphore(%run_scoped3A : memref<!tpu.dma_semaphore, #tpu.memory_space<semaphore_mem>>) {add = true}
          %dma_wait3A = arith.constant 0 : i32
          %dma_wait3A_46 = tpu.memref_slice %arg6[%scan3A_41, %dma_wait3A] : memref<6x128xi32, #tpu.memory_space<vmem>> -> memref<1x128xi32, #tpu.memory_space<vmem>>
          %dma_wait3A_47 = tpu.memref_squeeze %dma_wait3A_46 : memref<1x128xi32, #tpu.memory_space<vmem>> -> memref<128xi32, #tpu.memory_space<vmem>>
          %dma_wait3A_48 = arith.constant 0 : i32
          %dma_wait3A_49 = tpu.memref_slice %arg4[%dma_wait3A_48] : memref<10240xf32, #tpu.memory_space<vmem_shared>> -> memref<10240xf32, #tpu.memory_space<vmem_shared>>
          tpu.wait_indirect_dma semaphore(%run_scoped3A : memref<!tpu.dma_semaphore, #tpu.memory_space<semaphore_mem>>) src(%arg5 : memref<128xf32, #tpu.memory_space<vmem>>) dst(%dma_wait3A_49 : memref<10240xf32, #tpu.memory_space<vmem_shared>>)
          tpu.yield
        }) : () -> ()
      }
      %scan3A_40 = arith.constant 6 : i32
    }
    %scan3A_23 = arith.constant 13 : i32
    %lt3A = arith.constant 4 : i32
    %lt3A_24 = arith.cmpi slt, %add3A, %lt3A : i32
    %convert_element_type3A = arith.extui %lt3A_24 : i1 to i32
    %cond3A = arith.constant 0 : i32
    %cond3A_25 = arith.cmpi ne, %convert_element_type3A, %cond3A : i32
    scf.if %cond3A_25 {
      %add3A_31 = arith.constant 78 : i32
      %add3A_32 = arith.addi %add3A_4, %add3A_31 : i32
      "tpu.region"() ({
        %run_scoped3A_33 = tpu.sem_alloc : memref<!tpu.dma_semaphore, #tpu.memory_space<semaphore_mem>>
        %dma_start3A = arith.constant 0 : i32
        %dma_start3A_34 = arith.constant 0 : i32
        %dma_start3A_35 = tpu.memref_slice %arg6[%dma_start3A, %dma_start3A_34] : memref<6x128xi32, #tpu.memory_space<vmem>> -> memref<1x128xi32, #tpu.memory_space<vmem>>
        %dma_start3A_36 = arith.constant 0 : i32
        %dma_start3A_37 = tpu.memref_slice %arg2[%add3A_32, %dma_start3A_36] : memref<2500x128xi32, #tpu.memory_space<hbm>> -> memref<1x128xi32, #tpu.memory_space<hbm>>
        %dma_start3A_38 = arith.constant 0 : i32
        %dma_start3A_39 = arith.constant 0 : i32
        %dma_start3A_40 = tpu.memref_slice %arg6[%dma_start3A_38, %dma_start3A_39] : memref<6x128xi32, #tpu.memory_space<vmem>> -> memref<1x128xi32, #tpu.memory_space<vmem>>
        %dma_start3A_41 = arith.constant 0 : i32
        %dma_start3A_42 = tpu.memref_slice %arg2[%add3A_32, %dma_start3A_41] : memref<2500x128xi32, #tpu.memory_space<hbm>> -> memref<1x128xi32, #tpu.memory_space<hbm>>
        tpu.enqueue_dma source(%dma_start3A_42 : memref<1x128xi32, #tpu.memory_space<hbm>>) target(%dma_start3A_40 : memref<1x128xi32, #tpu.memory_space<vmem>>) target_semaphore(%run_scoped3A_33 : memref<!tpu.dma_semaphore, #tpu.memory_space<semaphore_mem>>)
        %dma_wait3A = arith.constant 0 : i32
        %dma_wait3A_43 = arith.constant 0 : i32
        %dma_wait3A_44 = tpu.memref_slice %arg6[%dma_wait3A, %dma_wait3A_43] : memref<6x128xi32, #tpu.memory_space<vmem>> -> memref<1x128xi32, #tpu.memory_space<vmem>>
        %dma_wait3A_45 = arith.constant 0 : i32
        %dma_wait3A_46 = tpu.memref_slice %arg2[%add3A_32, %dma_wait3A_45] : memref<2500x128xi32, #tpu.memory_space<hbm>> -> memref<1x128xi32, #tpu.memory_space<hbm>>
        %dma_wait3A_47 = arith.constant 0 : i32
        %dma_wait3A_48 = arith.constant 0 : i32
        %dma_wait3A_49 = tpu.memref_slice %arg6[%dma_wait3A_47, %dma_wait3A_48] : memref<6x128xi32, #tpu.memory_space<vmem>> -> memref<1x128xi32, #tpu.memory_space<vmem>>
        %dma_wait3A_50 = arith.constant 0 : i32
        %dma_wait3A_51 = tpu.memref_slice %arg2[%add3A_32, %dma_wait3A_50] : memref<2500x128xi32, #tpu.memory_space<hbm>> -> memref<1x128xi32, #tpu.memory_space<hbm>>
        tpu.wait_dma2 semaphore(%run_scoped3A_33 : memref<!tpu.dma_semaphore, #tpu.memory_space<semaphore_mem>>) src(%dma_wait3A_51 : memref<1x128xi32, #tpu.memory_space<hbm>>) dst(%dma_wait3A_49 : memref<1x128xi32, #tpu.memory_space<vmem>>)
        tpu.yield
      }) : () -> ()
      %run_scoped3A = arith.constant 0 : i32
      "tpu.region"() ({
        %run_scoped3A_33 = tpu.sem_alloc : memref<!tpu.dma_semaphore, #tpu.memory_space<semaphore_mem>>
        %dma_start3A = arith.constant 0 : i32
        %dma_start3A_34 = tpu.memref_slice %arg6[%run_scoped3A, %dma_start3A] : memref<6x128xi32, #tpu.memory_space<vmem>> -> memref<1x128xi32, #tpu.memory_space<vmem>>
        %dma_start3A_35 = tpu.memref_squeeze %dma_start3A_34 : memref<1x128xi32, #tpu.memory_space<vmem>> -> memref<128xi32, #tpu.memory_space<vmem>>
        %dma_start3A_36 = arith.constant 0 : i32
        %dma_start3A_37 = tpu.memref_slice %arg4[%dma_start3A_36] : memref<10240xf32, #tpu.memory_space<vmem_shared>> -> memref<10240xf32, #tpu.memory_space<vmem_shared>>
        tpu.enqueue_indirect_dma source(%arg5 : memref<128xf32, #tpu.memory_space<vmem>>) target(%dma_start3A_37 : memref<10240xf32, #tpu.memory_space<vmem_shared>>) offsets(%dma_start3A_35 : memref<128xi32, #tpu.memory_space<vmem>>) semaphore(%run_scoped3A_33 : memref<!tpu.dma_semaphore, #tpu.memory_space<semaphore_mem>>) {add = true}
        %dma_wait3A = arith.constant 0 : i32
        %dma_wait3A_38 = tpu.memref_slice %arg6[%run_scoped3A, %dma_wait3A] : memref<6x128xi32, #tpu.memory_space<vmem>> -> memref<1x128xi32, #tpu.memory_space<vmem>>
        %dma_wait3A_39 = tpu.memref_squeeze %dma_wait3A_38 : memref<1x128xi32, #tpu.memory_space<vmem>> -> memref<128xi32, #tpu.memory_space<vmem>>
        %dma_wait3A_40 = arith.constant 0 : i32
        %dma_wait3A_41 = tpu.memref_slice %arg4[%dma_wait3A_40] : memref<10240xf32, #tpu.memory_space<vmem_shared>> -> memref<10240xf32, #tpu.memory_space<vmem_shared>>
        tpu.wait_indirect_dma semaphore(%run_scoped3A_33 : memref<!tpu.dma_semaphore, #tpu.memory_space<semaphore_mem>>) src(%arg5 : memref<128xf32, #tpu.memory_space<vmem>>) dst(%dma_wait3A_41 : memref<10240xf32, #tpu.memory_space<vmem_shared>>)
        tpu.yield
      }) : () -> ()
    } else {
    }
    %barrier3A_26 = arith.constant 0 : index
    tpu.barrier barrier_id(%barrier3A_26)
    %mul3A_27 = arith.constant 640 : i32
    %mul3A_28 = arith.muli %arg1, %mul3A_27 : i32
    %mul3A_29 = arith.constant 640 : i32
    %mul3A_30 = arith.muli %arg1, %mul3A_29 : i32
    "tpu.region"() ({
      %run_scoped3A = tpu.sem_alloc : memref<!tpu.dma_semaphore, #tpu.memory_space<semaphore_mem>>
      %dma_start3A = tpu.memref_slice %arg3[%arg0, %mul3A_30] : memref<2x10240xf32, #tpu.memory_space<hbm>> -> memref<1x640xf32, #tpu.memory_space<hbm>>
      %dma_start3A_31 = tpu.memref_squeeze %dma_start3A : memref<1x640xf32, #tpu.memory_space<hbm>> -> memref<640xf32, #tpu.memory_space<hbm>>
      %dma_start3A_32 = tpu.memref_slice %arg4[%mul3A_28] : memref<10240xf32, #tpu.memory_space<vmem_shared>> -> memref<640xf32, #tpu.memory_space<vmem_shared>>
      tpu.enqueue_dma source(%dma_start3A_32 : memref<640xf32, #tpu.memory_space<vmem_shared>>) target(%dma_start3A_31 : memref<640xf32, #tpu.memory_space<hbm>>) target_semaphore(%run_scoped3A : memref<!tpu.dma_semaphore, #tpu.memory_space<semaphore_mem>>)
      %dma_wait3A = tpu.memref_slice %arg3[%arg0, %mul3A_30] : memref<2x10240xf32, #tpu.memory_space<hbm>> -> memref<1x640xf32, #tpu.memory_space<hbm>>
      %dma_wait3A_33 = tpu.memref_squeeze %dma_wait3A : memref<1x640xf32, #tpu.memory_space<hbm>> -> memref<640xf32, #tpu.memory_space<hbm>>
      %dma_wait3A_34 = tpu.memref_slice %arg4[%mul3A_28] : memref<10240xf32, #tpu.memory_space<vmem_shared>> -> memref<640xf32, #tpu.memory_space<vmem_shared>>
      tpu.wait_dma2 semaphore(%run_scoped3A : memref<!tpu.dma_semaphore, #tpu.memory_space<semaphore_mem>>) src(%dma_wait3A_34 : memref<640xf32, #tpu.memory_space<vmem_shared>>) dst(%dma_wait3A_33 : memref<640xf32, #tpu.memory_space<hbm>>)
      tpu.yield
    }) : () -> ()
    return
  }
}

#map = affine_map<(d0, d1) -> (0, 0)>
#map1 = affine_map<(d0, d1) -> (0, 0, 0)>
module attributes {stable_mosaic.version = 14 : i64} {
  func.func @_scatter_body(%arg0: i32, %arg1: i32, %arg2: memref<10240x128xf32, #tpu.memory_space<hbm>>, %arg3: memref<2500x128xi32, #tpu.memory_space<hbm>>, %arg4: memref<2500x128xi32, #tpu.memory_space<hbm>>, %arg5: memref<2x10016x128xf32, #tpu.memory_space<hbm>>, %arg6: memref<10016x128xf32, #tpu.memory_space<vmem_shared>>, %arg7: memref<3x128x128xf32, #tpu.memory_space<vmem>>, %arg8: memref<6x128xi32, #tpu.memory_space<vmem>>, %arg9: memref<6x128xi32, #tpu.memory_space<vmem>>, %arg10: memref<3x!tpu.dma_semaphore, #tpu.memory_space<semaphore_mem>>, %arg11: memref<3x!tpu.dma_semaphore, #tpu.memory_space<semaphore_mem>>) attributes {dimension_semantics = [#tpu.dimension_semantics<core_parallel>, #tpu.dimension_semantics<subcore_parallel>], iteration_bounds = array<i64: 2, 16>, scalar_prefetch = 0 : i64, scratch_operands = 6 : i64, tpu.core_type = #tpu.core_type<sc_vector_subcore>, window_params = [{transform_indices = #map}, {transform_indices = #map}, {transform_indices = #map}, {transform_indices = #map1}]} {
    %mul3A = arith.constant 16 : i32
    %mul3A_0 = arith.muli %arg0, %mul3A : i32
    %add3A = arith.addi %mul3A_0, %arg1 : i32
    %mul3A_1 = arith.constant 78 : i32
    %mul3A_2 = arith.muli %mul3A_1, %add3A : i32
    %min3A = arith.constant 4 : i32
    %min3A_3 = arith.minsi %add3A, %min3A : i32
    %add3A_4 = arith.addi %mul3A_2, %min3A_3 : i32
    %scan3A = arith.constant 0 : i32
    %scan3A_5 = arith.constant 0 : i32
    %scan3A_6 = arith.constant 128 : i32
    %scan3A_7 = arith.addi %scan3A_5, %scan3A_6 : i32
    %scan3A_8 = arith.constant 1 : i32
    scf.for %scan3A_47 = %scan3A_5 to %scan3A_7 step %scan3A_8  : i32 {
      %broadcast_in_dim3A = arith.constant 0.000000e+00 : f32
      %broadcast_in_dim3A_48 = vector.broadcast %broadcast_in_dim3A : f32 to vector<16xf32>
      %swap3A = arith.constant 0 : i32
      %swap3A_49 = arith.index_cast %swap3A : i32 to index
      %swap3A_50 = arith.index_cast %scan3A_47 : i32 to index
      %swap3A_51 = arith.constant 0 : index
      %swap3A_52 = tpu.vector_load %arg7[%swap3A_49, %swap3A_50, %swap3A_51] {strides = array<i32>} : memref<3x128x128xf32, #tpu.memory_space<vmem>>, vector<1x1x16xf32>,
      %swap3A_53 = vector.shape_cast %swap3A_52 : vector<1x1x16xf32> to vector<16xf32>
      %swap3A_54 = vector.shape_cast %broadcast_in_dim3A_48 : vector<16xf32> to vector<1x1x16xf32>
      tpu.vector_store %arg7[%swap3A_49, %swap3A_50, %swap3A_51], %swap3A_54 {strides = array<i32>} : memref<3x128x128xf32, #tpu.memory_space<vmem>>, vector<1x1x16xf32>,
      %broadcast_in_dim3A_55 = arith.constant 0.000000e+00 : f32
      %broadcast_in_dim3A_56 = vector.broadcast %broadcast_in_dim3A_55 : f32 to vector<16xf32>
      %swap3A_57 = arith.constant 0 : i32
      %swap3A_58 = arith.index_cast %swap3A_57 : i32 to index
      %swap3A_59 = arith.index_cast %scan3A_47 : i32 to index
      %swap3A_60 = arith.constant 16 : index
      %swap3A_61 = tpu.vector_load %arg7[%swap3A_58, %swap3A_59, %swap3A_60] {strides = array<i32>} : memref<3x128x128xf32, #tpu.memory_space<vmem>>, vector<1x1x16xf32>,
      %swap3A_62 = vector.shape_cast %swap3A_61 : vector<1x1x16xf32> to vector<16xf32>
      %swap3A_63 = vector.shape_cast %broadcast_in_dim3A_56 : vector<16xf32> to vector<1x1x16xf32>
      tpu.vector_store %arg7[%swap3A_58, %swap3A_59, %swap3A_60], %swap3A_63 {strides = array<i32>} : memref<3x128x128xf32, #tpu.memory_space<vmem>>, vector<1x1x16xf32>,
      %broadcast_in_dim3A_64 = arith.constant 0.000000e+00 : f32
      %broadcast_in_dim3A_65 = vector.broadcast %broadcast_in_dim3A_64 : f32 to vector<16xf32>
      %swap3A_66 = arith.constant 0 : i32
      %swap3A_67 = arith.index_cast %swap3A_66 : i32 to index
      %swap3A_68 = arith.index_cast %scan3A_47 : i32 to index
      %swap3A_69 = arith.constant 32 : index
      %swap3A_70 = tpu.vector_load %arg7[%swap3A_67, %swap3A_68, %swap3A_69] {strides = array<i32>} : memref<3x128x128xf32, #tpu.memory_space<vmem>>, vector<1x1x16xf32>,
      %swap3A_71 = vector.shape_cast %swap3A_70 : vector<1x1x16xf32> to vector<16xf32>
      %swap3A_72 = vector.shape_cast %broadcast_in_dim3A_65 : vector<16xf32> to vector<1x1x16xf32>
      tpu.vector_store %arg7[%swap3A_67, %swap3A_68, %swap3A_69], %swap3A_72 {strides = array<i32>} : memref<3x128x128xf32, #tpu.memory_space<vmem>>, vector<1x1x16xf32>,
      %broadcast_in_dim3A_73 = arith.constant 0.000000e+00 : f32
      %broadcast_in_dim3A_74 = vector.broadcast %broadcast_in_dim3A_73 : f32 to vector<16xf32>
      %swap3A_75 = arith.constant 0 : i32
      %swap3A_76 = arith.index_cast %swap3A_75 : i32 to index
      %swap3A_77 = arith.index_cast %scan3A_47 : i32 to index
      %swap3A_78 = arith.constant 48 : index
      %swap3A_79 = tpu.vector_load %arg7[%swap3A_76, %swap3A_77, %swap3A_78] {strides = array<i32>} : memref<3x128x128xf32, #tpu.memory_space<vmem>>, vector<1x1x16xf32>,
      %swap3A_80 = vector.shape_cast %swap3A_79 : vector<1x1x16xf32> to vector<16xf32>
      %swap3A_81 = vector.shape_cast %broadcast_in_dim3A_74 : vector<16xf32> to vector<1x1x16xf32>
      tpu.vector_store %arg7[%swap3A_76, %swap3A_77, %swap3A_78], %swap3A_81 {strides = array<i32>} : memref<3x128x128xf32, #tpu.memory_space<vmem>>, vector<1x1x16xf32>,
      %broadcast_in_dim3A_82 = arith.constant 0.000000e+00 : f32
      %broadcast_in_dim3A_83 = vector.broadcast %broadcast_in_dim3A_82 : f32 to vector<16xf32>
      %swap3A_84 = arith.constant 0 : i32
      %swap3A_85 = arith.index_cast %swap3A_84 : i32 to index
      %swap3A_86 = arith.index_cast %scan3A_47 : i32 to index
      %swap3A_87 = arith.constant 64 : index
      %swap3A_88 = tpu.vector_load %arg7[%swap3A_85, %swap3A_86, %swap3A_87] {strides = array<i32>} : memref<3x128x128xf32, #tpu.memory_space<vmem>>, vector<1x1x16xf32>,
      %swap3A_89 = vector.shape_cast %swap3A_88 : vector<1x1x16xf32> to vector<16xf32>
      %swap3A_90 = vector.shape_cast %broadcast_in_dim3A_83 : vector<16xf32> to vector<1x1x16xf32>
      tpu.vector_store %arg7[%swap3A_85, %swap3A_86, %swap3A_87], %swap3A_90 {strides = array<i32>} : memref<3x128x128xf32, #tpu.memory_space<vmem>>, vector<1x1x16xf32>,
      %broadcast_in_dim3A_91 = arith.constant 0.000000e+00 : f32
      %broadcast_in_dim3A_92 = vector.broadcast %broadcast_in_dim3A_91 : f32 to vector<16xf32>
      %swap3A_93 = arith.constant 0 : i32
      %swap3A_94 = arith.index_cast %swap3A_93 : i32 to index
      %swap3A_95 = arith.index_cast %scan3A_47 : i32 to index
      %swap3A_96 = arith.constant 80 : index
      %swap3A_97 = tpu.vector_load %arg7[%swap3A_94, %swap3A_95, %swap3A_96] {strides = array<i32>} : memref<3x128x128xf32, #tpu.memory_space<vmem>>, vector<1x1x16xf32>,
      %swap3A_98 = vector.shape_cast %swap3A_97 : vector<1x1x16xf32> to vector<16xf32>
      %swap3A_99 = vector.shape_cast %broadcast_in_dim3A_92 : vector<16xf32> to vector<1x1x16xf32>
      tpu.vector_store %arg7[%swap3A_94, %swap3A_95, %swap3A_96], %swap3A_99 {strides = array<i32>} : memref<3x128x128xf32, #tpu.memory_space<vmem>>, vector<1x1x16xf32>,
      %broadcast_in_dim3A_100 = arith.constant 0.000000e+00 : f32
      %broadcast_in_dim3A_101 = vector.broadcast %broadcast_in_dim3A_100 : f32 to vector<16xf32>
      %swap3A_102 = arith.constant 0 : i32
      %swap3A_103 = arith.index_cast %swap3A_102 : i32 to index
      %swap3A_104 = arith.index_cast %scan3A_47 : i32 to index
      %swap3A_105 = arith.constant 96 : index
      %swap3A_106 = tpu.vector_load %arg7[%swap3A_103, %swap3A_104, %swap3A_105] {strides = array<i32>} : memref<3x128x128xf32, #tpu.memory_space<vmem>>, vector<1x1x16xf32>,
      %swap3A_107 = vector.shape_cast %swap3A_106 : vector<1x1x16xf32> to vector<16xf32>
      %swap3A_108 = vector.shape_cast %broadcast_in_dim3A_101 : vector<16xf32> to vector<1x1x16xf32>
      tpu.vector_store %arg7[%swap3A_103, %swap3A_104, %swap3A_105], %swap3A_108 {strides = array<i32>} : memref<3x128x128xf32, #tpu.memory_space<vmem>>, vector<1x1x16xf32>,
      %broadcast_in_dim3A_109 = arith.constant 0.000000e+00 : f32
      %broadcast_in_dim3A_110 = vector.broadcast %broadcast_in_dim3A_109 : f32 to vector<16xf32>
      %swap3A_111 = arith.constant 0 : i32
      %swap3A_112 = arith.index_cast %swap3A_111 : i32 to index
      %swap3A_113 = arith.index_cast %scan3A_47 : i32 to index
      %swap3A_114 = arith.constant 112 : index
      %swap3A_115 = tpu.vector_load %arg7[%swap3A_112, %swap3A_113, %swap3A_114] {strides = array<i32>} : memref<3x128x128xf32, #tpu.memory_space<vmem>>, vector<1x1x16xf32>,
      %swap3A_116 = vector.shape_cast %swap3A_115 : vector<1x1x16xf32> to vector<16xf32>
      %swap3A_117 = vector.shape_cast %broadcast_in_dim3A_110 : vector<16xf32> to vector<1x1x16xf32>
      tpu.vector_store %arg7[%swap3A_112, %swap3A_113, %swap3A_114], %swap3A_117 {strides = array<i32>} : memref<3x128x128xf32, #tpu.memory_space<vmem>>, vector<1x1x16xf32>,
    }
    %scan3A_9 = arith.constant 128 : i32
    %mul3A_10 = arith.constant 626 : i32
    %mul3A_11 = arith.muli %arg1, %mul3A_10 : i32
    %add3A_12 = arith.constant 0 : i32
    %add3A_13 = arith.addi %mul3A_11, %add3A_12 : i32
    %run_scoped3A = arith.constant 0 : i32
    "tpu.region"() ({
      %run_scoped3A_47 = tpu.sem_alloc : memref<!tpu.dma_semaphore, #tpu.memory_space<semaphore_mem>>
      %dma_start3A = arith.constant 0 : i32
      %dma_start3A_48 = arith.constant 0 : i32
      %dma_start3A_49 = tpu.memref_slice %arg7[%run_scoped3A, %dma_start3A, %dma_start3A_48] : memref<3x128x128xf32, #tpu.memory_space<vmem>> -> memref<1x128x128xf32, #tpu.memory_space<vmem>>
      %dma_start3A_50 = tpu.memref_squeeze %dma_start3A_49 : memref<1x128x128xf32, #tpu.memory_space<vmem>> -> memref<128x128xf32, #tpu.memory_space<vmem>>
      %dma_start3A_51 = arith.constant 0 : i32
      %dma_start3A_52 = tpu.memref_slice %arg6[%add3A_13, %dma_start3A_51] : memref<10016x128xf32, #tpu.memory_space<vmem_shared>> -> memref<128x128xf32, #tpu.memory_space<vmem_shared>>
      %dma_start3A_53 = arith.constant 0 : i32
      %dma_start3A_54 = tpu.memref_slice %arg6[%add3A_13, %dma_start3A_53] : memref<10016x128xf32, #tpu.memory_space<vmem_shared>> -> memref<128x128xf32, #tpu.memory_space<vmem_shared>>
      %dma_start3A_55 = arith.constant 0 : i32
      %dma_start3A_56 = arith.constant 0 : i32
      %dma_start3A_57 = tpu.memref_slice %arg7[%run_scoped3A, %dma_start3A_55, %dma_start3A_56] : memref<3x128x128xf32, #tpu.memory_space<vmem>> -> memref<1x128x128xf32, #tpu.memory_space<vmem>>
      %dma_start3A_58 = tpu.memref_squeeze %dma_start3A_57 : memref<1x128x128xf32, #tpu.memory_space<vmem>> -> memref<128x128xf32, #tpu.memory_space<vmem>>
      tpu.enqueue_dma source(%dma_start3A_58 : memref<128x128xf32, #tpu.memory_space<vmem>>) target(%dma_start3A_54 : memref<128x128xf32, #tpu.memory_space<vmem_shared>>) target_semaphore(%run_scoped3A_47 : memref<!tpu.dma_semaphore, #tpu.memory_space<semaphore_mem>>)
      %dma_wait3A = arith.constant 0 : i32
      %dma_wait3A_59 = arith.constant 0 : i32
      %dma_wait3A_60 = tpu.memref_slice %arg7[%run_scoped3A, %dma_wait3A, %dma_wait3A_59] : memref<3x128x128xf32, #tpu.memory_space<vmem>> -> memref<1x128x128xf32, #tpu.memory_space<vmem>>
      %dma_wait3A_61 = tpu.memref_squeeze %dma_wait3A_60 : memref<1x128x128xf32, #tpu.memory_space<vmem>> -> memref<128x128xf32, #tpu.memory_space<vmem>>
      %dma_wait3A_62 = arith.constant 0 : i32
      %dma_wait3A_63 = tpu.memref_slice %arg6[%add3A_13, %dma_wait3A_62] : memref<10016x128xf32, #tpu.memory_space<vmem_shared>> -> memref<128x128xf32, #tpu.memory_space<vmem_shared>>
      %dma_wait3A_64 = arith.constant 0 : i32
      %dma_wait3A_65 = tpu.memref_slice %arg6[%add3A_13, %dma_wait3A_64] : memref<10016x128xf32, #tpu.memory_space<vmem_shared>> -> memref<128x128xf32, #tpu.memory_space<vmem_shared>>
      %dma_wait3A_66 = arith.constant 0 : i32
      %dma_wait3A_67 = arith.constant 0 : i32
      %dma_wait3A_68 = tpu.memref_slice %arg7[%run_scoped3A, %dma_wait3A_66, %dma_wait3A_67] : memref<3x128x128xf32, #tpu.memory_space<vmem>> -> memref<1x128x128xf32, #tpu.memory_space<vmem>>
      %dma_wait3A_69 = tpu.memref_squeeze %dma_wait3A_68 : memref<1x128x128xf32, #tpu.memory_space<vmem>> -> memref<128x128xf32, #tpu.memory_space<vmem>>
      tpu.wait_dma2 semaphore(%run_scoped3A_47 : memref<!tpu.dma_semaphore, #tpu.memory_space<semaphore_mem>>) src(%dma_wait3A_69 : memref<128x128xf32, #tpu.memory_space<vmem>>) dst(%dma_wait3A_65 : memref<128x128xf32, #tpu.memory_space<vmem_shared>>)
      tpu.yield
    }) : () -> ()
    %mul3A_14 = arith.constant 626 : i32
    %mul3A_15 = arith.muli %arg1, %mul3A_14 : i32
    %add3A_16 = arith.constant 128 : i32
    %add3A_17 = arith.addi %mul3A_15, %add3A_16 : i32
    %run_scoped3A_18 = arith.constant 0 : i32
    "tpu.region"() ({
      %run_scoped3A_47 = tpu.sem_alloc : memref<!tpu.dma_semaphore, #tpu.memory_space<semaphore_mem>>
      %dma_start3A = arith.constant 0 : i32
      %dma_start3A_48 = arith.constant 0 : i32
      %dma_start3A_49 = tpu.memref_slice %arg7[%run_scoped3A_18, %dma_start3A, %dma_start3A_48] : memref<3x128x128xf32, #tpu.memory_space<vmem>> -> memref<1x128x128xf32, #tpu.memory_space<vmem>>
      %dma_start3A_50 = tpu.memref_squeeze %dma_start3A_49 : memref<1x128x128xf32, #tpu.memory_space<vmem>> -> memref<128x128xf32, #tpu.memory_space<vmem>>
      %dma_start3A_51 = arith.constant 0 : i32
      %dma_start3A_52 = tpu.memref_slice %arg6[%add3A_17, %dma_start3A_51] : memref<10016x128xf32, #tpu.memory_space<vmem_shared>> -> memref<128x128xf32, #tpu.memory_space<vmem_shared>>
      %dma_start3A_53 = arith.constant 0 : i32
      %dma_start3A_54 = tpu.memref_slice %arg6[%add3A_17, %dma_start3A_53] : memref<10016x128xf32, #tpu.memory_space<vmem_shared>> -> memref<128x128xf32, #tpu.memory_space<vmem_shared>>
      %dma_start3A_55 = arith.constant 0 : i32
      %dma_start3A_56 = arith.constant 0 : i32
      %dma_start3A_57 = tpu.memref_slice %arg7[%run_scoped3A_18, %dma_start3A_55, %dma_start3A_56] : memref<3x128x128xf32, #tpu.memory_space<vmem>> -> memref<1x128x128xf32, #tpu.memory_space<vmem>>
      %dma_start3A_58 = tpu.memref_squeeze %dma_start3A_57 : memref<1x128x128xf32, #tpu.memory_space<vmem>> -> memref<128x128xf32, #tpu.memory_space<vmem>>
      tpu.enqueue_dma source(%dma_start3A_58 : memref<128x128xf32, #tpu.memory_space<vmem>>) target(%dma_start3A_54 : memref<128x128xf32, #tpu.memory_space<vmem_shared>>) target_semaphore(%run_scoped3A_47 : memref<!tpu.dma_semaphore, #tpu.memory_space<semaphore_mem>>)
      %dma_wait3A = arith.constant 0 : i32
      %dma_wait3A_59 = arith.constant 0 : i32
      %dma_wait3A_60 = tpu.memref_slice %arg7[%run_scoped3A_18, %dma_wait3A, %dma_wait3A_59] : memref<3x128x128xf32, #tpu.memory_space<vmem>> -> memref<1x128x128xf32, #tpu.memory_space<vmem>>
      %dma_wait3A_61 = tpu.memref_squeeze %dma_wait3A_60 : memref<1x128x128xf32, #tpu.memory_space<vmem>> -> memref<128x128xf32, #tpu.memory_space<vmem>>
      %dma_wait3A_62 = arith.constant 0 : i32
      %dma_wait3A_63 = tpu.memref_slice %arg6[%add3A_17, %dma_wait3A_62] : memref<10016x128xf32, #tpu.memory_space<vmem_shared>> -> memref<128x128xf32, #tpu.memory_space<vmem_shared>>
      %dma_wait3A_64 = arith.constant 0 : i32
      %dma_wait3A_65 = tpu.memref_slice %arg6[%add3A_17, %dma_wait3A_64] : memref<10016x128xf32, #tpu.memory_space<vmem_shared>> -> memref<128x128xf32, #tpu.memory_space<vmem_shared>>
      %dma_wait3A_66 = arith.constant 0 : i32
      %dma_wait3A_67 = arith.constant 0 : i32
      %dma_wait3A_68 = tpu.memref_slice %arg7[%run_scoped3A_18, %dma_wait3A_66, %dma_wait3A_67] : memref<3x128x128xf32, #tpu.memory_space<vmem>> -> memref<1x128x128xf32, #tpu.memory_space<vmem>>
      %dma_wait3A_69 = tpu.memref_squeeze %dma_wait3A_68 : memref<1x128x128xf32, #tpu.memory_space<vmem>> -> memref<128x128xf32, #tpu.memory_space<vmem>>
      tpu.wait_dma2 semaphore(%run_scoped3A_47 : memref<!tpu.dma_semaphore, #tpu.memory_space<semaphore_mem>>) src(%dma_wait3A_69 : memref<128x128xf32, #tpu.memory_space<vmem>>) dst(%dma_wait3A_65 : memref<128x128xf32, #tpu.memory_space<vmem_shared>>)
      tpu.yield
    }) : () -> ()
    %mul3A_19 = arith.constant 626 : i32
    %mul3A_20 = arith.muli %arg1, %mul3A_19 : i32
    %add3A_21 = arith.constant 256 : i32
    %add3A_22 = arith.addi %mul3A_20, %add3A_21 : i32
    %run_scoped3A_23 = arith.constant 0 : i32
    "tpu.region"() ({
      %run_scoped3A_47 = tpu.sem_alloc : memref<!tpu.dma_semaphore, #tpu.memory_space<semaphore_mem>>
      %dma_start3A = arith.constant 0 : i32
      %dma_start3A_48 = arith.constant 0 : i32
      %dma_start3A_49 = tpu.memref_slice %arg7[%run_scoped3A_23, %dma_start3A, %dma_start3A_48] : memref<3x128x128xf32, #tpu.memory_space<vmem>> -> memref<1x128x128xf32, #tpu.memory_space<vmem>>
      %dma_start3A_50 = tpu.memref_squeeze %dma_start3A_49 : memref<1x128x128xf32, #tpu.memory_space<vmem>> -> memref<128x128xf32, #tpu.memory_space<vmem>>
      %dma_start3A_51 = arith.constant 0 : i32
      %dma_start3A_52 = tpu.memref_slice %arg6[%add3A_22, %dma_start3A_51] : memref<10016x128xf32, #tpu.memory_space<vmem_shared>> -> memref<128x128xf32, #tpu.memory_space<vmem_shared>>
      %dma_start3A_53 = arith.constant 0 : i32
      %dma_start3A_54 = tpu.memref_slice %arg6[%add3A_22, %dma_start3A_53] : memref<10016x128xf32, #tpu.memory_space<vmem_shared>> -> memref<128x128xf32, #tpu.memory_space<vmem_shared>>
      %dma_start3A_55 = arith.constant 0 : i32
      %dma_start3A_56 = arith.constant 0 : i32
      %dma_start3A_57 = tpu.memref_slice %arg7[%run_scoped3A_23, %dma_start3A_55, %dma_start3A_56] : memref<3x128x128xf32, #tpu.memory_space<vmem>> -> memref<1x128x128xf32, #tpu.memory_space<vmem>>
      %dma_start3A_58 = tpu.memref_squeeze %dma_start3A_57 : memref<1x128x128xf32, #tpu.memory_space<vmem>> -> memref<128x128xf32, #tpu.memory_space<vmem>>
      tpu.enqueue_dma source(%dma_start3A_58 : memref<128x128xf32, #tpu.memory_space<vmem>>) target(%dma_start3A_54 : memref<128x128xf32, #tpu.memory_space<vmem_shared>>) target_semaphore(%run_scoped3A_47 : memref<!tpu.dma_semaphore, #tpu.memory_space<semaphore_mem>>)
      %dma_wait3A = arith.constant 0 : i32
      %dma_wait3A_59 = arith.constant 0 : i32
      %dma_wait3A_60 = tpu.memref_slice %arg7[%run_scoped3A_23, %dma_wait3A, %dma_wait3A_59] : memref<3x128x128xf32, #tpu.memory_space<vmem>> -> memref<1x128x128xf32, #tpu.memory_space<vmem>>
      %dma_wait3A_61 = tpu.memref_squeeze %dma_wait3A_60 : memref<1x128x128xf32, #tpu.memory_space<vmem>> -> memref<128x128xf32, #tpu.memory_space<vmem>>
      %dma_wait3A_62 = arith.constant 0 : i32
      %dma_wait3A_63 = tpu.memref_slice %arg6[%add3A_22, %dma_wait3A_62] : memref<10016x128xf32, #tpu.memory_space<vmem_shared>> -> memref<128x128xf32, #tpu.memory_space<vmem_shared>>
      %dma_wait3A_64 = arith.constant 0 : i32
      %dma_wait3A_65 = tpu.memref_slice %arg6[%add3A_22, %dma_wait3A_64] : memref<10016x128xf32, #tpu.memory_space<vmem_shared>> -> memref<128x128xf32, #tpu.memory_space<vmem_shared>>
      %dma_wait3A_66 = arith.constant 0 : i32
      %dma_wait3A_67 = arith.constant 0 : i32
      %dma_wait3A_68 = tpu.memref_slice %arg7[%run_scoped3A_23, %dma_wait3A_66, %dma_wait3A_67] : memref<3x128x128xf32, #tpu.memory_space<vmem>> -> memref<1x128x128xf32, #tpu.memory_space<vmem>>
      %dma_wait3A_69 = tpu.memref_squeeze %dma_wait3A_68 : memref<1x128x128xf32, #tpu.memory_space<vmem>> -> memref<128x128xf32, #tpu.memory_space<vmem>>
      tpu.wait_dma2 semaphore(%run_scoped3A_47 : memref<!tpu.dma_semaphore, #tpu.memory_space<semaphore_mem>>) src(%dma_wait3A_69 : memref<128x128xf32, #tpu.memory_space<vmem>>) dst(%dma_wait3A_65 : memref<128x128xf32, #tpu.memory_space<vmem_shared>>)
      tpu.yield
    }) : () -> ()
    %mul3A_24 = arith.constant 626 : i32
    %mul3A_25 = arith.muli %arg1, %mul3A_24 : i32
    %add3A_26 = arith.constant 384 : i32
    %add3A_27 = arith.addi %mul3A_25, %add3A_26 : i32
    %run_scoped3A_28 = arith.constant 0 : i32
    "tpu.region"() ({
      %run_scoped3A_47 = tpu.sem_alloc : memref<!tpu.dma_semaphore, #tpu.memory_space<semaphore_mem>>
      %dma_start3A = arith.constant 0 : i32
      %dma_start3A_48 = arith.constant 0 : i32
      %dma_start3A_49 = tpu.memref_slice %arg7[%run_scoped3A_28, %dma_start3A, %dma_start3A_48] : memref<3x128x128xf32, #tpu.memory_space<vmem>> -> memref<1x128x128xf32, #tpu.memory_space<vmem>>
      %dma_start3A_50 = tpu.memref_squeeze %dma_start3A_49 : memref<1x128x128xf32, #tpu.memory_space<vmem>> -> memref<128x128xf32, #tpu.memory_space<vmem>>
      %dma_start3A_51 = arith.constant 0 : i32
      %dma_start3A_52 = tpu.memref_slice %arg6[%add3A_27, %dma_start3A_51] : memref<10016x128xf32, #tpu.memory_space<vmem_shared>> -> memref<128x128xf32, #tpu.memory_space<vmem_shared>>
      %dma_start3A_53 = arith.constant 0 : i32
      %dma_start3A_54 = tpu.memref_slice %arg6[%add3A_27, %dma_start3A_53] : memref<10016x128xf32, #tpu.memory_space<vmem_shared>> -> memref<128x128xf32, #tpu.memory_space<vmem_shared>>
      %dma_start3A_55 = arith.constant 0 : i32
      %dma_start3A_56 = arith.constant 0 : i32
      %dma_start3A_57 = tpu.memref_slice %arg7[%run_scoped3A_28, %dma_start3A_55, %dma_start3A_56] : memref<3x128x128xf32, #tpu.memory_space<vmem>> -> memref<1x128x128xf32, #tpu.memory_space<vmem>>
      %dma_start3A_58 = tpu.memref_squeeze %dma_start3A_57 : memref<1x128x128xf32, #tpu.memory_space<vmem>> -> memref<128x128xf32, #tpu.memory_space<vmem>>
      tpu.enqueue_dma source(%dma_start3A_58 : memref<128x128xf32, #tpu.memory_space<vmem>>) target(%dma_start3A_54 : memref<128x128xf32, #tpu.memory_space<vmem_shared>>) target_semaphore(%run_scoped3A_47 : memref<!tpu.dma_semaphore, #tpu.memory_space<semaphore_mem>>)
      %dma_wait3A = arith.constant 0 : i32
      %dma_wait3A_59 = arith.constant 0 : i32
      %dma_wait3A_60 = tpu.memref_slice %arg7[%run_scoped3A_28, %dma_wait3A, %dma_wait3A_59] : memref<3x128x128xf32, #tpu.memory_space<vmem>> -> memref<1x128x128xf32, #tpu.memory_space<vmem>>
      %dma_wait3A_61 = tpu.memref_squeeze %dma_wait3A_60 : memref<1x128x128xf32, #tpu.memory_space<vmem>> -> memref<128x128xf32, #tpu.memory_space<vmem>>
      %dma_wait3A_62 = arith.constant 0 : i32
      %dma_wait3A_63 = tpu.memref_slice %arg6[%add3A_27, %dma_wait3A_62] : memref<10016x128xf32, #tpu.memory_space<vmem_shared>> -> memref<128x128xf32, #tpu.memory_space<vmem_shared>>
      %dma_wait3A_64 = arith.constant 0 : i32
      %dma_wait3A_65 = tpu.memref_slice %arg6[%add3A_27, %dma_wait3A_64] : memref<10016x128xf32, #tpu.memory_space<vmem_shared>> -> memref<128x128xf32, #tpu.memory_space<vmem_shared>>
      %dma_wait3A_66 = arith.constant 0 : i32
      %dma_wait3A_67 = arith.constant 0 : i32
      %dma_wait3A_68 = tpu.memref_slice %arg7[%run_scoped3A_28, %dma_wait3A_66, %dma_wait3A_67] : memref<3x128x128xf32, #tpu.memory_space<vmem>> -> memref<1x128x128xf32, #tpu.memory_space<vmem>>
      %dma_wait3A_69 = tpu.memref_squeeze %dma_wait3A_68 : memref<1x128x128xf32, #tpu.memory_space<vmem>> -> memref<128x128xf32, #tpu.memory_space<vmem>>
      tpu.wait_dma2 semaphore(%run_scoped3A_47 : memref<!tpu.dma_semaphore, #tpu.memory_space<semaphore_mem>>) src(%dma_wait3A_69 : memref<128x128xf32, #tpu.memory_space<vmem>>) dst(%dma_wait3A_65 : memref<128x128xf32, #tpu.memory_space<vmem_shared>>)
      tpu.yield
    }) : () -> ()
    %mul3A_29 = arith.constant 626 : i32
    %mul3A_30 = arith.muli %arg1, %mul3A_29 : i32
    %add3A_31 = arith.constant 512 : i32
    %add3A_32 = arith.addi %mul3A_30, %add3A_31 : i32
    %run_scoped3A_33 = arith.constant 0 : i32
    "tpu.region"() ({
      %run_scoped3A_47 = tpu.sem_alloc : memref<!tpu.dma_semaphore, #tpu.memory_space<semaphore_mem>>
      %dma_start3A = arith.constant 0 : i32
      %dma_start3A_48 = arith.constant 0 : i32
      %dma_start3A_49 = tpu.memref_slice %arg7[%run_scoped3A_33, %dma_start3A, %dma_start3A_48] : memref<3x128x128xf32, #tpu.memory_space<vmem>> -> memref<1x114x128xf32, #tpu.memory_space<vmem>>
      %dma_start3A_50 = tpu.memref_squeeze %dma_start3A_49 : memref<1x114x128xf32, #tpu.memory_space<vmem>> -> memref<114x128xf32, #tpu.memory_space<vmem>>
      %dma_start3A_51 = arith.constant 0 : i32
      %dma_start3A_52 = tpu.memref_slice %arg6[%add3A_32, %dma_start3A_51] : memref<10016x128xf32, #tpu.memory_space<vmem_shared>> -> memref<114x128xf32, #tpu.memory_space<vmem_shared>>
      %dma_start3A_53 = arith.constant 0 : i32
      %dma_start3A_54 = tpu.memref_slice %arg6[%add3A_32, %dma_start3A_53] : memref<10016x128xf32, #tpu.memory_space<vmem_shared>> -> memref<114x128xf32, #tpu.memory_space<vmem_shared>>
      %dma_start3A_55 = arith.constant 0 : i32
      %dma_start3A_56 = arith.constant 0 : i32
      %dma_start3A_57 = tpu.memref_slice %arg7[%run_scoped3A_33, %dma_start3A_55, %dma_start3A_56] : memref<3x128x128xf32, #tpu.memory_space<vmem>> -> memref<1x114x128xf32, #tpu.memory_space<vmem>>
      %dma_start3A_58 = tpu.memref_squeeze %dma_start3A_57 : memref<1x114x128xf32, #tpu.memory_space<vmem>> -> memref<114x128xf32, #tpu.memory_space<vmem>>
      tpu.enqueue_dma source(%dma_start3A_58 : memref<114x128xf32, #tpu.memory_space<vmem>>) target(%dma_start3A_54 : memref<114x128xf32, #tpu.memory_space<vmem_shared>>) target_semaphore(%run_scoped3A_47 : memref<!tpu.dma_semaphore, #tpu.memory_space<semaphore_mem>>)
      %dma_wait3A = arith.constant 0 : i32
      %dma_wait3A_59 = arith.constant 0 : i32
      %dma_wait3A_60 = tpu.memref_slice %arg7[%run_scoped3A_33, %dma_wait3A, %dma_wait3A_59] : memref<3x128x128xf32, #tpu.memory_space<vmem>> -> memref<1x114x128xf32, #tpu.memory_space<vmem>>
      %dma_wait3A_61 = tpu.memref_squeeze %dma_wait3A_60 : memref<1x114x128xf32, #tpu.memory_space<vmem>> -> memref<114x128xf32, #tpu.memory_space<vmem>>
      %dma_wait3A_62 = arith.constant 0 : i32
      %dma_wait3A_63 = tpu.memref_slice %arg6[%add3A_32, %dma_wait3A_62] : memref<10016x128xf32, #tpu.memory_space<vmem_shared>> -> memref<114x128xf32, #tpu.memory_space<vmem_shared>>
      %dma_wait3A_64 = arith.constant 0 : i32
      %dma_wait3A_65 = tpu.memref_slice %arg6[%add3A_32, %dma_wait3A_64] : memref<10016x128xf32, #tpu.memory_space<vmem_shared>> -> memref<114x128xf32, #tpu.memory_space<vmem_shared>>
      %dma_wait3A_66 = arith.constant 0 : i32
      %dma_wait3A_67 = arith.constant 0 : i32
      %dma_wait3A_68 = tpu.memref_slice %arg7[%run_scoped3A_33, %dma_wait3A_66, %dma_wait3A_67] : memref<3x128x128xf32, #tpu.memory_space<vmem>> -> memref<1x114x128xf32, #tpu.memory_space<vmem>>
      %dma_wait3A_69 = tpu.memref_squeeze %dma_wait3A_68 : memref<1x114x128xf32, #tpu.memory_space<vmem>> -> memref<114x128xf32, #tpu.memory_space<vmem>>
      tpu.wait_dma2 semaphore(%run_scoped3A_47 : memref<!tpu.dma_semaphore, #tpu.memory_space<semaphore_mem>>) src(%dma_wait3A_69 : memref<114x128xf32, #tpu.memory_space<vmem>>) dst(%dma_wait3A_65 : memref<114x128xf32, #tpu.memory_space<vmem_shared>>)
      tpu.yield
    }) : () -> ()
    %barrier3A = arith.constant 0 : index
    tpu.barrier barrier_id(%barrier3A)
    %scan3A_34 = arith.constant 0 : i32
    %scan3A_35 = arith.constant 0 : i32
    %scan3A_36 = arith.constant 13 : i32
    %scan3A_37 = arith.addi %scan3A_35, %scan3A_36 : i32
    %scan3A_38 = arith.constant 1 : i32
    scf.for %scan3A_47 = %scan3A_35 to %scan3A_37 step %scan3A_38  : i32 {
      %mul3A_48 = arith.constant 6 : i32
      %mul3A_49 = arith.muli %scan3A_47, %mul3A_48 : i32
      %add3A_50 = arith.addi %add3A_4, %mul3A_49 : i32
      "tpu.region"() ({
        %run_scoped3A_130 = tpu.sem_alloc : memref<!tpu.dma_semaphore, #tpu.memory_space<semaphore_mem>>
        %dma_start3A_131 = arith.constant 0 : i32
        %dma_start3A_132 = arith.constant 0 : i32
        %dma_start3A_133 = tpu.memref_slice %arg8[%dma_start3A_131, %dma_start3A_132] : memref<6x128xi32, #tpu.memory_space<vmem>> -> memref<6x128xi32, #tpu.memory_space<vmem>>
        %dma_start3A_134 = arith.constant 0 : i32
        %dma_start3A_135 = tpu.memref_slice %arg3[%add3A_50, %dma_start3A_134] : memref<2500x128xi32, #tpu.memory_space<hbm>> -> memref<6x128xi32, #tpu.memory_space<hbm>>
        %dma_start3A_136 = arith.constant 0 : i32
        %dma_start3A_137 = arith.constant 0 : i32
        %dma_start3A_138 = tpu.memref_slice %arg8[%dma_start3A_136, %dma_start3A_137] : memref<6x128xi32, #tpu.memory_space<vmem>> -> memref<6x128xi32, #tpu.memory_space<vmem>>
        %dma_start3A_139 = arith.constant 0 : i32
        %dma_start3A_140 = tpu.memref_slice %arg3[%add3A_50, %dma_start3A_139] : memref<2500x128xi32, #tpu.memory_space<hbm>> -> memref<6x128xi32, #tpu.memory_space<hbm>>
        tpu.enqueue_dma source(%dma_start3A_140 : memref<6x128xi32, #tpu.memory_space<hbm>>) target(%dma_start3A_138 : memref<6x128xi32, #tpu.memory_space<vmem>>) target_semaphore(%run_scoped3A_130 : memref<!tpu.dma_semaphore, #tpu.memory_space<semaphore_mem>>)
        %dma_wait3A_141 = arith.constant 0 : i32
        %dma_wait3A_142 = arith.constant 0 : i32
        %dma_wait3A_143 = tpu.memref_slice %arg8[%dma_wait3A_141, %dma_wait3A_142] : memref<6x128xi32, #tpu.memory_space<vmem>> -> memref<6x128xi32, #tpu.memory_space<vmem>>
        %dma_wait3A_144 = arith.constant 0 : i32
        %dma_wait3A_145 = tpu.memref_slice %arg3[%add3A_50, %dma_wait3A_144] : memref<2500x128xi32, #tpu.memory_space<hbm>> -> memref<6x128xi32, #tpu.memory_space<hbm>>
        %dma_wait3A_146 = arith.constant 0 : i32
        %dma_wait3A_147 = arith.constant 0 : i32
        %dma_wait3A_148 = tpu.memref_slice %arg8[%dma_wait3A_146, %dma_wait3A_147] : memref<6x128xi32, #tpu.memory_space<vmem>> -> memref<6x128xi32, #tpu.memory_space<vmem>>
        %dma_wait3A_149 = arith.constant 0 : i32
        %dma_wait3A_150 = tpu.memref_slice %arg3[%add3A_50, %dma_wait3A_149] : memref<2500x128xi32, #tpu.memory_space<hbm>> -> memref<6x128xi32, #tpu.memory_space<hbm>>
        tpu.wait_dma2 semaphore(%run_scoped3A_130 : memref<!tpu.dma_semaphore, #tpu.memory_space<semaphore_mem>>) src(%dma_wait3A_150 : memref<6x128xi32, #tpu.memory_space<hbm>>) dst(%dma_wait3A_148 : memref<6x128xi32, #tpu.memory_space<vmem>>)
        tpu.yield
      }) : () -> ()
      "tpu.region"() ({
        %run_scoped3A_130 = tpu.sem_alloc : memref<!tpu.dma_semaphore, #tpu.memory_space<semaphore_mem>>
        %dma_start3A_131 = arith.constant 0 : i32
        %dma_start3A_132 = arith.constant 0 : i32
        %dma_start3A_133 = tpu.memref_slice %arg9[%dma_start3A_131, %dma_start3A_132] : memref<6x128xi32, #tpu.memory_space<vmem>> -> memref<6x128xi32, #tpu.memory_space<vmem>>
        %dma_start3A_134 = arith.constant 0 : i32
        %dma_start3A_135 = tpu.memref_slice %arg4[%add3A_50, %dma_start3A_134] : memref<2500x128xi32, #tpu.memory_space<hbm>> -> memref<6x128xi32, #tpu.memory_space<hbm>>
        %dma_start3A_136 = arith.constant 0 : i32
        %dma_start3A_137 = arith.constant 0 : i32
        %dma_start3A_138 = tpu.memref_slice %arg9[%dma_start3A_136, %dma_start3A_137] : memref<6x128xi32, #tpu.memory_space<vmem>> -> memref<6x128xi32, #tpu.memory_space<vmem>>
        %dma_start3A_139 = arith.constant 0 : i32
        %dma_start3A_140 = tpu.memref_slice %arg4[%add3A_50, %dma_start3A_139] : memref<2500x128xi32, #tpu.memory_space<hbm>> -> memref<6x128xi32, #tpu.memory_space<hbm>>
        tpu.enqueue_dma source(%dma_start3A_140 : memref<6x128xi32, #tpu.memory_space<hbm>>) target(%dma_start3A_138 : memref<6x128xi32, #tpu.memory_space<vmem>>) target_semaphore(%run_scoped3A_130 : memref<!tpu.dma_semaphore, #tpu.memory_space<semaphore_mem>>)
        %dma_wait3A_141 = arith.constant 0 : i32
        %dma_wait3A_142 = arith.constant 0 : i32
        %dma_wait3A_143 = tpu.memref_slice %arg9[%dma_wait3A_141, %dma_wait3A_142] : memref<6x128xi32, #tpu.memory_space<vmem>> -> memref<6x128xi32, #tpu.memory_space<vmem>>
        %dma_wait3A_144 = arith.constant 0 : i32
        %dma_wait3A_145 = tpu.memref_slice %arg4[%add3A_50, %dma_wait3A_144] : memref<2500x128xi32, #tpu.memory_space<hbm>> -> memref<6x128xi32, #tpu.memory_space<hbm>>
        %dma_wait3A_146 = arith.constant 0 : i32
        %dma_wait3A_147 = arith.constant 0 : i32
        %dma_wait3A_148 = tpu.memref_slice %arg9[%dma_wait3A_146, %dma_wait3A_147] : memref<6x128xi32, #tpu.memory_space<vmem>> -> memref<6x128xi32, #tpu.memory_space<vmem>>
        %dma_wait3A_149 = arith.constant 0 : i32
        %dma_wait3A_150 = tpu.memref_slice %arg4[%add3A_50, %dma_wait3A_149] : memref<2500x128xi32, #tpu.memory_space<hbm>> -> memref<6x128xi32, #tpu.memory_space<hbm>>
        tpu.wait_dma2 semaphore(%run_scoped3A_130 : memref<!tpu.dma_semaphore, #tpu.memory_space<semaphore_mem>>) src(%dma_wait3A_150 : memref<6x128xi32, #tpu.memory_space<hbm>>) dst(%dma_wait3A_148 : memref<6x128xi32, #tpu.memory_space<vmem>>)
        tpu.yield
      }) : () -> ()
      %dma_start3A = arith.constant 0 : i32
      %dma_start3A_51 = arith.constant 0 : i32
      %dma_start3A_52 = arith.constant 0 : i32
      %dma_start3A_53 = arith.constant 0 : i32
      %dma_start3A_54 = arith.constant 0 : i32
      %dma_start3A_55 = tpu.memref_slice %arg7[%dma_start3A_51, %dma_start3A_53, %dma_start3A_54] : memref<3x128x128xf32, #tpu.memory_space<vmem>> -> memref<1x128x128xf32, #tpu.memory_space<vmem>>
      %dma_start3A_56 = tpu.memref_squeeze %dma_start3A_55 : memref<1x128x128xf32, #tpu.memory_space<vmem>> -> memref<128x128xf32, #tpu.memory_space<vmem>>
      %dma_start3A_57 = arith.constant 0 : i32
      %dma_start3A_58 = tpu.memref_slice %arg8[%dma_start3A, %dma_start3A_57] : memref<6x128xi32, #tpu.memory_space<vmem>> -> memref<1x128xi32, #tpu.memory_space<vmem>>
      %dma_start3A_59 = tpu.memref_squeeze %dma_start3A_58 : memref<1x128xi32, #tpu.memory_space<vmem>> -> memref<128xi32, #tpu.memory_space<vmem>>
      %dma_start3A_60 = arith.constant 0 : i32
      %dma_start3A_61 = arith.constant 0 : i32
      %dma_start3A_62 = tpu.memref_slice %arg2[%dma_start3A_60, %dma_start3A_61] : memref<10240x128xf32, #tpu.memory_space<hbm>> -> memref<10240x128xf32, #tpu.memory_space<hbm>>
      %dma_start3A_63 = tpu.memref_slice %arg10[%dma_start3A_52] : memref<3x!tpu.dma_semaphore, #tpu.memory_space<semaphore_mem>> -> memref<1x!tpu.dma_semaphore, #tpu.memory_space<semaphore_mem>>
      %dma_start3A_64 = tpu.memref_squeeze %dma_start3A_63 : memref<1x!tpu.dma_semaphore, #tpu.memory_space<semaphore_mem>> -> memref<!tpu.dma_semaphore, #tpu.memory_space<semaphore_mem>>
      tpu.enqueue_indirect_dma source(%dma_start3A_62 : memref<10240x128xf32, #tpu.memory_space<hbm>>) target(%dma_start3A_56 : memref<128x128xf32, #tpu.memory_space<vmem>>) offsets(%dma_start3A_59 : memref<128xi32, #tpu.memory_space<vmem>>) semaphore(%dma_start3A_64 : memref<!tpu.dma_semaphore, #tpu.memory_space<semaphore_mem>>)
      %dma_start3A_65 = arith.constant 1 : i32
      %dma_start3A_66 = arith.constant 1 : i32
      %dma_start3A_67 = arith.constant 1 : i32
      %dma_start3A_68 = arith.constant 0 : i32
      %dma_start3A_69 = arith.constant 0 : i32
      %dma_start3A_70 = tpu.memref_slice %arg7[%dma_start3A_66, %dma_start3A_68, %dma_start3A_69] : memref<3x128x128xf32, #tpu.memory_space<vmem>> -> memref<1x128x128xf32, #tpu.memory_space<vmem>>
      %dma_start3A_71 = tpu.memref_squeeze %dma_start3A_70 : memref<1x128x128xf32, #tpu.memory_space<vmem>> -> memref<128x128xf32, #tpu.memory_space<vmem>>
      %dma_start3A_72 = arith.constant 0 : i32
      %dma_start3A_73 = tpu.memref_slice %arg8[%dma_start3A_65, %dma_start3A_72] : memref<6x128xi32, #tpu.memory_space<vmem>> -> memref<1x128xi32, #tpu.memory_space<vmem>>
      %dma_start3A_74 = tpu.memref_squeeze %dma_start3A_73 : memref<1x128xi32, #tpu.memory_space<vmem>> -> memref<128xi32, #tpu.memory_space<vmem>>
      %dma_start3A_75 = arith.constant 0 : i32
      %dma_start3A_76 = arith.constant 0 : i32
      %dma_start3A_77 = tpu.memref_slice %arg2[%dma_start3A_75, %dma_start3A_76] : memref<10240x128xf32, #tpu.memory_space<hbm>> -> memref<10240x128xf32, #tpu.memory_space<hbm>>
      %dma_start3A_78 = tpu.memref_slice %arg10[%dma_start3A_67] : memref<3x!tpu.dma_semaphore, #tpu.memory_space<semaphore_mem>> -> memref<1x!tpu.dma_semaphore, #tpu.memory_space<semaphore_mem>>
      %dma_start3A_79 = tpu.memref_squeeze %dma_start3A_78 : memref<1x!tpu.dma_semaphore, #tpu.memory_space<semaphore_mem>> -> memref<!tpu.dma_semaphore, #tpu.memory_space<semaphore_mem>>
      tpu.enqueue_indirect_dma source(%dma_start3A_77 : memref<10240x128xf32, #tpu.memory_space<hbm>>) target(%dma_start3A_71 : memref<128x128xf32, #tpu.memory_space<vmem>>) offsets(%dma_start3A_74 : memref<128xi32, #tpu.memory_space<vmem>>) semaphore(%dma_start3A_79 : memref<!tpu.dma_semaphore, #tpu.memory_space<semaphore_mem>>)
      %scan3A_80 = arith.constant 0 : i32
      %scan3A_81 = arith.constant 0 : i32
      %scan3A_82 = arith.constant 6 : i32
      %scan3A_83 = arith.addi %scan3A_81, %scan3A_82 : i32
      %scan3A_84 = arith.constant 1 : i32
      scf.for %scan3A_130 = %scan3A_81 to %scan3A_83 step %scan3A_84  : i32 {
        %rem3A = arith.constant 3 : i32
        %rem3A_131 = arith.remsi %scan3A_130, %rem3A : i32
        %dma_wait3A_132 = arith.constant 0 : i32
        %dma_wait3A_133 = arith.constant 0 : i32
        %dma_wait3A_134 = tpu.memref_slice %arg7[%rem3A_131, %dma_wait3A_132, %dma_wait3A_133] : memref<3x128x128xf32, #tpu.memory_space<vmem>> -> memref<1x128x128xf32, #tpu.memory_space<vmem>>
        %dma_wait3A_135 = tpu.memref_squeeze %dma_wait3A_134 : memref<1x128x128xf32, #tpu.memory_space<vmem>> -> memref<128x128xf32, #tpu.memory_space<vmem>>
        %dma_wait3A_136 = arith.constant 0 : i32
        %dma_wait3A_137 = tpu.memref_slice %arg8[%scan3A_130, %dma_wait3A_136] : memref<6x128xi32, #tpu.memory_space<vmem>> -> memref<1x128xi32, #tpu.memory_space<vmem>>
        %dma_wait3A_138 = tpu.memref_squeeze %dma_wait3A_137 : memref<1x128xi32, #tpu.memory_space<vmem>> -> memref<128xi32, #tpu.memory_space<vmem>>
        %dma_wait3A_139 = arith.constant 0 : i32
        %dma_wait3A_140 = arith.constant 0 : i32
        %dma_wait3A_141 = tpu.memref_slice %arg2[%dma_wait3A_139, %dma_wait3A_140] : memref<10240x128xf32, #tpu.memory_space<hbm>> -> memref<10240x128xf32, #tpu.memory_space<hbm>>
        %dma_wait3A_142 = tpu.memref_slice %arg10[%rem3A_131] : memref<3x!tpu.dma_semaphore, #tpu.memory_space<semaphore_mem>> -> memref<1x!tpu.dma_semaphore, #tpu.memory_space<semaphore_mem>>
        %dma_wait3A_143 = tpu.memref_squeeze %dma_wait3A_142 : memref<1x!tpu.dma_semaphore, #tpu.memory_space<semaphore_mem>> -> memref<!tpu.dma_semaphore, #tpu.memory_space<semaphore_mem>>
        tpu.wait_indirect_dma semaphore(%dma_wait3A_143 : memref<!tpu.dma_semaphore, #tpu.memory_space<semaphore_mem>>) src(%dma_wait3A_141 : memref<10240x128xf32, #tpu.memory_space<hbm>>) dst(%dma_wait3A_135 : memref<128x128xf32, #tpu.memory_space<vmem>>)
        %dma_start3A_144 = arith.constant 0 : i32
        %dma_start3A_145 = arith.constant 0 : i32
        %dma_start3A_146 = tpu.memref_slice %arg7[%rem3A_131, %dma_start3A_144, %dma_start3A_145] : memref<3x128x128xf32, #tpu.memory_space<vmem>> -> memref<1x128x128xf32, #tpu.memory_space<vmem>>
        %dma_start3A_147 = tpu.memref_squeeze %dma_start3A_146 : memref<1x128x128xf32, #tpu.memory_space<vmem>> -> memref<128x128xf32, #tpu.memory_space<vmem>>
        %dma_start3A_148 = arith.constant 0 : i32
        %dma_start3A_149 = tpu.memref_slice %arg9[%scan3A_130, %dma_start3A_148] : memref<6x128xi32, #tpu.memory_space<vmem>> -> memref<1x128xi32, #tpu.memory_space<vmem>>
        %dma_start3A_150 = tpu.memref_squeeze %dma_start3A_149 : memref<1x128xi32, #tpu.memory_space<vmem>> -> memref<128xi32, #tpu.memory_space<vmem>>
        %dma_start3A_151 = arith.constant 0 : i32
        %dma_start3A_152 = arith.constant 0 : i32
        %dma_start3A_153 = tpu.memref_slice %arg6[%dma_start3A_151, %dma_start3A_152] : memref<10016x128xf32, #tpu.memory_space<vmem_shared>> -> memref<10016x128xf32, #tpu.memory_space<vmem_shared>>
        %dma_start3A_154 = tpu.memref_slice %arg11[%rem3A_131] : memref<3x!tpu.dma_semaphore, #tpu.memory_space<semaphore_mem>> -> memref<1x!tpu.dma_semaphore, #tpu.memory_space<semaphore_mem>>
        %dma_start3A_155 = tpu.memref_squeeze %dma_start3A_154 : memref<1x!tpu.dma_semaphore, #tpu.memory_space<semaphore_mem>> -> memref<!tpu.dma_semaphore, #tpu.memory_space<semaphore_mem>>
        tpu.enqueue_indirect_dma source(%dma_start3A_147 : memref<128x128xf32, #tpu.memory_space<vmem>>) target(%dma_start3A_153 : memref<10016x128xf32, #tpu.memory_space<vmem_shared>>) offsets(%dma_start3A_150 : memref<128xi32, #tpu.memory_space<vmem>>) semaphore(%dma_start3A_155 : memref<!tpu.dma_semaphore, #tpu.memory_space<semaphore_mem>>) {add = true}
        %add3A_156 = arith.constant 2 : i32
        %add3A_157 = arith.addi %scan3A_130, %add3A_156 : i32
        %lt3A_158 = arith.constant 6 : i32
        %lt3A_159 = arith.cmpi slt, %add3A_157, %lt3A_158 : i32
        %convert_element_type3A_160 = arith.extui %lt3A_159 : i1 to i32
        %cond3A_161 = arith.constant 0 : i32
        %cond3A_162 = arith.cmpi ne, %convert_element_type3A_160, %cond3A_161 : i32
        scf.if %cond3A_162 {
          %add3A_163 = arith.constant 2 : i32
          %add3A_164 = arith.addi %scan3A_130, %add3A_163 : i32
          %rem3A_165 = arith.constant 3 : i32
          %rem3A_166 = arith.remsi %add3A_164, %rem3A_165 : i32
          %ge3A = arith.constant 1 : i32
          %ge3A_167 = arith.cmpi sge, %scan3A_130, %ge3A : i32
          %convert_element_type3A_168 = arith.extui %ge3A_167 : i1 to i32
          %cond3A_169 = arith.constant 0 : i32
          %cond3A_170 = arith.cmpi ne, %convert_element_type3A_168, %cond3A_169 : i32
          scf.if %cond3A_170 {
            %dma_wait3A_185 = arith.constant 0 : i32
            %dma_wait3A_186 = arith.constant 0 : i32
            %dma_wait3A_187 = tpu.memref_slice %arg7[%rem3A_166, %dma_wait3A_185, %dma_wait3A_186] : memref<3x128x128xf32, #tpu.memory_space<vmem>> -> memref<1x128x128xf32, #tpu.memory_space<vmem>>
            %dma_wait3A_188 = tpu.memref_squeeze %dma_wait3A_187 : memref<1x128x128xf32, #tpu.memory_space<vmem>> -> memref<128x128xf32, #tpu.memory_space<vmem>>
            %dma_wait3A_189 = arith.constant 0 : i32
            %dma_wait3A_190 = tpu.memref_slice %arg9[%scan3A_130, %dma_wait3A_189] : memref<6x128xi32, #tpu.memory_space<vmem>> -> memref<1x128xi32, #tpu.memory_space<vmem>>
            %dma_wait3A_191 = tpu.memref_squeeze %dma_wait3A_190 : memref<1x128xi32, #tpu.memory_space<vmem>> -> memref<128xi32, #tpu.memory_space<vmem>>
            %dma_wait3A_192 = arith.constant 0 : i32
            %dma_wait3A_193 = arith.constant 0 : i32
            %dma_wait3A_194 = tpu.memref_slice %arg6[%dma_wait3A_192, %dma_wait3A_193] : memref<10016x128xf32, #tpu.memory_space<vmem_shared>> -> memref<10016x128xf32, #tpu.memory_space<vmem_shared>>
            %dma_wait3A_195 = tpu.memref_slice %arg11[%rem3A_166] : memref<3x!tpu.dma_semaphore, #tpu.memory_space<semaphore_mem>> -> memref<1x!tpu.dma_semaphore, #tpu.memory_space<semaphore_mem>>
            %dma_wait3A_196 = tpu.memref_squeeze %dma_wait3A_195 : memref<1x!tpu.dma_semaphore, #tpu.memory_space<semaphore_mem>> -> memref<!tpu.dma_semaphore, #tpu.memory_space<semaphore_mem>>
            tpu.wait_indirect_dma semaphore(%dma_wait3A_196 : memref<!tpu.dma_semaphore, #tpu.memory_space<semaphore_mem>>) src(%dma_wait3A_188 : memref<128x128xf32, #tpu.memory_space<vmem>>) dst(%dma_wait3A_194 : memref<10016x128xf32, #tpu.memory_space<vmem_shared>>)
          } else {
          }
          %add3A_171 = arith.constant 2 : i32
          %add3A_172 = arith.addi %scan3A_130, %add3A_171 : i32
          %dma_start3A_173 = arith.constant 0 : i32
          %dma_start3A_174 = arith.constant 0 : i32
          %dma_start3A_175 = tpu.memref_slice %arg7[%rem3A_166, %dma_start3A_173, %dma_start3A_174] : memref<3x128x128xf32, #tpu.memory_space<vmem>> -> memref<1x128x128xf32, #tpu.memory_space<vmem>>
          %dma_start3A_176 = tpu.memref_squeeze %dma_start3A_175 : memref<1x128x128xf32, #tpu.memory_space<vmem>> -> memref<128x128xf32, #tpu.memory_space<vmem>>
          %dma_start3A_177 = arith.constant 0 : i32
          %dma_start3A_178 = tpu.memref_slice %arg8[%add3A_172, %dma_start3A_177] : memref<6x128xi32, #tpu.memory_space<vmem>> -> memref<1x128xi32, #tpu.memory_space<vmem>>
          %dma_start3A_179 = tpu.memref_squeeze %dma_start3A_178 : memref<1x128xi32, #tpu.memory_space<vmem>> -> memref<128xi32, #tpu.memory_space<vmem>>
          %dma_start3A_180 = arith.constant 0 : i32
          %dma_start3A_181 = arith.constant 0 : i32
          %dma_start3A_182 = tpu.memref_slice %arg2[%dma_start3A_180, %dma_start3A_181] : memref<10240x128xf32, #tpu.memory_space<hbm>> -> memref<10240x128xf32, #tpu.memory_space<hbm>>
          %dma_start3A_183 = tpu.memref_slice %arg10[%rem3A_166] : memref<3x!tpu.dma_semaphore, #tpu.memory_space<semaphore_mem>> -> memref<1x!tpu.dma_semaphore, #tpu.memory_space<semaphore_mem>>
          %dma_start3A_184 = tpu.memref_squeeze %dma_start3A_183 : memref<1x!tpu.dma_semaphore, #tpu.memory_space<semaphore_mem>> -> memref<!tpu.dma_semaphore, #tpu.memory_space<semaphore_mem>>
          tpu.enqueue_indirect_dma source(%dma_start3A_182 : memref<10240x128xf32, #tpu.memory_space<hbm>>) target(%dma_start3A_176 : memref<128x128xf32, #tpu.memory_space<vmem>>) offsets(%dma_start3A_179 : memref<128xi32, #tpu.memory_space<vmem>>) semaphore(%dma_start3A_184 : memref<!tpu.dma_semaphore, #tpu.memory_space<semaphore_mem>>)
        } else {
        }
      }
      %scan3A_85 = arith.constant 6 : i32
      %dma_wait3A = arith.constant 0 : i32
      %dma_wait3A_86 = arith.constant 3 : i32
      %dma_wait3A_87 = arith.constant 0 : i32
      %dma_wait3A_88 = arith.constant 0 : i32
      %dma_wait3A_89 = arith.constant 0 : i32
      %dma_wait3A_90 = tpu.memref_slice %arg7[%dma_wait3A, %dma_wait3A_88, %dma_wait3A_89] : memref<3x128x128xf32, #tpu.memory_space<vmem>> -> memref<1x128x128xf32, #tpu.memory_space<vmem>>
      %dma_wait3A_91 = tpu.memref_squeeze %dma_wait3A_90 : memref<1x128x128xf32, #tpu.memory_space<vmem>> -> memref<128x128xf32, #tpu.memory_space<vmem>>
      %dma_wait3A_92 = arith.constant 0 : i32
      %dma_wait3A_93 = tpu.memref_slice %arg9[%dma_wait3A_86, %dma_wait3A_92] : memref<6x128xi32, #tpu.memory_space<vmem>> -> memref<1x128xi32, #tpu.memory_space<vmem>>
      %dma_wait3A_94 = tpu.memref_squeeze %dma_wait3A_93 : memref<1x128xi32, #tpu.memory_space<vmem>> -> memref<128xi32, #tpu.memory_space<vmem>>
      %dma_wait3A_95 = arith.constant 0 : i32
      %dma_wait3A_96 = arith.constant 0 : i32
      %dma_wait3A_97 = tpu.memref_slice %arg6[%dma_wait3A_95, %dma_wait3A_96] : memref<10016x128xf32, #tpu.memory_space<vmem_shared>> -> memref<10016x128xf32, #tpu.memory_space<vmem_shared>>
      %dma_wait3A_98 = tpu.memref_slice %arg11[%dma_wait3A_87] : memref<3x!tpu.dma_semaphore, #tpu.memory_space<semaphore_mem>> -> memref<1x!tpu.dma_semaphore, #tpu.memory_space<semaphore_mem>>
      %dma_wait3A_99 = tpu.memref_squeeze %dma_wait3A_98 : memref<1x!tpu.dma_semaphore, #tpu.memory_space<semaphore_mem>> -> memref<!tpu.dma_semaphore, #tpu.memory_space<semaphore_mem>>
      tpu.wait_indirect_dma semaphore(%dma_wait3A_99 : memref<!tpu.dma_semaphore, #tpu.memory_space<semaphore_mem>>) src(%dma_wait3A_91 : memref<128x128xf32, #tpu.memory_space<vmem>>) dst(%dma_wait3A_97 : memref<10016x128xf32, #tpu.memory_space<vmem_shared>>)
      %dma_wait3A_100 = arith.constant 1 : i32
      %dma_wait3A_101 = arith.constant 4 : i32
      %dma_wait3A_102 = arith.constant 1 : i32
      %dma_wait3A_103 = arith.constant 0 : i32
      %dma_wait3A_104 = arith.constant 0 : i32
      %dma_wait3A_105 = tpu.memref_slice %arg7[%dma_wait3A_100, %dma_wait3A_103, %dma_wait3A_104] : memref<3x128x128xf32, #tpu.memory_space<vmem>> -> memref<1x128x128xf32, #tpu.memory_space<vmem>>
      %dma_wait3A_106 = tpu.memref_squeeze %dma_wait3A_105 : memref<1x128x128xf32, #tpu.memory_space<vmem>> -> memref<128x128xf32, #tpu.memory_space<vmem>>
      %dma_wait3A_107 = arith.constant 0 : i32
      %dma_wait3A_108 = tpu.memref_slice %arg9[%dma_wait3A_101, %dma_wait3A_107] : memref<6x128xi32, #tpu.memory_space<vmem>> -> memref<1x128xi32, #tpu.memory_space<vmem>>
      %dma_wait3A_109 = tpu.memref_squeeze %dma_wait3A_108 : memref<1x128xi32, #tpu.memory_space<vmem>> -> memref<128xi32, #tpu.memory_space<vmem>>
      %dma_wait3A_110 = arith.constant 0 : i32
      %dma_wait3A_111 = arith.constant 0 : i32
      %dma_wait3A_112 = tpu.memref_slice %arg6[%dma_wait3A_110, %dma_wait3A_111] : memref<10016x128xf32, #tpu.memory_space<vmem_shared>> -> memref<10016x128xf32, #tpu.memory_space<vmem_shared>>
      %dma_wait3A_113 = tpu.memref_slice %arg11[%dma_wait3A_102] : memref<3x!tpu.dma_semaphore, #tpu.memory_space<semaphore_mem>> -> memref<1x!tpu.dma_semaphore, #tpu.memory_space<semaphore_mem>>
      %dma_wait3A_114 = tpu.memref_squeeze %dma_wait3A_113 : memref<1x!tpu.dma_semaphore, #tpu.memory_space<semaphore_mem>> -> memref<!tpu.dma_semaphore, #tpu.memory_space<semaphore_mem>>
      tpu.wait_indirect_dma semaphore(%dma_wait3A_114 : memref<!tpu.dma_semaphore, #tpu.memory_space<semaphore_mem>>) src(%dma_wait3A_106 : memref<128x128xf32, #tpu.memory_space<vmem>>) dst(%dma_wait3A_112 : memref<10016x128xf32, #tpu.memory_space<vmem_shared>>)
      %dma_wait3A_115 = arith.constant 2 : i32
      %dma_wait3A_116 = arith.constant 5 : i32
      %dma_wait3A_117 = arith.constant 2 : i32
      %dma_wait3A_118 = arith.constant 0 : i32
      %dma_wait3A_119 = arith.constant 0 : i32
      %dma_wait3A_120 = tpu.memref_slice %arg7[%dma_wait3A_115, %dma_wait3A_118, %dma_wait3A_119] : memref<3x128x128xf32, #tpu.memory_space<vmem>> -> memref<1x128x128xf32, #tpu.memory_space<vmem>>
      %dma_wait3A_121 = tpu.memref_squeeze %dma_wait3A_120 : memref<1x128x128xf32, #tpu.memory_space<vmem>> -> memref<128x128xf32, #tpu.memory_space<vmem>>
      %dma_wait3A_122 = arith.constant 0 : i32
      %dma_wait3A_123 = tpu.memref_slice %arg9[%dma_wait3A_116, %dma_wait3A_122] : memref<6x128xi32, #tpu.memory_space<vmem>> -> memref<1x128xi32, #tpu.memory_space<vmem>>
      %dma_wait3A_124 = tpu.memref_squeeze %dma_wait3A_123 : memref<1x128xi32, #tpu.memory_space<vmem>> -> memref<128xi32, #tpu.memory_space<vmem>>
      %dma_wait3A_125 = arith.constant 0 : i32
      %dma_wait3A_126 = arith.constant 0 : i32
      %dma_wait3A_127 = tpu.memref_slice %arg6[%dma_wait3A_125, %dma_wait3A_126] : memref<10016x128xf32, #tpu.memory_space<vmem_shared>> -> memref<10016x128xf32, #tpu.memory_space<vmem_shared>>
      %dma_wait3A_128 = tpu.memref_slice %arg11[%dma_wait3A_117] : memref<3x!tpu.dma_semaphore, #tpu.memory_space<semaphore_mem>> -> memref<1x!tpu.dma_semaphore, #tpu.memory_space<semaphore_mem>>
      %dma_wait3A_129 = tpu.memref_squeeze %dma_wait3A_128 : memref<1x!tpu.dma_semaphore, #tpu.memory_space<semaphore_mem>> -> memref<!tpu.dma_semaphore, #tpu.memory_space<semaphore_mem>>
      tpu.wait_indirect_dma semaphore(%dma_wait3A_129 : memref<!tpu.dma_semaphore, #tpu.memory_space<semaphore_mem>>) src(%dma_wait3A_121 : memref<128x128xf32, #tpu.memory_space<vmem>>) dst(%dma_wait3A_127 : memref<10016x128xf32, #tpu.memory_space<vmem_shared>>)
    }
    %scan3A_39 = arith.constant 13 : i32
    %lt3A = arith.constant 4 : i32
    %lt3A_40 = arith.cmpi slt, %add3A, %lt3A : i32
    %convert_element_type3A = arith.extui %lt3A_40 : i1 to i32
    %cond3A = arith.constant 0 : i32
    %cond3A_41 = arith.cmpi ne, %convert_element_type3A, %cond3A : i32
    scf.if %cond3A_41 {
      %add3A_47 = arith.constant 78 : i32
      %add3A_48 = arith.addi %add3A_4, %add3A_47 : i32
      "tpu.region"() ({
        %run_scoped3A_112 = tpu.sem_alloc : memref<!tpu.dma_semaphore, #tpu.memory_space<semaphore_mem>>
        %dma_start3A_113 = arith.constant 0 : i32
        %dma_start3A_114 = arith.constant 0 : i32
        %dma_start3A_115 = tpu.memref_slice %arg8[%dma_start3A_113, %dma_start3A_114] : memref<6x128xi32, #tpu.memory_space<vmem>> -> memref<1x128xi32, #tpu.memory_space<vmem>>
        %dma_start3A_116 = arith.constant 0 : i32
        %dma_start3A_117 = tpu.memref_slice %arg3[%add3A_48, %dma_start3A_116] : memref<2500x128xi32, #tpu.memory_space<hbm>> -> memref<1x128xi32, #tpu.memory_space<hbm>>
        %dma_start3A_118 = arith.constant 0 : i32
        %dma_start3A_119 = arith.constant 0 : i32
        %dma_start3A_120 = tpu.memref_slice %arg8[%dma_start3A_118, %dma_start3A_119] : memref<6x128xi32, #tpu.memory_space<vmem>> -> memref<1x128xi32, #tpu.memory_space<vmem>>
        %dma_start3A_121 = arith.constant 0 : i32
        %dma_start3A_122 = tpu.memref_slice %arg3[%add3A_48, %dma_start3A_121] : memref<2500x128xi32, #tpu.memory_space<hbm>> -> memref<1x128xi32, #tpu.memory_space<hbm>>
        tpu.enqueue_dma source(%dma_start3A_122 : memref<1x128xi32, #tpu.memory_space<hbm>>) target(%dma_start3A_120 : memref<1x128xi32, #tpu.memory_space<vmem>>) target_semaphore(%run_scoped3A_112 : memref<!tpu.dma_semaphore, #tpu.memory_space<semaphore_mem>>)
        %dma_wait3A_123 = arith.constant 0 : i32
        %dma_wait3A_124 = arith.constant 0 : i32
        %dma_wait3A_125 = tpu.memref_slice %arg8[%dma_wait3A_123, %dma_wait3A_124] : memref<6x128xi32, #tpu.memory_space<vmem>> -> memref<1x128xi32, #tpu.memory_space<vmem>>
        %dma_wait3A_126 = arith.constant 0 : i32
        %dma_wait3A_127 = tpu.memref_slice %arg3[%add3A_48, %dma_wait3A_126] : memref<2500x128xi32, #tpu.memory_space<hbm>> -> memref<1x128xi32, #tpu.memory_space<hbm>>
        %dma_wait3A_128 = arith.constant 0 : i32
        %dma_wait3A_129 = arith.constant 0 : i32
        %dma_wait3A_130 = tpu.memref_slice %arg8[%dma_wait3A_128, %dma_wait3A_129] : memref<6x128xi32, #tpu.memory_space<vmem>> -> memref<1x128xi32, #tpu.memory_space<vmem>>
        %dma_wait3A_131 = arith.constant 0 : i32
        %dma_wait3A_132 = tpu.memref_slice %arg3[%add3A_48, %dma_wait3A_131] : memref<2500x128xi32, #tpu.memory_space<hbm>> -> memref<1x128xi32, #tpu.memory_space<hbm>>
        tpu.wait_dma2 semaphore(%run_scoped3A_112 : memref<!tpu.dma_semaphore, #tpu.memory_space<semaphore_mem>>) src(%dma_wait3A_132 : memref<1x128xi32, #tpu.memory_space<hbm>>) dst(%dma_wait3A_130 : memref<1x128xi32, #tpu.memory_space<vmem>>)
        tpu.yield
      }) : () -> ()
      "tpu.region"() ({
        %run_scoped3A_112 = tpu.sem_alloc : memref<!tpu.dma_semaphore, #tpu.memory_space<semaphore_mem>>
        %dma_start3A_113 = arith.constant 0 : i32
        %dma_start3A_114 = arith.constant 0 : i32
        %dma_start3A_115 = tpu.memref_slice %arg9[%dma_start3A_113, %dma_start3A_114] : memref<6x128xi32, #tpu.memory_space<vmem>> -> memref<1x128xi32, #tpu.memory_space<vmem>>
        %dma_start3A_116 = arith.constant 0 : i32
        %dma_start3A_117 = tpu.memref_slice %arg4[%add3A_48, %dma_start3A_116] : memref<2500x128xi32, #tpu.memory_space<hbm>> -> memref<1x128xi32, #tpu.memory_space<hbm>>
        %dma_start3A_118 = arith.constant 0 : i32
        %dma_start3A_119 = arith.constant 0 : i32
        %dma_start3A_120 = tpu.memref_slice %arg9[%dma_start3A_118, %dma_start3A_119] : memref<6x128xi32, #tpu.memory_space<vmem>> -> memref<1x128xi32, #tpu.memory_space<vmem>>
        %dma_start3A_121 = arith.constant 0 : i32
        %dma_start3A_122 = tpu.memref_slice %arg4[%add3A_48, %dma_start3A_121] : memref<2500x128xi32, #tpu.memory_space<hbm>> -> memref<1x128xi32, #tpu.memory_space<hbm>>
        tpu.enqueue_dma source(%dma_start3A_122 : memref<1x128xi32, #tpu.memory_space<hbm>>) target(%dma_start3A_120 : memref<1x128xi32, #tpu.memory_space<vmem>>) target_semaphore(%run_scoped3A_112 : memref<!tpu.dma_semaphore, #tpu.memory_space<semaphore_mem>>)
        %dma_wait3A_123 = arith.constant 0 : i32
        %dma_wait3A_124 = arith.constant 0 : i32
        %dma_wait3A_125 = tpu.memref_slice %arg9[%dma_wait3A_123, %dma_wait3A_124] : memref<6x128xi32, #tpu.memory_space<vmem>> -> memref<1x128xi32, #tpu.memory_space<vmem>>
        %dma_wait3A_126 = arith.constant 0 : i32
        %dma_wait3A_127 = tpu.memref_slice %arg4[%add3A_48, %dma_wait3A_126] : memref<2500x128xi32, #tpu.memory_space<hbm>> -> memref<1x128xi32, #tpu.memory_space<hbm>>
        %dma_wait3A_128 = arith.constant 0 : i32
        %dma_wait3A_129 = arith.constant 0 : i32
        %dma_wait3A_130 = tpu.memref_slice %arg9[%dma_wait3A_128, %dma_wait3A_129] : memref<6x128xi32, #tpu.memory_space<vmem>> -> memref<1x128xi32, #tpu.memory_space<vmem>>
        %dma_wait3A_131 = arith.constant 0 : i32
        %dma_wait3A_132 = tpu.memref_slice %arg4[%add3A_48, %dma_wait3A_131] : memref<2500x128xi32, #tpu.memory_space<hbm>> -> memref<1x128xi32, #tpu.memory_space<hbm>>
        tpu.wait_dma2 semaphore(%run_scoped3A_112 : memref<!tpu.dma_semaphore, #tpu.memory_space<semaphore_mem>>) src(%dma_wait3A_132 : memref<1x128xi32, #tpu.memory_space<hbm>>) dst(%dma_wait3A_130 : memref<1x128xi32, #tpu.memory_space<vmem>>)
        tpu.yield
      }) : () -> ()
      %dma_start3A = arith.constant 0 : i32
      %dma_start3A_49 = arith.constant 0 : i32
      %dma_start3A_50 = arith.constant 0 : i32
      %dma_start3A_51 = arith.constant 0 : i32
      %dma_start3A_52 = arith.constant 0 : i32
      %dma_start3A_53 = tpu.memref_slice %arg7[%dma_start3A_49, %dma_start3A_51, %dma_start3A_52] : memref<3x128x128xf32, #tpu.memory_space<vmem>> -> memref<1x128x128xf32, #tpu.memory_space<vmem>>
      %dma_start3A_54 = tpu.memref_squeeze %dma_start3A_53 : memref<1x128x128xf32, #tpu.memory_space<vmem>> -> memref<128x128xf32, #tpu.memory_space<vmem>>
      %dma_start3A_55 = arith.constant 0 : i32
      %dma_start3A_56 = tpu.memref_slice %arg8[%dma_start3A, %dma_start3A_55] : memref<6x128xi32, #tpu.memory_space<vmem>> -> memref<1x128xi32, #tpu.memory_space<vmem>>
      %dma_start3A_57 = tpu.memref_squeeze %dma_start3A_56 : memref<1x128xi32, #tpu.memory_space<vmem>> -> memref<128xi32, #tpu.memory_space<vmem>>
      %dma_start3A_58 = arith.constant 0 : i32
      %dma_start3A_59 = arith.constant 0 : i32
      %dma_start3A_60 = tpu.memref_slice %arg2[%dma_start3A_58, %dma_start3A_59] : memref<10240x128xf32, #tpu.memory_space<hbm>> -> memref<10240x128xf32, #tpu.memory_space<hbm>>
      %dma_start3A_61 = tpu.memref_slice %arg10[%dma_start3A_50] : memref<3x!tpu.dma_semaphore, #tpu.memory_space<semaphore_mem>> -> memref<1x!tpu.dma_semaphore, #tpu.memory_space<semaphore_mem>>
      %dma_start3A_62 = tpu.memref_squeeze %dma_start3A_61 : memref<1x!tpu.dma_semaphore, #tpu.memory_space<semaphore_mem>> -> memref<!tpu.dma_semaphore, #tpu.memory_space<semaphore_mem>>
      tpu.enqueue_indirect_dma source(%dma_start3A_60 : memref<10240x128xf32, #tpu.memory_space<hbm>>) target(%dma_start3A_54 : memref<128x128xf32, #tpu.memory_space<vmem>>) offsets(%dma_start3A_57 : memref<128xi32, #tpu.memory_space<vmem>>) semaphore(%dma_start3A_62 : memref<!tpu.dma_semaphore, #tpu.memory_space<semaphore_mem>>)
      %scan3A_63 = arith.constant 0 : i32
      %scan3A_64 = arith.constant 0 : i32
      %rem3A = arith.constant 3 : i32
      %rem3A_65 = arith.remsi %scan3A_64, %rem3A : i32
      %dma_wait3A = arith.constant 0 : i32
      %dma_wait3A_66 = arith.constant 0 : i32
      %dma_wait3A_67 = tpu.memref_slice %arg7[%rem3A_65, %dma_wait3A, %dma_wait3A_66] : memref<3x128x128xf32, #tpu.memory_space<vmem>> -> memref<1x128x128xf32, #tpu.memory_space<vmem>>
      %dma_wait3A_68 = tpu.memref_squeeze %dma_wait3A_67 : memref<1x128x128xf32, #tpu.memory_space<vmem>> -> memref<128x128xf32, #tpu.memory_space<vmem>>
      %dma_wait3A_69 = arith.constant 0 : i32
      %dma_wait3A_70 = tpu.memref_slice %arg8[%scan3A_64, %dma_wait3A_69] : memref<6x128xi32, #tpu.memory_space<vmem>> -> memref<1x128xi32, #tpu.memory_space<vmem>>
      %dma_wait3A_71 = tpu.memref_squeeze %dma_wait3A_70 : memref<1x128xi32, #tpu.memory_space<vmem>> -> memref<128xi32, #tpu.memory_space<vmem>>
      %dma_wait3A_72 = arith.constant 0 : i32
      %dma_wait3A_73 = arith.constant 0 : i32
      %dma_wait3A_74 = tpu.memref_slice %arg2[%dma_wait3A_72, %dma_wait3A_73] : memref<10240x128xf32, #tpu.memory_space<hbm>> -> memref<10240x128xf32, #tpu.memory_space<hbm>>
      %dma_wait3A_75 = tpu.memref_slice %arg10[%rem3A_65] : memref<3x!tpu.dma_semaphore, #tpu.memory_space<semaphore_mem>> -> memref<1x!tpu.dma_semaphore, #tpu.memory_space<semaphore_mem>>
      %dma_wait3A_76 = tpu.memref_squeeze %dma_wait3A_75 : memref<1x!tpu.dma_semaphore, #tpu.memory_space<semaphore_mem>> -> memref<!tpu.dma_semaphore, #tpu.memory_space<semaphore_mem>>
      tpu.wait_indirect_dma semaphore(%dma_wait3A_76 : memref<!tpu.dma_semaphore, #tpu.memory_space<semaphore_mem>>) src(%dma_wait3A_74 : memref<10240x128xf32, #tpu.memory_space<hbm>>) dst(%dma_wait3A_68 : memref<128x128xf32, #tpu.memory_space<vmem>>)
      %dma_start3A_77 = arith.constant 0 : i32
      %dma_start3A_78 = arith.constant 0 : i32
      %dma_start3A_79 = tpu.memref_slice %arg7[%rem3A_65, %dma_start3A_77, %dma_start3A_78] : memref<3x128x128xf32, #tpu.memory_space<vmem>> -> memref<1x128x128xf32, #tpu.memory_space<vmem>>
      %dma_start3A_80 = tpu.memref_squeeze %dma_start3A_79 : memref<1x128x128xf32, #tpu.memory_space<vmem>> -> memref<128x128xf32, #tpu.memory_space<vmem>>
      %dma_start3A_81 = arith.constant 0 : i32
      %dma_start3A_82 = tpu.memref_slice %arg9[%scan3A_64, %dma_start3A_81] : memref<6x128xi32, #tpu.memory_space<vmem>> -> memref<1x128xi32, #tpu.memory_space<vmem>>
      %dma_start3A_83 = tpu.memref_squeeze %dma_start3A_82 : memref<1x128xi32, #tpu.memory_space<vmem>> -> memref<128xi32, #tpu.memory_space<vmem>>
      %dma_start3A_84 = arith.constant 0 : i32
      %dma_start3A_85 = arith.constant 0 : i32
      %dma_start3A_86 = tpu.memref_slice %arg6[%dma_start3A_84, %dma_start3A_85] : memref<10016x128xf32, #tpu.memory_space<vmem_shared>> -> memref<10016x128xf32, #tpu.memory_space<vmem_shared>>
      %dma_start3A_87 = tpu.memref_slice %arg11[%rem3A_65] : memref<3x!tpu.dma_semaphore, #tpu.memory_space<semaphore_mem>> -> memref<1x!tpu.dma_semaphore, #tpu.memory_space<semaphore_mem>>
      %dma_start3A_88 = tpu.memref_squeeze %dma_start3A_87 : memref<1x!tpu.dma_semaphore, #tpu.memory_space<semaphore_mem>> -> memref<!tpu.dma_semaphore, #tpu.memory_space<semaphore_mem>>
      tpu.enqueue_indirect_dma source(%dma_start3A_80 : memref<128x128xf32, #tpu.memory_space<vmem>>) target(%dma_start3A_86 : memref<10016x128xf32, #tpu.memory_space<vmem_shared>>) offsets(%dma_start3A_83 : memref<128xi32, #tpu.memory_space<vmem>>) semaphore(%dma_start3A_88 : memref<!tpu.dma_semaphore, #tpu.memory_space<semaphore_mem>>) {add = true}
      %add3A_89 = arith.constant 2 : i32
      %add3A_90 = arith.addi %scan3A_64, %add3A_89 : i32
      %lt3A_91 = arith.constant 1 : i32
      %lt3A_92 = arith.cmpi slt, %add3A_90, %lt3A_91 : i32
      %convert_element_type3A_93 = arith.extui %lt3A_92 : i1 to i32
      %cond3A_94 = arith.constant 0 : i32
      %cond3A_95 = arith.cmpi ne, %convert_element_type3A_93, %cond3A_94 : i32
      scf.if %cond3A_95 {
        %add3A_112 = arith.constant 2 : i32
        %add3A_113 = arith.addi %scan3A_64, %add3A_112 : i32
        %rem3A_114 = arith.constant 3 : i32
        %rem3A_115 = arith.remsi %add3A_113, %rem3A_114 : i32
        %ge3A = arith.constant 1 : i32
        %ge3A_116 = arith.cmpi sge, %scan3A_64, %ge3A : i32
        %convert_element_type3A_117 = arith.extui %ge3A_116 : i1 to i32
        %cond3A_118 = arith.constant 0 : i32
        %cond3A_119 = arith.cmpi ne, %convert_element_type3A_117, %cond3A_118 : i32
        scf.if %cond3A_119 {
          %dma_wait3A_134 = arith.constant 0 : i32
          %dma_wait3A_135 = arith.constant 0 : i32
          %dma_wait3A_136 = tpu.memref_slice %arg7[%rem3A_115, %dma_wait3A_134, %dma_wait3A_135] : memref<3x128x128xf32, #tpu.memory_space<vmem>> -> memref<1x128x128xf32, #tpu.memory_space<vmem>>
          %dma_wait3A_137 = tpu.memref_squeeze %dma_wait3A_136 : memref<1x128x128xf32, #tpu.memory_space<vmem>> -> memref<128x128xf32, #tpu.memory_space<vmem>>
          %dma_wait3A_138 = arith.constant 0 : i32
          %dma_wait3A_139 = tpu.memref_slice %arg9[%scan3A_64, %dma_wait3A_138] : memref<6x128xi32, #tpu.memory_space<vmem>> -> memref<1x128xi32, #tpu.memory_space<vmem>>
          %dma_wait3A_140 = tpu.memref_squeeze %dma_wait3A_139 : memref<1x128xi32, #tpu.memory_space<vmem>> -> memref<128xi32, #tpu.memory_space<vmem>>
          %dma_wait3A_141 = arith.constant 0 : i32
          %dma_wait3A_142 = arith.constant 0 : i32
          %dma_wait3A_143 = tpu.memref_slice %arg6[%dma_wait3A_141, %dma_wait3A_142] : memref<10016x128xf32, #tpu.memory_space<vmem_shared>> -> memref<10016x128xf32, #tpu.memory_space<vmem_shared>>
          %dma_wait3A_144 = tpu.memref_slice %arg11[%rem3A_115] : memref<3x!tpu.dma_semaphore, #tpu.memory_space<semaphore_mem>> -> memref<1x!tpu.dma_semaphore, #tpu.memory_space<semaphore_mem>>
          %dma_wait3A_145 = tpu.memref_squeeze %dma_wait3A_144 : memref<1x!tpu.dma_semaphore, #tpu.memory_space<semaphore_mem>> -> memref<!tpu.dma_semaphore, #tpu.memory_space<semaphore_mem>>
          tpu.wait_indirect_dma semaphore(%dma_wait3A_145 : memref<!tpu.dma_semaphore, #tpu.memory_space<semaphore_mem>>) src(%dma_wait3A_137 : memref<128x128xf32, #tpu.memory_space<vmem>>) dst(%dma_wait3A_143 : memref<10016x128xf32, #tpu.memory_space<vmem_shared>>)
        } else {
        }
        %add3A_120 = arith.constant 2 : i32
        %add3A_121 = arith.addi %scan3A_64, %add3A_120 : i32
        %dma_start3A_122 = arith.constant 0 : i32
        %dma_start3A_123 = arith.constant 0 : i32
        %dma_start3A_124 = tpu.memref_slice %arg7[%rem3A_115, %dma_start3A_122, %dma_start3A_123] : memref<3x128x128xf32, #tpu.memory_space<vmem>> -> memref<1x128x128xf32, #tpu.memory_space<vmem>>
        %dma_start3A_125 = tpu.memref_squeeze %dma_start3A_124 : memref<1x128x128xf32, #tpu.memory_space<vmem>> -> memref<128x128xf32, #tpu.memory_space<vmem>>
        %dma_start3A_126 = arith.constant 0 : i32
        %dma_start3A_127 = tpu.memref_slice %arg8[%add3A_121, %dma_start3A_126] : memref<6x128xi32, #tpu.memory_space<vmem>> -> memref<1x128xi32, #tpu.memory_space<vmem>>
        %dma_start3A_128 = tpu.memref_squeeze %dma_start3A_127 : memref<1x128xi32, #tpu.memory_space<vmem>> -> memref<128xi32, #tpu.memory_space<vmem>>
        %dma_start3A_129 = arith.constant 0 : i32
        %dma_start3A_130 = arith.constant 0 : i32
        %dma_start3A_131 = tpu.memref_slice %arg2[%dma_start3A_129, %dma_start3A_130] : memref<10240x128xf32, #tpu.memory_space<hbm>> -> memref<10240x128xf32, #tpu.memory_space<hbm>>
        %dma_start3A_132 = tpu.memref_slice %arg10[%rem3A_115] : memref<3x!tpu.dma_semaphore, #tpu.memory_space<semaphore_mem>> -> memref<1x!tpu.dma_semaphore, #tpu.memory_space<semaphore_mem>>
        %dma_start3A_133 = tpu.memref_squeeze %dma_start3A_132 : memref<1x!tpu.dma_semaphore, #tpu.memory_space<semaphore_mem>> -> memref<!tpu.dma_semaphore, #tpu.memory_space<semaphore_mem>>
        tpu.enqueue_indirect_dma source(%dma_start3A_131 : memref<10240x128xf32, #tpu.memory_space<hbm>>) target(%dma_start3A_125 : memref<128x128xf32, #tpu.memory_space<vmem>>) offsets(%dma_start3A_128 : memref<128xi32, #tpu.memory_space<vmem>>) semaphore(%dma_start3A_133 : memref<!tpu.dma_semaphore, #tpu.memory_space<semaphore_mem>>)
      } else {
      }
      %scan3A_96 = arith.constant 1 : i32
      %dma_wait3A_97 = arith.constant 0 : i32
      %dma_wait3A_98 = arith.constant 0 : i32
      %dma_wait3A_99 = arith.constant 0 : i32
      %dma_wait3A_100 = arith.constant 0 : i32
      %dma_wait3A_101 = arith.constant 0 : i32
      %dma_wait3A_102 = tpu.memref_slice %arg7[%dma_wait3A_97, %dma_wait3A_100, %dma_wait3A_101] : memref<3x128x128xf32, #tpu.memory_space<vmem>> -> memref<1x128x128xf32, #tpu.memory_space<vmem>>
      %dma_wait3A_103 = tpu.memref_squeeze %dma_wait3A_102 : memref<1x128x128xf32, #tpu.memory_space<vmem>> -> memref<128x128xf32, #tpu.memory_space<vmem>>
      %dma_wait3A_104 = arith.constant 0 : i32
      %dma_wait3A_105 = tpu.memref_slice %arg9[%dma_wait3A_98, %dma_wait3A_104] : memref<6x128xi32, #tpu.memory_space<vmem>> -> memref<1x128xi32, #tpu.memory_space<vmem>>
      %dma_wait3A_106 = tpu.memref_squeeze %dma_wait3A_105 : memref<1x128xi32, #tpu.memory_space<vmem>> -> memref<128xi32, #tpu.memory_space<vmem>>
      %dma_wait3A_107 = arith.constant 0 : i32
      %dma_wait3A_108 = arith.constant 0 : i32
      %dma_wait3A_109 = tpu.memref_slice %arg6[%dma_wait3A_107, %dma_wait3A_108] : memref<10016x128xf32, #tpu.memory_space<vmem_shared>> -> memref<10016x128xf32, #tpu.memory_space<vmem_shared>>
      %dma_wait3A_110 = tpu.memref_slice %arg11[%dma_wait3A_99] : memref<3x!tpu.dma_semaphore, #tpu.memory_space<semaphore_mem>> -> memref<1x!tpu.dma_semaphore, #tpu.memory_space<semaphore_mem>>
      %dma_wait3A_111 = tpu.memref_squeeze %dma_wait3A_110 : memref<1x!tpu.dma_semaphore, #tpu.memory_space<semaphore_mem>> -> memref<!tpu.dma_semaphore, #tpu.memory_space<semaphore_mem>>
      tpu.wait_indirect_dma semaphore(%dma_wait3A_111 : memref<!tpu.dma_semaphore, #tpu.memory_space<semaphore_mem>>) src(%dma_wait3A_103 : memref<128x128xf32, #tpu.memory_space<vmem>>) dst(%dma_wait3A_109 : memref<10016x128xf32, #tpu.memory_space<vmem_shared>>)
    } else {
    }
    %barrier3A_42 = arith.constant 0 : index
    tpu.barrier barrier_id(%barrier3A_42)
    %mul3A_43 = arith.constant 626 : i32
    %mul3A_44 = arith.muli %arg1, %mul3A_43 : i32
    %mul3A_45 = arith.constant 626 : i32
    %mul3A_46 = arith.muli %arg1, %mul3A_45 : i32
    "tpu.region"() ({
      %run_scoped3A_47 = tpu.sem_alloc : memref<!tpu.dma_semaphore, #tpu.memory_space<semaphore_mem>>
      %dma_start3A = arith.constant 0 : i32
      %dma_start3A_48 = tpu.memref_slice %arg5[%arg0, %mul3A_46, %dma_start3A] : memref<2x10016x128xf32, #tpu.memory_space<hbm>> -> memref<1x626x128xf32, #tpu.memory_space<hbm>>
      %dma_start3A_49 = tpu.memref_squeeze %dma_start3A_48 : memref<1x626x128xf32, #tpu.memory_space<hbm>> -> memref<626x128xf32, #tpu.memory_space<hbm>>
      %dma_start3A_50 = arith.constant 0 : i32
      %dma_start3A_51 = tpu.memref_slice %arg6[%mul3A_44, %dma_start3A_50] : memref<10016x128xf32, #tpu.memory_space<vmem_shared>> -> memref<626x128xf32, #tpu.memory_space<vmem_shared>>
      tpu.enqueue_dma source(%dma_start3A_51 : memref<626x128xf32, #tpu.memory_space<vmem_shared>>) target(%dma_start3A_49 : memref<626x128xf32, #tpu.memory_space<hbm>>) target_semaphore(%run_scoped3A_47 : memref<!tpu.dma_semaphore, #tpu.memory_space<semaphore_mem>>)
      %dma_wait3A = arith.constant 0 : i32
      %dma_wait3A_52 = tpu.memref_slice %arg5[%arg0, %mul3A_46, %dma_wait3A] : memref<2x10016x128xf32, #tpu.memory_space<hbm>> -> memref<1x626x128xf32, #tpu.memory_space<hbm>>
      %dma_wait3A_53 = tpu.memref_squeeze %dma_wait3A_52 : memref<1x626x128xf32, #tpu.memory_space<hbm>> -> memref<626x128xf32, #tpu.memory_space<hbm>>
      %dma_wait3A_54 = arith.constant 0 : i32
      %dma_wait3A_55 = tpu.memref_slice %arg6[%mul3A_44, %dma_wait3A_54] : memref<10016x128xf32, #tpu.memory_space<vmem_shared>> -> memref<626x128xf32, #tpu.memory_space<vmem_shared>>
      tpu.wait_dma2 semaphore(%run_scoped3A_47 : memref<!tpu.dma_semaphore, #tpu.memory_space<semaphore_mem>>) src(%dma_wait3A_55 : memref<626x128xf32, #tpu.memory_space<vmem_shared>>) dst(%dma_wait3A_53 : memref<626x128xf32, #tpu.memory_space<hbm>>)
      tpu.yield
    }) : () -> ()
    return
  }
}

#map = affine_map<(d0, d1) -> (0, 0)>
#map1 = affine_map<(d0, d1) -> (0, 0, 0)>
module attributes {stable_mosaic.version = 14 : i64} {
  func.func @_scatter_body(%arg0: i32, %arg1: i32, %arg2: memref<10240x128xf32, #tpu.memory_space<hbm>>, %arg3: memref<2500x128xi32, #tpu.memory_space<hbm>>, %arg4: memref<2500x128xi32, #tpu.memory_space<hbm>>, %arg5: memref<2x10016x128xf32, #tpu.memory_space<hbm>>, %arg6: memref<10016x128xf32, #tpu.memory_space<vmem_shared>>, %arg7: memref<3x128x128xf32, #tpu.memory_space<vmem>>, %arg8: memref<6x128xi32, #tpu.memory_space<vmem>>, %arg9: memref<6x128xi32, #tpu.memory_space<vmem>>, %arg10: memref<3x!tpu.dma_semaphore, #tpu.memory_space<semaphore_mem>>, %arg11: memref<3x!tpu.dma_semaphore, #tpu.memory_space<semaphore_mem>>) attributes {dimension_semantics = [#tpu.dimension_semantics<core_parallel>, #tpu.dimension_semantics<subcore_parallel>], iteration_bounds = array<i64: 2, 16>, scalar_prefetch = 0 : i64, scratch_operands = 6 : i64, tpu.core_type = #tpu.core_type<sc_vector_subcore>, window_params = [{transform_indices = #map}, {transform_indices = #map}, {transform_indices = #map}, {transform_indices = #map1}]} {
    %mul3A = arith.constant 16 : i32
    %mul3A_0 = arith.muli %arg0, %mul3A : i32
    %add3A = arith.addi %mul3A_0, %arg1 : i32
    %mul3A_1 = arith.constant 78 : i32
    %mul3A_2 = arith.muli %mul3A_1, %add3A : i32
    %min3A = arith.constant 4 : i32
    %min3A_3 = arith.minsi %add3A, %min3A : i32
    %add3A_4 = arith.addi %mul3A_2, %min3A_3 : i32
    %scan3A = arith.constant 0 : i32
    %scan3A_5 = arith.constant 0 : i32
    %scan3A_6 = arith.constant 128 : i32
    %scan3A_7 = arith.addi %scan3A_5, %scan3A_6 : i32
    %scan3A_8 = arith.constant 1 : i32
    scf.for %scan3A_47 = %scan3A_5 to %scan3A_7 step %scan3A_8  : i32 {
      %broadcast_in_dim3A = arith.constant 0.000000e+00 : f32
      %broadcast_in_dim3A_48 = vector.broadcast %broadcast_in_dim3A : f32 to vector<16xf32>
      %swap3A = arith.constant 0 : i32
      %swap3A_49 = arith.index_cast %swap3A : i32 to index
      %swap3A_50 = arith.index_cast %scan3A_47 : i32 to index
      %swap3A_51 = arith.constant 0 : index
      %swap3A_52 = tpu.vector_load %arg7[%swap3A_49, %swap3A_50, %swap3A_51] {strides = array<i32>} : memref<3x128x128xf32, #tpu.memory_space<vmem>>, vector<1x1x16xf32>,
      %swap3A_53 = vector.shape_cast %swap3A_52 : vector<1x1x16xf32> to vector<16xf32>
      %swap3A_54 = vector.shape_cast %broadcast_in_dim3A_48 : vector<16xf32> to vector<1x1x16xf32>
      tpu.vector_store %arg7[%swap3A_49, %swap3A_50, %swap3A_51], %swap3A_54 {strides = array<i32>} : memref<3x128x128xf32, #tpu.memory_space<vmem>>, vector<1x1x16xf32>,
      %broadcast_in_dim3A_55 = arith.constant 0.000000e+00 : f32
      %broadcast_in_dim3A_56 = vector.broadcast %broadcast_in_dim3A_55 : f32 to vector<16xf32>
      %swap3A_57 = arith.constant 0 : i32
      %swap3A_58 = arith.index_cast %swap3A_57 : i32 to index
      %swap3A_59 = arith.index_cast %scan3A_47 : i32 to index
      %swap3A_60 = arith.constant 16 : index
      %swap3A_61 = tpu.vector_load %arg7[%swap3A_58, %swap3A_59, %swap3A_60] {strides = array<i32>} : memref<3x128x128xf32, #tpu.memory_space<vmem>>, vector<1x1x16xf32>,
      %swap3A_62 = vector.shape_cast %swap3A_61 : vector<1x1x16xf32> to vector<16xf32>
      %swap3A_63 = vector.shape_cast %broadcast_in_dim3A_56 : vector<16xf32> to vector<1x1x16xf32>
      tpu.vector_store %arg7[%swap3A_58, %swap3A_59, %swap3A_60], %swap3A_63 {strides = array<i32>} : memref<3x128x128xf32, #tpu.memory_space<vmem>>, vector<1x1x16xf32>,
      %broadcast_in_dim3A_64 = arith.constant 0.000000e+00 : f32
      %broadcast_in_dim3A_65 = vector.broadcast %broadcast_in_dim3A_64 : f32 to vector<16xf32>
      %swap3A_66 = arith.constant 0 : i32
      %swap3A_67 = arith.index_cast %swap3A_66 : i32 to index
      %swap3A_68 = arith.index_cast %scan3A_47 : i32 to index
      %swap3A_69 = arith.constant 32 : index
      %swap3A_70 = tpu.vector_load %arg7[%swap3A_67, %swap3A_68, %swap3A_69] {strides = array<i32>} : memref<3x128x128xf32, #tpu.memory_space<vmem>>, vector<1x1x16xf32>,
      %swap3A_71 = vector.shape_cast %swap3A_70 : vector<1x1x16xf32> to vector<16xf32>
      %swap3A_72 = vector.shape_cast %broadcast_in_dim3A_65 : vector<16xf32> to vector<1x1x16xf32>
      tpu.vector_store %arg7[%swap3A_67, %swap3A_68, %swap3A_69], %swap3A_72 {strides = array<i32>} : memref<3x128x128xf32, #tpu.memory_space<vmem>>, vector<1x1x16xf32>,
      %broadcast_in_dim3A_73 = arith.constant 0.000000e+00 : f32
      %broadcast_in_dim3A_74 = vector.broadcast %broadcast_in_dim3A_73 : f32 to vector<16xf32>
      %swap3A_75 = arith.constant 0 : i32
      %swap3A_76 = arith.index_cast %swap3A_75 : i32 to index
      %swap3A_77 = arith.index_cast %scan3A_47 : i32 to index
      %swap3A_78 = arith.constant 48 : index
      %swap3A_79 = tpu.vector_load %arg7[%swap3A_76, %swap3A_77, %swap3A_78] {strides = array<i32>} : memref<3x128x128xf32, #tpu.memory_space<vmem>>, vector<1x1x16xf32>,
      %swap3A_80 = vector.shape_cast %swap3A_79 : vector<1x1x16xf32> to vector<16xf32>
      %swap3A_81 = vector.shape_cast %broadcast_in_dim3A_74 : vector<16xf32> to vector<1x1x16xf32>
      tpu.vector_store %arg7[%swap3A_76, %swap3A_77, %swap3A_78], %swap3A_81 {strides = array<i32>} : memref<3x128x128xf32, #tpu.memory_space<vmem>>, vector<1x1x16xf32>,
      %broadcast_in_dim3A_82 = arith.constant 0.000000e+00 : f32
      %broadcast_in_dim3A_83 = vector.broadcast %broadcast_in_dim3A_82 : f32 to vector<16xf32>
      %swap3A_84 = arith.constant 0 : i32
      %swap3A_85 = arith.index_cast %swap3A_84 : i32 to index
      %swap3A_86 = arith.index_cast %scan3A_47 : i32 to index
      %swap3A_87 = arith.constant 64 : index
      %swap3A_88 = tpu.vector_load %arg7[%swap3A_85, %swap3A_86, %swap3A_87] {strides = array<i32>} : memref<3x128x128xf32, #tpu.memory_space<vmem>>, vector<1x1x16xf32>,
      %swap3A_89 = vector.shape_cast %swap3A_88 : vector<1x1x16xf32> to vector<16xf32>
      %swap3A_90 = vector.shape_cast %broadcast_in_dim3A_83 : vector<16xf32> to vector<1x1x16xf32>
      tpu.vector_store %arg7[%swap3A_85, %swap3A_86, %swap3A_87], %swap3A_90 {strides = array<i32>} : memref<3x128x128xf32, #tpu.memory_space<vmem>>, vector<1x1x16xf32>,
      %broadcast_in_dim3A_91 = arith.constant 0.000000e+00 : f32
      %broadcast_in_dim3A_92 = vector.broadcast %broadcast_in_dim3A_91 : f32 to vector<16xf32>
      %swap3A_93 = arith.constant 0 : i32
      %swap3A_94 = arith.index_cast %swap3A_93 : i32 to index
      %swap3A_95 = arith.index_cast %scan3A_47 : i32 to index
      %swap3A_96 = arith.constant 80 : index
      %swap3A_97 = tpu.vector_load %arg7[%swap3A_94, %swap3A_95, %swap3A_96] {strides = array<i32>} : memref<3x128x128xf32, #tpu.memory_space<vmem>>, vector<1x1x16xf32>,
      %swap3A_98 = vector.shape_cast %swap3A_97 : vector<1x1x16xf32> to vector<16xf32>
      %swap3A_99 = vector.shape_cast %broadcast_in_dim3A_92 : vector<16xf32> to vector<1x1x16xf32>
      tpu.vector_store %arg7[%swap3A_94, %swap3A_95, %swap3A_96], %swap3A_99 {strides = array<i32>} : memref<3x128x128xf32, #tpu.memory_space<vmem>>, vector<1x1x16xf32>,
      %broadcast_in_dim3A_100 = arith.constant 0.000000e+00 : f32
      %broadcast_in_dim3A_101 = vector.broadcast %broadcast_in_dim3A_100 : f32 to vector<16xf32>
      %swap3A_102 = arith.constant 0 : i32
      %swap3A_103 = arith.index_cast %swap3A_102 : i32 to index
      %swap3A_104 = arith.index_cast %scan3A_47 : i32 to index
      %swap3A_105 = arith.constant 96 : index
      %swap3A_106 = tpu.vector_load %arg7[%swap3A_103, %swap3A_104, %swap3A_105] {strides = array<i32>} : memref<3x128x128xf32, #tpu.memory_space<vmem>>, vector<1x1x16xf32>,
      %swap3A_107 = vector.shape_cast %swap3A_106 : vector<1x1x16xf32> to vector<16xf32>
      %swap3A_108 = vector.shape_cast %broadcast_in_dim3A_101 : vector<16xf32> to vector<1x1x16xf32>
      tpu.vector_store %arg7[%swap3A_103, %swap3A_104, %swap3A_105], %swap3A_108 {strides = array<i32>} : memref<3x128x128xf32, #tpu.memory_space<vmem>>, vector<1x1x16xf32>,
      %broadcast_in_dim3A_109 = arith.constant 0.000000e+00 : f32
      %broadcast_in_dim3A_110 = vector.broadcast %broadcast_in_dim3A_109 : f32 to vector<16xf32>
      %swap3A_111 = arith.constant 0 : i32
      %swap3A_112 = arith.index_cast %swap3A_111 : i32 to index
      %swap3A_113 = arith.index_cast %scan3A_47 : i32 to index
      %swap3A_114 = arith.constant 112 : index
      %swap3A_115 = tpu.vector_load %arg7[%swap3A_112, %swap3A_113, %swap3A_114] {strides = array<i32>} : memref<3x128x128xf32, #tpu.memory_space<vmem>>, vector<1x1x16xf32>,
      %swap3A_116 = vector.shape_cast %swap3A_115 : vector<1x1x16xf32> to vector<16xf32>
      %swap3A_117 = vector.shape_cast %broadcast_in_dim3A_110 : vector<16xf32> to vector<1x1x16xf32>
      tpu.vector_store %arg7[%swap3A_112, %swap3A_113, %swap3A_114], %swap3A_117 {strides = array<i32>} : memref<3x128x128xf32, #tpu.memory_space<vmem>>, vector<1x1x16xf32>,
    }
    %scan3A_9 = arith.constant 128 : i32
    %mul3A_10 = arith.constant 626 : i32
    %mul3A_11 = arith.muli %arg1, %mul3A_10 : i32
    %add3A_12 = arith.constant 0 : i32
    %add3A_13 = arith.addi %mul3A_11, %add3A_12 : i32
    %run_scoped3A = arith.constant 0 : i32
    "tpu.region"() ({
      %run_scoped3A_47 = tpu.sem_alloc : memref<!tpu.dma_semaphore, #tpu.memory_space<semaphore_mem>>
      %dma_start3A = arith.constant 0 : i32
      %dma_start3A_48 = arith.constant 0 : i32
      %dma_start3A_49 = tpu.memref_slice %arg7[%run_scoped3A, %dma_start3A, %dma_start3A_48] : memref<3x128x128xf32, #tpu.memory_space<vmem>> -> memref<1x128x128xf32, #tpu.memory_space<vmem>>
      %dma_start3A_50 = tpu.memref_squeeze %dma_start3A_49 : memref<1x128x128xf32, #tpu.memory_space<vmem>> -> memref<128x128xf32, #tpu.memory_space<vmem>>
      %dma_start3A_51 = arith.constant 0 : i32
      %dma_start3A_52 = tpu.memref_slice %arg6[%add3A_13, %dma_start3A_51] : memref<10016x128xf32, #tpu.memory_space<vmem_shared>> -> memref<128x128xf32, #tpu.memory_space<vmem_shared>>
      %dma_start3A_53 = arith.constant 0 : i32
      %dma_start3A_54 = tpu.memref_slice %arg6[%add3A_13, %dma_start3A_53] : memref<10016x128xf32, #tpu.memory_space<vmem_shared>> -> memref<128x128xf32, #tpu.memory_space<vmem_shared>>
      %dma_start3A_55 = arith.constant 0 : i32
      %dma_start3A_56 = arith.constant 0 : i32
      %dma_start3A_57 = tpu.memref_slice %arg7[%run_scoped3A, %dma_start3A_55, %dma_start3A_56] : memref<3x128x128xf32, #tpu.memory_space<vmem>> -> memref<1x128x128xf32, #tpu.memory_space<vmem>>
      %dma_start3A_58 = tpu.memref_squeeze %dma_start3A_57 : memref<1x128x128xf32, #tpu.memory_space<vmem>> -> memref<128x128xf32, #tpu.memory_space<vmem>>
      tpu.enqueue_dma source(%dma_start3A_58 : memref<128x128xf32, #tpu.memory_space<vmem>>) target(%dma_start3A_54 : memref<128x128xf32, #tpu.memory_space<vmem_shared>>) target_semaphore(%run_scoped3A_47 : memref<!tpu.dma_semaphore, #tpu.memory_space<semaphore_mem>>)
      %dma_wait3A = arith.constant 0 : i32
      %dma_wait3A_59 = arith.constant 0 : i32
      %dma_wait3A_60 = tpu.memref_slice %arg7[%run_scoped3A, %dma_wait3A, %dma_wait3A_59] : memref<3x128x128xf32, #tpu.memory_space<vmem>> -> memref<1x128x128xf32, #tpu.memory_space<vmem>>
      %dma_wait3A_61 = tpu.memref_squeeze %dma_wait3A_60 : memref<1x128x128xf32, #tpu.memory_space<vmem>> -> memref<128x128xf32, #tpu.memory_space<vmem>>
      %dma_wait3A_62 = arith.constant 0 : i32
      %dma_wait3A_63 = tpu.memref_slice %arg6[%add3A_13, %dma_wait3A_62] : memref<10016x128xf32, #tpu.memory_space<vmem_shared>> -> memref<128x128xf32, #tpu.memory_space<vmem_shared>>
      %dma_wait3A_64 = arith.constant 0 : i32
      %dma_wait3A_65 = tpu.memref_slice %arg6[%add3A_13, %dma_wait3A_64] : memref<10016x128xf32, #tpu.memory_space<vmem_shared>> -> memref<128x128xf32, #tpu.memory_space<vmem_shared>>
      %dma_wait3A_66 = arith.constant 0 : i32
      %dma_wait3A_67 = arith.constant 0 : i32
      %dma_wait3A_68 = tpu.memref_slice %arg7[%run_scoped3A, %dma_wait3A_66, %dma_wait3A_67] : memref<3x128x128xf32, #tpu.memory_space<vmem>> -> memref<1x128x128xf32, #tpu.memory_space<vmem>>
      %dma_wait3A_69 = tpu.memref_squeeze %dma_wait3A_68 : memref<1x128x128xf32, #tpu.memory_space<vmem>> -> memref<128x128xf32, #tpu.memory_space<vmem>>
      tpu.wait_dma2 semaphore(%run_scoped3A_47 : memref<!tpu.dma_semaphore, #tpu.memory_space<semaphore_mem>>) src(%dma_wait3A_69 : memref<128x128xf32, #tpu.memory_space<vmem>>) dst(%dma_wait3A_65 : memref<128x128xf32, #tpu.memory_space<vmem_shared>>)
      tpu.yield
    }) : () -> ()
    %mul3A_14 = arith.constant 626 : i32
    %mul3A_15 = arith.muli %arg1, %mul3A_14 : i32
    %add3A_16 = arith.constant 128 : i32
    %add3A_17 = arith.addi %mul3A_15, %add3A_16 : i32
    %run_scoped3A_18 = arith.constant 0 : i32
    "tpu.region"() ({
      %run_scoped3A_47 = tpu.sem_alloc : memref<!tpu.dma_semaphore, #tpu.memory_space<semaphore_mem>>
      %dma_start3A = arith.constant 0 : i32
      %dma_start3A_48 = arith.constant 0 : i32
      %dma_start3A_49 = tpu.memref_slice %arg7[%run_scoped3A_18, %dma_start3A, %dma_start3A_48] : memref<3x128x128xf32, #tpu.memory_space<vmem>> -> memref<1x128x128xf32, #tpu.memory_space<vmem>>
      %dma_start3A_50 = tpu.memref_squeeze %dma_start3A_49 : memref<1x128x128xf32, #tpu.memory_space<vmem>> -> memref<128x128xf32, #tpu.memory_space<vmem>>
      %dma_start3A_51 = arith.constant 0 : i32
      %dma_start3A_52 = tpu.memref_slice %arg6[%add3A_17, %dma_start3A_51] : memref<10016x128xf32, #tpu.memory_space<vmem_shared>> -> memref<128x128xf32, #tpu.memory_space<vmem_shared>>
      %dma_start3A_53 = arith.constant 0 : i32
      %dma_start3A_54 = tpu.memref_slice %arg6[%add3A_17, %dma_start3A_53] : memref<10016x128xf32, #tpu.memory_space<vmem_shared>> -> memref<128x128xf32, #tpu.memory_space<vmem_shared>>
      %dma_start3A_55 = arith.constant 0 : i32
      %dma_start3A_56 = arith.constant 0 : i32
      %dma_start3A_57 = tpu.memref_slice %arg7[%run_scoped3A_18, %dma_start3A_55, %dma_start3A_56] : memref<3x128x128xf32, #tpu.memory_space<vmem>> -> memref<1x128x128xf32, #tpu.memory_space<vmem>>
      %dma_start3A_58 = tpu.memref_squeeze %dma_start3A_57 : memref<1x128x128xf32, #tpu.memory_space<vmem>> -> memref<128x128xf32, #tpu.memory_space<vmem>>
      tpu.enqueue_dma source(%dma_start3A_58 : memref<128x128xf32, #tpu.memory_space<vmem>>) target(%dma_start3A_54 : memref<128x128xf32, #tpu.memory_space<vmem_shared>>) target_semaphore(%run_scoped3A_47 : memref<!tpu.dma_semaphore, #tpu.memory_space<semaphore_mem>>)
      %dma_wait3A = arith.constant 0 : i32
      %dma_wait3A_59 = arith.constant 0 : i32
      %dma_wait3A_60 = tpu.memref_slice %arg7[%run_scoped3A_18, %dma_wait3A, %dma_wait3A_59] : memref<3x128x128xf32, #tpu.memory_space<vmem>> -> memref<1x128x128xf32, #tpu.memory_space<vmem>>
      %dma_wait3A_61 = tpu.memref_squeeze %dma_wait3A_60 : memref<1x128x128xf32, #tpu.memory_space<vmem>> -> memref<128x128xf32, #tpu.memory_space<vmem>>
      %dma_wait3A_62 = arith.constant 0 : i32
      %dma_wait3A_63 = tpu.memref_slice %arg6[%add3A_17, %dma_wait3A_62] : memref<10016x128xf32, #tpu.memory_space<vmem_shared>> -> memref<128x128xf32, #tpu.memory_space<vmem_shared>>
      %dma_wait3A_64 = arith.constant 0 : i32
      %dma_wait3A_65 = tpu.memref_slice %arg6[%add3A_17, %dma_wait3A_64] : memref<10016x128xf32, #tpu.memory_space<vmem_shared>> -> memref<128x128xf32, #tpu.memory_space<vmem_shared>>
      %dma_wait3A_66 = arith.constant 0 : i32
      %dma_wait3A_67 = arith.constant 0 : i32
      %dma_wait3A_68 = tpu.memref_slice %arg7[%run_scoped3A_18, %dma_wait3A_66, %dma_wait3A_67] : memref<3x128x128xf32, #tpu.memory_space<vmem>> -> memref<1x128x128xf32, #tpu.memory_space<vmem>>
      %dma_wait3A_69 = tpu.memref_squeeze %dma_wait3A_68 : memref<1x128x128xf32, #tpu.memory_space<vmem>> -> memref<128x128xf32, #tpu.memory_space<vmem>>
      tpu.wait_dma2 semaphore(%run_scoped3A_47 : memref<!tpu.dma_semaphore, #tpu.memory_space<semaphore_mem>>) src(%dma_wait3A_69 : memref<128x128xf32, #tpu.memory_space<vmem>>) dst(%dma_wait3A_65 : memref<128x128xf32, #tpu.memory_space<vmem_shared>>)
      tpu.yield
    }) : () -> ()
    %mul3A_19 = arith.constant 626 : i32
    %mul3A_20 = arith.muli %arg1, %mul3A_19 : i32
    %add3A_21 = arith.constant 256 : i32
    %add3A_22 = arith.addi %mul3A_20, %add3A_21 : i32
    %run_scoped3A_23 = arith.constant 0 : i32
    "tpu.region"() ({
      %run_scoped3A_47 = tpu.sem_alloc : memref<!tpu.dma_semaphore, #tpu.memory_space<semaphore_mem>>
      %dma_start3A = arith.constant 0 : i32
      %dma_start3A_48 = arith.constant 0 : i32
      %dma_start3A_49 = tpu.memref_slice %arg7[%run_scoped3A_23, %dma_start3A, %dma_start3A_48] : memref<3x128x128xf32, #tpu.memory_space<vmem>> -> memref<1x128x128xf32, #tpu.memory_space<vmem>>
      %dma_start3A_50 = tpu.memref_squeeze %dma_start3A_49 : memref<1x128x128xf32, #tpu.memory_space<vmem>> -> memref<128x128xf32, #tpu.memory_space<vmem>>
      %dma_start3A_51 = arith.constant 0 : i32
      %dma_start3A_52 = tpu.memref_slice %arg6[%add3A_22, %dma_start3A_51] : memref<10016x128xf32, #tpu.memory_space<vmem_shared>> -> memref<128x128xf32, #tpu.memory_space<vmem_shared>>
      %dma_start3A_53 = arith.constant 0 : i32
      %dma_start3A_54 = tpu.memref_slice %arg6[%add3A_22, %dma_start3A_53] : memref<10016x128xf32, #tpu.memory_space<vmem_shared>> -> memref<128x128xf32, #tpu.memory_space<vmem_shared>>
      %dma_start3A_55 = arith.constant 0 : i32
      %dma_start3A_56 = arith.constant 0 : i32
      %dma_start3A_57 = tpu.memref_slice %arg7[%run_scoped3A_23, %dma_start3A_55, %dma_start3A_56] : memref<3x128x128xf32, #tpu.memory_space<vmem>> -> memref<1x128x128xf32, #tpu.memory_space<vmem>>
      %dma_start3A_58 = tpu.memref_squeeze %dma_start3A_57 : memref<1x128x128xf32, #tpu.memory_space<vmem>> -> memref<128x128xf32, #tpu.memory_space<vmem>>
      tpu.enqueue_dma source(%dma_start3A_58 : memref<128x128xf32, #tpu.memory_space<vmem>>) target(%dma_start3A_54 : memref<128x128xf32, #tpu.memory_space<vmem_shared>>) target_semaphore(%run_scoped3A_47 : memref<!tpu.dma_semaphore, #tpu.memory_space<semaphore_mem>>)
      %dma_wait3A = arith.constant 0 : i32
      %dma_wait3A_59 = arith.constant 0 : i32
      %dma_wait3A_60 = tpu.memref_slice %arg7[%run_scoped3A_23, %dma_wait3A, %dma_wait3A_59] : memref<3x128x128xf32, #tpu.memory_space<vmem>> -> memref<1x128x128xf32, #tpu.memory_space<vmem>>
      %dma_wait3A_61 = tpu.memref_squeeze %dma_wait3A_60 : memref<1x128x128xf32, #tpu.memory_space<vmem>> -> memref<128x128xf32, #tpu.memory_space<vmem>>
      %dma_wait3A_62 = arith.constant 0 : i32
      %dma_wait3A_63 = tpu.memref_slice %arg6[%add3A_22, %dma_wait3A_62] : memref<10016x128xf32, #tpu.memory_space<vmem_shared>> -> memref<128x128xf32, #tpu.memory_space<vmem_shared>>
      %dma_wait3A_64 = arith.constant 0 : i32
      %dma_wait3A_65 = tpu.memref_slice %arg6[%add3A_22, %dma_wait3A_64] : memref<10016x128xf32, #tpu.memory_space<vmem_shared>> -> memref<128x128xf32, #tpu.memory_space<vmem_shared>>
      %dma_wait3A_66 = arith.constant 0 : i32
      %dma_wait3A_67 = arith.constant 0 : i32
      %dma_wait3A_68 = tpu.memref_slice %arg7[%run_scoped3A_23, %dma_wait3A_66, %dma_wait3A_67] : memref<3x128x128xf32, #tpu.memory_space<vmem>> -> memref<1x128x128xf32, #tpu.memory_space<vmem>>
      %dma_wait3A_69 = tpu.memref_squeeze %dma_wait3A_68 : memref<1x128x128xf32, #tpu.memory_space<vmem>> -> memref<128x128xf32, #tpu.memory_space<vmem>>
      tpu.wait_dma2 semaphore(%run_scoped3A_47 : memref<!tpu.dma_semaphore, #tpu.memory_space<semaphore_mem>>) src(%dma_wait3A_69 : memref<128x128xf32, #tpu.memory_space<vmem>>) dst(%dma_wait3A_65 : memref<128x128xf32, #tpu.memory_space<vmem_shared>>)
      tpu.yield
    }) : () -> ()
    %mul3A_24 = arith.constant 626 : i32
    %mul3A_25 = arith.muli %arg1, %mul3A_24 : i32
    %add3A_26 = arith.constant 384 : i32
    %add3A_27 = arith.addi %mul3A_25, %add3A_26 : i32
    %run_scoped3A_28 = arith.constant 0 : i32
    "tpu.region"() ({
      %run_scoped3A_47 = tpu.sem_alloc : memref<!tpu.dma_semaphore, #tpu.memory_space<semaphore_mem>>
      %dma_start3A = arith.constant 0 : i32
      %dma_start3A_48 = arith.constant 0 : i32
      %dma_start3A_49 = tpu.memref_slice %arg7[%run_scoped3A_28, %dma_start3A, %dma_start3A_48] : memref<3x128x128xf32, #tpu.memory_space<vmem>> -> memref<1x128x128xf32, #tpu.memory_space<vmem>>
      %dma_start3A_50 = tpu.memref_squeeze %dma_start3A_49 : memref<1x128x128xf32, #tpu.memory_space<vmem>> -> memref<128x128xf32, #tpu.memory_space<vmem>>
      %dma_start3A_51 = arith.constant 0 : i32
      %dma_start3A_52 = tpu.memref_slice %arg6[%add3A_27, %dma_start3A_51] : memref<10016x128xf32, #tpu.memory_space<vmem_shared>> -> memref<128x128xf32, #tpu.memory_space<vmem_shared>>
      %dma_start3A_53 = arith.constant 0 : i32
      %dma_start3A_54 = tpu.memref_slice %arg6[%add3A_27, %dma_start3A_53] : memref<10016x128xf32, #tpu.memory_space<vmem_shared>> -> memref<128x128xf32, #tpu.memory_space<vmem_shared>>
      %dma_start3A_55 = arith.constant 0 : i32
      %dma_start3A_56 = arith.constant 0 : i32
      %dma_start3A_57 = tpu.memref_slice %arg7[%run_scoped3A_28, %dma_start3A_55, %dma_start3A_56] : memref<3x128x128xf32, #tpu.memory_space<vmem>> -> memref<1x128x128xf32, #tpu.memory_space<vmem>>
      %dma_start3A_58 = tpu.memref_squeeze %dma_start3A_57 : memref<1x128x128xf32, #tpu.memory_space<vmem>> -> memref<128x128xf32, #tpu.memory_space<vmem>>
      tpu.enqueue_dma source(%dma_start3A_58 : memref<128x128xf32, #tpu.memory_space<vmem>>) target(%dma_start3A_54 : memref<128x128xf32, #tpu.memory_space<vmem_shared>>) target_semaphore(%run_scoped3A_47 : memref<!tpu.dma_semaphore, #tpu.memory_space<semaphore_mem>>)
      %dma_wait3A = arith.constant 0 : i32
      %dma_wait3A_59 = arith.constant 0 : i32
      %dma_wait3A_60 = tpu.memref_slice %arg7[%run_scoped3A_28, %dma_wait3A, %dma_wait3A_59] : memref<3x128x128xf32, #tpu.memory_space<vmem>> -> memref<1x128x128xf32, #tpu.memory_space<vmem>>
      %dma_wait3A_61 = tpu.memref_squeeze %dma_wait3A_60 : memref<1x128x128xf32, #tpu.memory_space<vmem>> -> memref<128x128xf32, #tpu.memory_space<vmem>>
      %dma_wait3A_62 = arith.constant 0 : i32
      %dma_wait3A_63 = tpu.memref_slice %arg6[%add3A_27, %dma_wait3A_62] : memref<10016x128xf32, #tpu.memory_space<vmem_shared>> -> memref<128x128xf32, #tpu.memory_space<vmem_shared>>
      %dma_wait3A_64 = arith.constant 0 : i32
      %dma_wait3A_65 = tpu.memref_slice %arg6[%add3A_27, %dma_wait3A_64] : memref<10016x128xf32, #tpu.memory_space<vmem_shared>> -> memref<128x128xf32, #tpu.memory_space<vmem_shared>>
      %dma_wait3A_66 = arith.constant 0 : i32
      %dma_wait3A_67 = arith.constant 0 : i32
      %dma_wait3A_68 = tpu.memref_slice %arg7[%run_scoped3A_28, %dma_wait3A_66, %dma_wait3A_67] : memref<3x128x128xf32, #tpu.memory_space<vmem>> -> memref<1x128x128xf32, #tpu.memory_space<vmem>>
      %dma_wait3A_69 = tpu.memref_squeeze %dma_wait3A_68 : memref<1x128x128xf32, #tpu.memory_space<vmem>> -> memref<128x128xf32, #tpu.memory_space<vmem>>
      tpu.wait_dma2 semaphore(%run_scoped3A_47 : memref<!tpu.dma_semaphore, #tpu.memory_space<semaphore_mem>>) src(%dma_wait3A_69 : memref<128x128xf32, #tpu.memory_space<vmem>>) dst(%dma_wait3A_65 : memref<128x128xf32, #tpu.memory_space<vmem_shared>>)
      tpu.yield
    }) : () -> ()
    %mul3A_29 = arith.constant 626 : i32
    %mul3A_30 = arith.muli %arg1, %mul3A_29 : i32
    %add3A_31 = arith.constant 512 : i32
    %add3A_32 = arith.addi %mul3A_30, %add3A_31 : i32
    %run_scoped3A_33 = arith.constant 0 : i32
    "tpu.region"() ({
      %run_scoped3A_47 = tpu.sem_alloc : memref<!tpu.dma_semaphore, #tpu.memory_space<semaphore_mem>>
      %dma_start3A = arith.constant 0 : i32
      %dma_start3A_48 = arith.constant 0 : i32
      %dma_start3A_49 = tpu.memref_slice %arg7[%run_scoped3A_33, %dma_start3A, %dma_start3A_48] : memref<3x128x128xf32, #tpu.memory_space<vmem>> -> memref<1x114x128xf32, #tpu.memory_space<vmem>>
      %dma_start3A_50 = tpu.memref_squeeze %dma_start3A_49 : memref<1x114x128xf32, #tpu.memory_space<vmem>> -> memref<114x128xf32, #tpu.memory_space<vmem>>
      %dma_start3A_51 = arith.constant 0 : i32
      %dma_start3A_52 = tpu.memref_slice %arg6[%add3A_32, %dma_start3A_51] : memref<10016x128xf32, #tpu.memory_space<vmem_shared>> -> memref<114x128xf32, #tpu.memory_space<vmem_shared>>
      %dma_start3A_53 = arith.constant 0 : i32
      %dma_start3A_54 = tpu.memref_slice %arg6[%add3A_32, %dma_start3A_53] : memref<10016x128xf32, #tpu.memory_space<vmem_shared>> -> memref<114x128xf32, #tpu.memory_space<vmem_shared>>
      %dma_start3A_55 = arith.constant 0 : i32
      %dma_start3A_56 = arith.constant 0 : i32
      %dma_start3A_57 = tpu.memref_slice %arg7[%run_scoped3A_33, %dma_start3A_55, %dma_start3A_56] : memref<3x128x128xf32, #tpu.memory_space<vmem>> -> memref<1x114x128xf32, #tpu.memory_space<vmem>>
      %dma_start3A_58 = tpu.memref_squeeze %dma_start3A_57 : memref<1x114x128xf32, #tpu.memory_space<vmem>> -> memref<114x128xf32, #tpu.memory_space<vmem>>
      tpu.enqueue_dma source(%dma_start3A_58 : memref<114x128xf32, #tpu.memory_space<vmem>>) target(%dma_start3A_54 : memref<114x128xf32, #tpu.memory_space<vmem_shared>>) target_semaphore(%run_scoped3A_47 : memref<!tpu.dma_semaphore, #tpu.memory_space<semaphore_mem>>)
      %dma_wait3A = arith.constant 0 : i32
      %dma_wait3A_59 = arith.constant 0 : i32
      %dma_wait3A_60 = tpu.memref_slice %arg7[%run_scoped3A_33, %dma_wait3A, %dma_wait3A_59] : memref<3x128x128xf32, #tpu.memory_space<vmem>> -> memref<1x114x128xf32, #tpu.memory_space<vmem>>
      %dma_wait3A_61 = tpu.memref_squeeze %dma_wait3A_60 : memref<1x114x128xf32, #tpu.memory_space<vmem>> -> memref<114x128xf32, #tpu.memory_space<vmem>>
      %dma_wait3A_62 = arith.constant 0 : i32
      %dma_wait3A_63 = tpu.memref_slice %arg6[%add3A_32, %dma_wait3A_62] : memref<10016x128xf32, #tpu.memory_space<vmem_shared>> -> memref<114x128xf32, #tpu.memory_space<vmem_shared>>
      %dma_wait3A_64 = arith.constant 0 : i32
      %dma_wait3A_65 = tpu.memref_slice %arg6[%add3A_32, %dma_wait3A_64] : memref<10016x128xf32, #tpu.memory_space<vmem_shared>> -> memref<114x128xf32, #tpu.memory_space<vmem_shared>>
      %dma_wait3A_66 = arith.constant 0 : i32
      %dma_wait3A_67 = arith.constant 0 : i32
      %dma_wait3A_68 = tpu.memref_slice %arg7[%run_scoped3A_33, %dma_wait3A_66, %dma_wait3A_67] : memref<3x128x128xf32, #tpu.memory_space<vmem>> -> memref<1x114x128xf32, #tpu.memory_space<vmem>>
      %dma_wait3A_69 = tpu.memref_squeeze %dma_wait3A_68 : memref<1x114x128xf32, #tpu.memory_space<vmem>> -> memref<114x128xf32, #tpu.memory_space<vmem>>
      tpu.wait_dma2 semaphore(%run_scoped3A_47 : memref<!tpu.dma_semaphore, #tpu.memory_space<semaphore_mem>>) src(%dma_wait3A_69 : memref<114x128xf32, #tpu.memory_space<vmem>>) dst(%dma_wait3A_65 : memref<114x128xf32, #tpu.memory_space<vmem_shared>>)
      tpu.yield
    }) : () -> ()
    %barrier3A = arith.constant 0 : index
    tpu.barrier barrier_id(%barrier3A)
    %scan3A_34 = arith.constant 0 : i32
    %scan3A_35 = arith.constant 0 : i32
    %scan3A_36 = arith.constant 13 : i32
    %scan3A_37 = arith.addi %scan3A_35, %scan3A_36 : i32
    %scan3A_38 = arith.constant 1 : i32
    scf.for %scan3A_47 = %scan3A_35 to %scan3A_37 step %scan3A_38  : i32 {
      %mul3A_48 = arith.constant 6 : i32
      %mul3A_49 = arith.muli %scan3A_47, %mul3A_48 : i32
      %add3A_50 = arith.addi %add3A_4, %mul3A_49 : i32
      "tpu.region"() ({
        %run_scoped3A_130 = tpu.sem_alloc : memref<!tpu.dma_semaphore, #tpu.memory_space<semaphore_mem>>
        %dma_start3A_131 = arith.constant 0 : i32
        %dma_start3A_132 = arith.constant 0 : i32
        %dma_start3A_133 = tpu.memref_slice %arg8[%dma_start3A_131, %dma_start3A_132] : memref<6x128xi32, #tpu.memory_space<vmem>> -> memref<6x128xi32, #tpu.memory_space<vmem>>
        %dma_start3A_134 = arith.constant 0 : i32
        %dma_start3A_135 = tpu.memref_slice %arg3[%add3A_50, %dma_start3A_134] : memref<2500x128xi32, #tpu.memory_space<hbm>> -> memref<6x128xi32, #tpu.memory_space<hbm>>
        %dma_start3A_136 = arith.constant 0 : i32
        %dma_start3A_137 = arith.constant 0 : i32
        %dma_start3A_138 = tpu.memref_slice %arg8[%dma_start3A_136, %dma_start3A_137] : memref<6x128xi32, #tpu.memory_space<vmem>> -> memref<6x128xi32, #tpu.memory_space<vmem>>
        %dma_start3A_139 = arith.constant 0 : i32
        %dma_start3A_140 = tpu.memref_slice %arg3[%add3A_50, %dma_start3A_139] : memref<2500x128xi32, #tpu.memory_space<hbm>> -> memref<6x128xi32, #tpu.memory_space<hbm>>
        tpu.enqueue_dma source(%dma_start3A_140 : memref<6x128xi32, #tpu.memory_space<hbm>>) target(%dma_start3A_138 : memref<6x128xi32, #tpu.memory_space<vmem>>) target_semaphore(%run_scoped3A_130 : memref<!tpu.dma_semaphore, #tpu.memory_space<semaphore_mem>>)
        %dma_wait3A_141 = arith.constant 0 : i32
        %dma_wait3A_142 = arith.constant 0 : i32
        %dma_wait3A_143 = tpu.memref_slice %arg8[%dma_wait3A_141, %dma_wait3A_142] : memref<6x128xi32, #tpu.memory_space<vmem>> -> memref<6x128xi32, #tpu.memory_space<vmem>>
        %dma_wait3A_144 = arith.constant 0 : i32
        %dma_wait3A_145 = tpu.memref_slice %arg3[%add3A_50, %dma_wait3A_144] : memref<2500x128xi32, #tpu.memory_space<hbm>> -> memref<6x128xi32, #tpu.memory_space<hbm>>
        %dma_wait3A_146 = arith.constant 0 : i32
        %dma_wait3A_147 = arith.constant 0 : i32
        %dma_wait3A_148 = tpu.memref_slice %arg8[%dma_wait3A_146, %dma_wait3A_147] : memref<6x128xi32, #tpu.memory_space<vmem>> -> memref<6x128xi32, #tpu.memory_space<vmem>>
        %dma_wait3A_149 = arith.constant 0 : i32
        %dma_wait3A_150 = tpu.memref_slice %arg3[%add3A_50, %dma_wait3A_149] : memref<2500x128xi32, #tpu.memory_space<hbm>> -> memref<6x128xi32, #tpu.memory_space<hbm>>
        tpu.wait_dma2 semaphore(%run_scoped3A_130 : memref<!tpu.dma_semaphore, #tpu.memory_space<semaphore_mem>>) src(%dma_wait3A_150 : memref<6x128xi32, #tpu.memory_space<hbm>>) dst(%dma_wait3A_148 : memref<6x128xi32, #tpu.memory_space<vmem>>)
        tpu.yield
      }) : () -> ()
      "tpu.region"() ({
        %run_scoped3A_130 = tpu.sem_alloc : memref<!tpu.dma_semaphore, #tpu.memory_space<semaphore_mem>>
        %dma_start3A_131 = arith.constant 0 : i32
        %dma_start3A_132 = arith.constant 0 : i32
        %dma_start3A_133 = tpu.memref_slice %arg9[%dma_start3A_131, %dma_start3A_132] : memref<6x128xi32, #tpu.memory_space<vmem>> -> memref<6x128xi32, #tpu.memory_space<vmem>>
        %dma_start3A_134 = arith.constant 0 : i32
        %dma_start3A_135 = tpu.memref_slice %arg4[%add3A_50, %dma_start3A_134] : memref<2500x128xi32, #tpu.memory_space<hbm>> -> memref<6x128xi32, #tpu.memory_space<hbm>>
        %dma_start3A_136 = arith.constant 0 : i32
        %dma_start3A_137 = arith.constant 0 : i32
        %dma_start3A_138 = tpu.memref_slice %arg9[%dma_start3A_136, %dma_start3A_137] : memref<6x128xi32, #tpu.memory_space<vmem>> -> memref<6x128xi32, #tpu.memory_space<vmem>>
        %dma_start3A_139 = arith.constant 0 : i32
        %dma_start3A_140 = tpu.memref_slice %arg4[%add3A_50, %dma_start3A_139] : memref<2500x128xi32, #tpu.memory_space<hbm>> -> memref<6x128xi32, #tpu.memory_space<hbm>>
        tpu.enqueue_dma source(%dma_start3A_140 : memref<6x128xi32, #tpu.memory_space<hbm>>) target(%dma_start3A_138 : memref<6x128xi32, #tpu.memory_space<vmem>>) target_semaphore(%run_scoped3A_130 : memref<!tpu.dma_semaphore, #tpu.memory_space<semaphore_mem>>)
        %dma_wait3A_141 = arith.constant 0 : i32
        %dma_wait3A_142 = arith.constant 0 : i32
        %dma_wait3A_143 = tpu.memref_slice %arg9[%dma_wait3A_141, %dma_wait3A_142] : memref<6x128xi32, #tpu.memory_space<vmem>> -> memref<6x128xi32, #tpu.memory_space<vmem>>
        %dma_wait3A_144 = arith.constant 0 : i32
        %dma_wait3A_145 = tpu.memref_slice %arg4[%add3A_50, %dma_wait3A_144] : memref<2500x128xi32, #tpu.memory_space<hbm>> -> memref<6x128xi32, #tpu.memory_space<hbm>>
        %dma_wait3A_146 = arith.constant 0 : i32
        %dma_wait3A_147 = arith.constant 0 : i32
        %dma_wait3A_148 = tpu.memref_slice %arg9[%dma_wait3A_146, %dma_wait3A_147] : memref<6x128xi32, #tpu.memory_space<vmem>> -> memref<6x128xi32, #tpu.memory_space<vmem>>
        %dma_wait3A_149 = arith.constant 0 : i32
        %dma_wait3A_150 = tpu.memref_slice %arg4[%add3A_50, %dma_wait3A_149] : memref<2500x128xi32, #tpu.memory_space<hbm>> -> memref<6x128xi32, #tpu.memory_space<hbm>>
        tpu.wait_dma2 semaphore(%run_scoped3A_130 : memref<!tpu.dma_semaphore, #tpu.memory_space<semaphore_mem>>) src(%dma_wait3A_150 : memref<6x128xi32, #tpu.memory_space<hbm>>) dst(%dma_wait3A_148 : memref<6x128xi32, #tpu.memory_space<vmem>>)
        tpu.yield
      }) : () -> ()
      %dma_start3A = arith.constant 0 : i32
      %dma_start3A_51 = arith.constant 0 : i32
      %dma_start3A_52 = arith.constant 0 : i32
      %dma_start3A_53 = arith.constant 0 : i32
      %dma_start3A_54 = arith.constant 0 : i32
      %dma_start3A_55 = tpu.memref_slice %arg7[%dma_start3A_51, %dma_start3A_53, %dma_start3A_54] : memref<3x128x128xf32, #tpu.memory_space<vmem>> -> memref<1x128x128xf32, #tpu.memory_space<vmem>>
      %dma_start3A_56 = tpu.memref_squeeze %dma_start3A_55 : memref<1x128x128xf32, #tpu.memory_space<vmem>> -> memref<128x128xf32, #tpu.memory_space<vmem>>
      %dma_start3A_57 = arith.constant 0 : i32
      %dma_start3A_58 = tpu.memref_slice %arg8[%dma_start3A, %dma_start3A_57] : memref<6x128xi32, #tpu.memory_space<vmem>> -> memref<1x128xi32, #tpu.memory_space<vmem>>
      %dma_start3A_59 = tpu.memref_squeeze %dma_start3A_58 : memref<1x128xi32, #tpu.memory_space<vmem>> -> memref<128xi32, #tpu.memory_space<vmem>>
      %dma_start3A_60 = arith.constant 0 : i32
      %dma_start3A_61 = arith.constant 0 : i32
      %dma_start3A_62 = tpu.memref_slice %arg2[%dma_start3A_60, %dma_start3A_61] : memref<10240x128xf32, #tpu.memory_space<hbm>> -> memref<10240x128xf32, #tpu.memory_space<hbm>>
      %dma_start3A_63 = tpu.memref_slice %arg10[%dma_start3A_52] : memref<3x!tpu.dma_semaphore, #tpu.memory_space<semaphore_mem>> -> memref<1x!tpu.dma_semaphore, #tpu.memory_space<semaphore_mem>>
      %dma_start3A_64 = tpu.memref_squeeze %dma_start3A_63 : memref<1x!tpu.dma_semaphore, #tpu.memory_space<semaphore_mem>> -> memref<!tpu.dma_semaphore, #tpu.memory_space<semaphore_mem>>
      tpu.enqueue_indirect_dma source(%dma_start3A_62 : memref<10240x128xf32, #tpu.memory_space<hbm>>) target(%dma_start3A_56 : memref<128x128xf32, #tpu.memory_space<vmem>>) offsets(%dma_start3A_59 : memref<128xi32, #tpu.memory_space<vmem>>) semaphore(%dma_start3A_64 : memref<!tpu.dma_semaphore, #tpu.memory_space<semaphore_mem>>)
      %dma_start3A_65 = arith.constant 1 : i32
      %dma_start3A_66 = arith.constant 1 : i32
      %dma_start3A_67 = arith.constant 1 : i32
      %dma_start3A_68 = arith.constant 0 : i32
      %dma_start3A_69 = arith.constant 0 : i32
      %dma_start3A_70 = tpu.memref_slice %arg7[%dma_start3A_66, %dma_start3A_68, %dma_start3A_69] : memref<3x128x128xf32, #tpu.memory_space<vmem>> -> memref<1x128x128xf32, #tpu.memory_space<vmem>>
      %dma_start3A_71 = tpu.memref_squeeze %dma_start3A_70 : memref<1x128x128xf32, #tpu.memory_space<vmem>> -> memref<128x128xf32, #tpu.memory_space<vmem>>
      %dma_start3A_72 = arith.constant 0 : i32
      %dma_start3A_73 = tpu.memref_slice %arg8[%dma_start3A_65, %dma_start3A_72] : memref<6x128xi32, #tpu.memory_space<vmem>> -> memref<1x128xi32, #tpu.memory_space<vmem>>
      %dma_start3A_74 = tpu.memref_squeeze %dma_start3A_73 : memref<1x128xi32, #tpu.memory_space<vmem>> -> memref<128xi32, #tpu.memory_space<vmem>>
      %dma_start3A_75 = arith.constant 0 : i32
      %dma_start3A_76 = arith.constant 0 : i32
      %dma_start3A_77 = tpu.memref_slice %arg2[%dma_start3A_75, %dma_start3A_76] : memref<10240x128xf32, #tpu.memory_space<hbm>> -> memref<10240x128xf32, #tpu.memory_space<hbm>>
      %dma_start3A_78 = tpu.memref_slice %arg10[%dma_start3A_67] : memref<3x!tpu.dma_semaphore, #tpu.memory_space<semaphore_mem>> -> memref<1x!tpu.dma_semaphore, #tpu.memory_space<semaphore_mem>>
      %dma_start3A_79 = tpu.memref_squeeze %dma_start3A_78 : memref<1x!tpu.dma_semaphore, #tpu.memory_space<semaphore_mem>> -> memref<!tpu.dma_semaphore, #tpu.memory_space<semaphore_mem>>
      tpu.enqueue_indirect_dma source(%dma_start3A_77 : memref<10240x128xf32, #tpu.memory_space<hbm>>) target(%dma_start3A_71 : memref<128x128xf32, #tpu.memory_space<vmem>>) offsets(%dma_start3A_74 : memref<128xi32, #tpu.memory_space<vmem>>) semaphore(%dma_start3A_79 : memref<!tpu.dma_semaphore, #tpu.memory_space<semaphore_mem>>)
      %scan3A_80 = arith.constant 0 : i32
      %scan3A_81 = arith.constant 0 : i32
      %scan3A_82 = arith.constant 6 : i32
      %scan3A_83 = arith.addi %scan3A_81, %scan3A_82 : i32
      %scan3A_84 = arith.constant 1 : i32
      scf.for %scan3A_130 = %scan3A_81 to %scan3A_83 step %scan3A_84  : i32 {
        %rem3A = arith.constant 3 : i32
        %rem3A_131 = arith.remsi %scan3A_130, %rem3A : i32
        %dma_wait3A_132 = arith.constant 0 : i32
        %dma_wait3A_133 = arith.constant 0 : i32
        %dma_wait3A_134 = tpu.memref_slice %arg7[%rem3A_131, %dma_wait3A_132, %dma_wait3A_133] : memref<3x128x128xf32, #tpu.memory_space<vmem>> -> memref<1x128x128xf32, #tpu.memory_space<vmem>>
        %dma_wait3A_135 = tpu.memref_squeeze %dma_wait3A_134 : memref<1x128x128xf32, #tpu.memory_space<vmem>> -> memref<128x128xf32, #tpu.memory_space<vmem>>
        %dma_wait3A_136 = arith.constant 0 : i32
        %dma_wait3A_137 = tpu.memref_slice %arg8[%scan3A_130, %dma_wait3A_136] : memref<6x128xi32, #tpu.memory_space<vmem>> -> memref<1x128xi32, #tpu.memory_space<vmem>>
        %dma_wait3A_138 = tpu.memref_squeeze %dma_wait3A_137 : memref<1x128xi32, #tpu.memory_space<vmem>> -> memref<128xi32, #tpu.memory_space<vmem>>
        %dma_wait3A_139 = arith.constant 0 : i32
        %dma_wait3A_140 = arith.constant 0 : i32
        %dma_wait3A_141 = tpu.memref_slice %arg2[%dma_wait3A_139, %dma_wait3A_140] : memref<10240x128xf32, #tpu.memory_space<hbm>> -> memref<10240x128xf32, #tpu.memory_space<hbm>>
        %dma_wait3A_142 = tpu.memref_slice %arg10[%rem3A_131] : memref<3x!tpu.dma_semaphore, #tpu.memory_space<semaphore_mem>> -> memref<1x!tpu.dma_semaphore, #tpu.memory_space<semaphore_mem>>
        %dma_wait3A_143 = tpu.memref_squeeze %dma_wait3A_142 : memref<1x!tpu.dma_semaphore, #tpu.memory_space<semaphore_mem>> -> memref<!tpu.dma_semaphore, #tpu.memory_space<semaphore_mem>>
        tpu.wait_indirect_dma semaphore(%dma_wait3A_143 : memref<!tpu.dma_semaphore, #tpu.memory_space<semaphore_mem>>) src(%dma_wait3A_141 : memref<10240x128xf32, #tpu.memory_space<hbm>>) dst(%dma_wait3A_135 : memref<128x128xf32, #tpu.memory_space<vmem>>)
        %dma_start3A_144 = arith.constant 0 : i32
        %dma_start3A_145 = arith.constant 0 : i32
        %dma_start3A_146 = tpu.memref_slice %arg7[%rem3A_131, %dma_start3A_144, %dma_start3A_145] : memref<3x128x128xf32, #tpu.memory_space<vmem>> -> memref<1x128x128xf32, #tpu.memory_space<vmem>>
        %dma_start3A_147 = tpu.memref_squeeze %dma_start3A_146 : memref<1x128x128xf32, #tpu.memory_space<vmem>> -> memref<128x128xf32, #tpu.memory_space<vmem>>
        %dma_start3A_148 = arith.constant 0 : i32
        %dma_start3A_149 = tpu.memref_slice %arg9[%scan3A_130, %dma_start3A_148] : memref<6x128xi32, #tpu.memory_space<vmem>> -> memref<1x128xi32, #tpu.memory_space<vmem>>
        %dma_start3A_150 = tpu.memref_squeeze %dma_start3A_149 : memref<1x128xi32, #tpu.memory_space<vmem>> -> memref<128xi32, #tpu.memory_space<vmem>>
        %dma_start3A_151 = arith.constant 0 : i32
        %dma_start3A_152 = arith.constant 0 : i32
        %dma_start3A_153 = tpu.memref_slice %arg6[%dma_start3A_151, %dma_start3A_152] : memref<10016x128xf32, #tpu.memory_space<vmem_shared>> -> memref<10016x128xf32, #tpu.memory_space<vmem_shared>>
        %dma_start3A_154 = tpu.memref_slice %arg11[%rem3A_131] : memref<3x!tpu.dma_semaphore, #tpu.memory_space<semaphore_mem>> -> memref<1x!tpu.dma_semaphore, #tpu.memory_space<semaphore_mem>>
        %dma_start3A_155 = tpu.memref_squeeze %dma_start3A_154 : memref<1x!tpu.dma_semaphore, #tpu.memory_space<semaphore_mem>> -> memref<!tpu.dma_semaphore, #tpu.memory_space<semaphore_mem>>
        tpu.enqueue_indirect_dma source(%dma_start3A_147 : memref<128x128xf32, #tpu.memory_space<vmem>>) target(%dma_start3A_153 : memref<10016x128xf32, #tpu.memory_space<vmem_shared>>) offsets(%dma_start3A_150 : memref<128xi32, #tpu.memory_space<vmem>>) semaphore(%dma_start3A_155 : memref<!tpu.dma_semaphore, #tpu.memory_space<semaphore_mem>>) {add = true}
        %add3A_156 = arith.constant 2 : i32
        %add3A_157 = arith.addi %scan3A_130, %add3A_156 : i32
        %lt3A_158 = arith.constant 6 : i32
        %lt3A_159 = arith.cmpi slt, %add3A_157, %lt3A_158 : i32
        %convert_element_type3A_160 = arith.extui %lt3A_159 : i1 to i32
        %cond3A_161 = arith.constant 0 : i32
        %cond3A_162 = arith.cmpi ne, %convert_element_type3A_160, %cond3A_161 : i32
        scf.if %cond3A_162 {
          %add3A_163 = arith.constant 2 : i32
          %add3A_164 = arith.addi %scan3A_130, %add3A_163 : i32
          %rem3A_165 = arith.constant 3 : i32
          %rem3A_166 = arith.remsi %add3A_164, %rem3A_165 : i32
          %ge3A = arith.constant 1 : i32
          %ge3A_167 = arith.cmpi sge, %scan3A_130, %ge3A : i32
          %convert_element_type3A_168 = arith.extui %ge3A_167 : i1 to i32
          %cond3A_169 = arith.constant 0 : i32
          %cond3A_170 = arith.cmpi ne, %convert_element_type3A_168, %cond3A_169 : i32
          scf.if %cond3A_170 {
            %dma_wait3A_185 = arith.constant 0 : i32
            %dma_wait3A_186 = arith.constant 0 : i32
            %dma_wait3A_187 = tpu.memref_slice %arg7[%rem3A_166, %dma_wait3A_185, %dma_wait3A_186] : memref<3x128x128xf32, #tpu.memory_space<vmem>> -> memref<1x128x128xf32, #tpu.memory_space<vmem>>
            %dma_wait3A_188 = tpu.memref_squeeze %dma_wait3A_187 : memref<1x128x128xf32, #tpu.memory_space<vmem>> -> memref<128x128xf32, #tpu.memory_space<vmem>>
            %dma_wait3A_189 = arith.constant 0 : i32
            %dma_wait3A_190 = tpu.memref_slice %arg9[%scan3A_130, %dma_wait3A_189] : memref<6x128xi32, #tpu.memory_space<vmem>> -> memref<1x128xi32, #tpu.memory_space<vmem>>
            %dma_wait3A_191 = tpu.memref_squeeze %dma_wait3A_190 : memref<1x128xi32, #tpu.memory_space<vmem>> -> memref<128xi32, #tpu.memory_space<vmem>>
            %dma_wait3A_192 = arith.constant 0 : i32
            %dma_wait3A_193 = arith.constant 0 : i32
            %dma_wait3A_194 = tpu.memref_slice %arg6[%dma_wait3A_192, %dma_wait3A_193] : memref<10016x128xf32, #tpu.memory_space<vmem_shared>> -> memref<10016x128xf32, #tpu.memory_space<vmem_shared>>
            %dma_wait3A_195 = tpu.memref_slice %arg11[%rem3A_166] : memref<3x!tpu.dma_semaphore, #tpu.memory_space<semaphore_mem>> -> memref<1x!tpu.dma_semaphore, #tpu.memory_space<semaphore_mem>>
            %dma_wait3A_196 = tpu.memref_squeeze %dma_wait3A_195 : memref<1x!tpu.dma_semaphore, #tpu.memory_space<semaphore_mem>> -> memref<!tpu.dma_semaphore, #tpu.memory_space<semaphore_mem>>
            tpu.wait_indirect_dma semaphore(%dma_wait3A_196 : memref<!tpu.dma_semaphore, #tpu.memory_space<semaphore_mem>>) src(%dma_wait3A_188 : memref<128x128xf32, #tpu.memory_space<vmem>>) dst(%dma_wait3A_194 : memref<10016x128xf32, #tpu.memory_space<vmem_shared>>)
          } else {
          }
          %add3A_171 = arith.constant 2 : i32
          %add3A_172 = arith.addi %scan3A_130, %add3A_171 : i32
          %dma_start3A_173 = arith.constant 0 : i32
          %dma_start3A_174 = arith.constant 0 : i32
          %dma_start3A_175 = tpu.memref_slice %arg7[%rem3A_166, %dma_start3A_173, %dma_start3A_174] : memref<3x128x128xf32, #tpu.memory_space<vmem>> -> memref<1x128x128xf32, #tpu.memory_space<vmem>>
          %dma_start3A_176 = tpu.memref_squeeze %dma_start3A_175 : memref<1x128x128xf32, #tpu.memory_space<vmem>> -> memref<128x128xf32, #tpu.memory_space<vmem>>
          %dma_start3A_177 = arith.constant 0 : i32
          %dma_start3A_178 = tpu.memref_slice %arg8[%add3A_172, %dma_start3A_177] : memref<6x128xi32, #tpu.memory_space<vmem>> -> memref<1x128xi32, #tpu.memory_space<vmem>>
          %dma_start3A_179 = tpu.memref_squeeze %dma_start3A_178 : memref<1x128xi32, #tpu.memory_space<vmem>> -> memref<128xi32, #tpu.memory_space<vmem>>
          %dma_start3A_180 = arith.constant 0 : i32
          %dma_start3A_181 = arith.constant 0 : i32
          %dma_start3A_182 = tpu.memref_slice %arg2[%dma_start3A_180, %dma_start3A_181] : memref<10240x128xf32, #tpu.memory_space<hbm>> -> memref<10240x128xf32, #tpu.memory_space<hbm>>
          %dma_start3A_183 = tpu.memref_slice %arg10[%rem3A_166] : memref<3x!tpu.dma_semaphore, #tpu.memory_space<semaphore_mem>> -> memref<1x!tpu.dma_semaphore, #tpu.memory_space<semaphore_mem>>
          %dma_start3A_184 = tpu.memref_squeeze %dma_start3A_183 : memref<1x!tpu.dma_semaphore, #tpu.memory_space<semaphore_mem>> -> memref<!tpu.dma_semaphore, #tpu.memory_space<semaphore_mem>>
          tpu.enqueue_indirect_dma source(%dma_start3A_182 : memref<10240x128xf32, #tpu.memory_space<hbm>>) target(%dma_start3A_176 : memref<128x128xf32, #tpu.memory_space<vmem>>) offsets(%dma_start3A_179 : memref<128xi32, #tpu.memory_space<vmem>>) semaphore(%dma_start3A_184 : memref<!tpu.dma_semaphore, #tpu.memory_space<semaphore_mem>>)
        } else {
        }
      }
      %scan3A_85 = arith.constant 6 : i32
      %dma_wait3A = arith.constant 0 : i32
      %dma_wait3A_86 = arith.constant 3 : i32
      %dma_wait3A_87 = arith.constant 0 : i32
      %dma_wait3A_88 = arith.constant 0 : i32
      %dma_wait3A_89 = arith.constant 0 : i32
      %dma_wait3A_90 = tpu.memref_slice %arg7[%dma_wait3A, %dma_wait3A_88, %dma_wait3A_89] : memref<3x128x128xf32, #tpu.memory_space<vmem>> -> memref<1x128x128xf32, #tpu.memory_space<vmem>>
      %dma_wait3A_91 = tpu.memref_squeeze %dma_wait3A_90 : memref<1x128x128xf32, #tpu.memory_space<vmem>> -> memref<128x128xf32, #tpu.memory_space<vmem>>
      %dma_wait3A_92 = arith.constant 0 : i32
      %dma_wait3A_93 = tpu.memref_slice %arg9[%dma_wait3A_86, %dma_wait3A_92] : memref<6x128xi32, #tpu.memory_space<vmem>> -> memref<1x128xi32, #tpu.memory_space<vmem>>
      %dma_wait3A_94 = tpu.memref_squeeze %dma_wait3A_93 : memref<1x128xi32, #tpu.memory_space<vmem>> -> memref<128xi32, #tpu.memory_space<vmem>>
      %dma_wait3A_95 = arith.constant 0 : i32
      %dma_wait3A_96 = arith.constant 0 : i32
      %dma_wait3A_97 = tpu.memref_slice %arg6[%dma_wait3A_95, %dma_wait3A_96] : memref<10016x128xf32, #tpu.memory_space<vmem_shared>> -> memref<10016x128xf32, #tpu.memory_space<vmem_shared>>
      %dma_wait3A_98 = tpu.memref_slice %arg11[%dma_wait3A_87] : memref<3x!tpu.dma_semaphore, #tpu.memory_space<semaphore_mem>> -> memref<1x!tpu.dma_semaphore, #tpu.memory_space<semaphore_mem>>
      %dma_wait3A_99 = tpu.memref_squeeze %dma_wait3A_98 : memref<1x!tpu.dma_semaphore, #tpu.memory_space<semaphore_mem>> -> memref<!tpu.dma_semaphore, #tpu.memory_space<semaphore_mem>>
      tpu.wait_indirect_dma semaphore(%dma_wait3A_99 : memref<!tpu.dma_semaphore, #tpu.memory_space<semaphore_mem>>) src(%dma_wait3A_91 : memref<128x128xf32, #tpu.memory_space<vmem>>) dst(%dma_wait3A_97 : memref<10016x128xf32, #tpu.memory_space<vmem_shared>>)
      %dma_wait3A_100 = arith.constant 1 : i32
      %dma_wait3A_101 = arith.constant 4 : i32
      %dma_wait3A_102 = arith.constant 1 : i32
      %dma_wait3A_103 = arith.constant 0 : i32
      %dma_wait3A_104 = arith.constant 0 : i32
      %dma_wait3A_105 = tpu.memref_slice %arg7[%dma_wait3A_100, %dma_wait3A_103, %dma_wait3A_104] : memref<3x128x128xf32, #tpu.memory_space<vmem>> -> memref<1x128x128xf32, #tpu.memory_space<vmem>>
      %dma_wait3A_106 = tpu.memref_squeeze %dma_wait3A_105 : memref<1x128x128xf32, #tpu.memory_space<vmem>> -> memref<128x128xf32, #tpu.memory_space<vmem>>
      %dma_wait3A_107 = arith.constant 0 : i32
      %dma_wait3A_108 = tpu.memref_slice %arg9[%dma_wait3A_101, %dma_wait3A_107] : memref<6x128xi32, #tpu.memory_space<vmem>> -> memref<1x128xi32, #tpu.memory_space<vmem>>
      %dma_wait3A_109 = tpu.memref_squeeze %dma_wait3A_108 : memref<1x128xi32, #tpu.memory_space<vmem>> -> memref<128xi32, #tpu.memory_space<vmem>>
      %dma_wait3A_110 = arith.constant 0 : i32
      %dma_wait3A_111 = arith.constant 0 : i32
      %dma_wait3A_112 = tpu.memref_slice %arg6[%dma_wait3A_110, %dma_wait3A_111] : memref<10016x128xf32, #tpu.memory_space<vmem_shared>> -> memref<10016x128xf32, #tpu.memory_space<vmem_shared>>
      %dma_wait3A_113 = tpu.memref_slice %arg11[%dma_wait3A_102] : memref<3x!tpu.dma_semaphore, #tpu.memory_space<semaphore_mem>> -> memref<1x!tpu.dma_semaphore, #tpu.memory_space<semaphore_mem>>
      %dma_wait3A_114 = tpu.memref_squeeze %dma_wait3A_113 : memref<1x!tpu.dma_semaphore, #tpu.memory_space<semaphore_mem>> -> memref<!tpu.dma_semaphore, #tpu.memory_space<semaphore_mem>>
      tpu.wait_indirect_dma semaphore(%dma_wait3A_114 : memref<!tpu.dma_semaphore, #tpu.memory_space<semaphore_mem>>) src(%dma_wait3A_106 : memref<128x128xf32, #tpu.memory_space<vmem>>) dst(%dma_wait3A_112 : memref<10016x128xf32, #tpu.memory_space<vmem_shared>>)
      %dma_wait3A_115 = arith.constant 2 : i32
      %dma_wait3A_116 = arith.constant 5 : i32
      %dma_wait3A_117 = arith.constant 2 : i32
      %dma_wait3A_118 = arith.constant 0 : i32
      %dma_wait3A_119 = arith.constant 0 : i32
      %dma_wait3A_120 = tpu.memref_slice %arg7[%dma_wait3A_115, %dma_wait3A_118, %dma_wait3A_119] : memref<3x128x128xf32, #tpu.memory_space<vmem>> -> memref<1x128x128xf32, #tpu.memory_space<vmem>>
      %dma_wait3A_121 = tpu.memref_squeeze %dma_wait3A_120 : memref<1x128x128xf32, #tpu.memory_space<vmem>> -> memref<128x128xf32, #tpu.memory_space<vmem>>
      %dma_wait3A_122 = arith.constant 0 : i32
      %dma_wait3A_123 = tpu.memref_slice %arg9[%dma_wait3A_116, %dma_wait3A_122] : memref<6x128xi32, #tpu.memory_space<vmem>> -> memref<1x128xi32, #tpu.memory_space<vmem>>
      %dma_wait3A_124 = tpu.memref_squeeze %dma_wait3A_123 : memref<1x128xi32, #tpu.memory_space<vmem>> -> memref<128xi32, #tpu.memory_space<vmem>>
      %dma_wait3A_125 = arith.constant 0 : i32
      %dma_wait3A_126 = arith.constant 0 : i32
      %dma_wait3A_127 = tpu.memref_slice %arg6[%dma_wait3A_125, %dma_wait3A_126] : memref<10016x128xf32, #tpu.memory_space<vmem_shared>> -> memref<10016x128xf32, #tpu.memory_space<vmem_shared>>
      %dma_wait3A_128 = tpu.memref_slice %arg11[%dma_wait3A_117] : memref<3x!tpu.dma_semaphore, #tpu.memory_space<semaphore_mem>> -> memref<1x!tpu.dma_semaphore, #tpu.memory_space<semaphore_mem>>
      %dma_wait3A_129 = tpu.memref_squeeze %dma_wait3A_128 : memref<1x!tpu.dma_semaphore, #tpu.memory_space<semaphore_mem>> -> memref<!tpu.dma_semaphore, #tpu.memory_space<semaphore_mem>>
      tpu.wait_indirect_dma semaphore(%dma_wait3A_129 : memref<!tpu.dma_semaphore, #tpu.memory_space<semaphore_mem>>) src(%dma_wait3A_121 : memref<128x128xf32, #tpu.memory_space<vmem>>) dst(%dma_wait3A_127 : memref<10016x128xf32, #tpu.memory_space<vmem_shared>>)
    }
    %scan3A_39 = arith.constant 13 : i32
    %lt3A = arith.constant 4 : i32
    %lt3A_40 = arith.cmpi slt, %add3A, %lt3A : i32
    %convert_element_type3A = arith.extui %lt3A_40 : i1 to i32
    %cond3A = arith.constant 0 : i32
    %cond3A_41 = arith.cmpi ne, %convert_element_type3A, %cond3A : i32
    scf.if %cond3A_41 {
      %add3A_47 = arith.constant 78 : i32
      %add3A_48 = arith.addi %add3A_4, %add3A_47 : i32
      "tpu.region"() ({
        %run_scoped3A_112 = tpu.sem_alloc : memref<!tpu.dma_semaphore, #tpu.memory_space<semaphore_mem>>
        %dma_start3A_113 = arith.constant 0 : i32
        %dma_start3A_114 = arith.constant 0 : i32
        %dma_start3A_115 = tpu.memref_slice %arg8[%dma_start3A_113, %dma_start3A_114] : memref<6x128xi32, #tpu.memory_space<vmem>> -> memref<1x128xi32, #tpu.memory_space<vmem>>
        %dma_start3A_116 = arith.constant 0 : i32
        %dma_start3A_117 = tpu.memref_slice %arg3[%add3A_48, %dma_start3A_116] : memref<2500x128xi32, #tpu.memory_space<hbm>> -> memref<1x128xi32, #tpu.memory_space<hbm>>
        %dma_start3A_118 = arith.constant 0 : i32
        %dma_start3A_119 = arith.constant 0 : i32
        %dma_start3A_120 = tpu.memref_slice %arg8[%dma_start3A_118, %dma_start3A_119] : memref<6x128xi32, #tpu.memory_space<vmem>> -> memref<1x128xi32, #tpu.memory_space<vmem>>
        %dma_start3A_121 = arith.constant 0 : i32
        %dma_start3A_122 = tpu.memref_slice %arg3[%add3A_48, %dma_start3A_121] : memref<2500x128xi32, #tpu.memory_space<hbm>> -> memref<1x128xi32, #tpu.memory_space<hbm>>
        tpu.enqueue_dma source(%dma_start3A_122 : memref<1x128xi32, #tpu.memory_space<hbm>>) target(%dma_start3A_120 : memref<1x128xi32, #tpu.memory_space<vmem>>) target_semaphore(%run_scoped3A_112 : memref<!tpu.dma_semaphore, #tpu.memory_space<semaphore_mem>>)
        %dma_wait3A_123 = arith.constant 0 : i32
        %dma_wait3A_124 = arith.constant 0 : i32
        %dma_wait3A_125 = tpu.memref_slice %arg8[%dma_wait3A_123, %dma_wait3A_124] : memref<6x128xi32, #tpu.memory_space<vmem>> -> memref<1x128xi32, #tpu.memory_space<vmem>>
        %dma_wait3A_126 = arith.constant 0 : i32
        %dma_wait3A_127 = tpu.memref_slice %arg3[%add3A_48, %dma_wait3A_126] : memref<2500x128xi32, #tpu.memory_space<hbm>> -> memref<1x128xi32, #tpu.memory_space<hbm>>
        %dma_wait3A_128 = arith.constant 0 : i32
        %dma_wait3A_129 = arith.constant 0 : i32
        %dma_wait3A_130 = tpu.memref_slice %arg8[%dma_wait3A_128, %dma_wait3A_129] : memref<6x128xi32, #tpu.memory_space<vmem>> -> memref<1x128xi32, #tpu.memory_space<vmem>>
        %dma_wait3A_131 = arith.constant 0 : i32
        %dma_wait3A_132 = tpu.memref_slice %arg3[%add3A_48, %dma_wait3A_131] : memref<2500x128xi32, #tpu.memory_space<hbm>> -> memref<1x128xi32, #tpu.memory_space<hbm>>
        tpu.wait_dma2 semaphore(%run_scoped3A_112 : memref<!tpu.dma_semaphore, #tpu.memory_space<semaphore_mem>>) src(%dma_wait3A_132 : memref<1x128xi32, #tpu.memory_space<hbm>>) dst(%dma_wait3A_130 : memref<1x128xi32, #tpu.memory_space<vmem>>)
        tpu.yield
      }) : () -> ()
      "tpu.region"() ({
        %run_scoped3A_112 = tpu.sem_alloc : memref<!tpu.dma_semaphore, #tpu.memory_space<semaphore_mem>>
        %dma_start3A_113 = arith.constant 0 : i32
        %dma_start3A_114 = arith.constant 0 : i32
        %dma_start3A_115 = tpu.memref_slice %arg9[%dma_start3A_113, %dma_start3A_114] : memref<6x128xi32, #tpu.memory_space<vmem>> -> memref<1x128xi32, #tpu.memory_space<vmem>>
        %dma_start3A_116 = arith.constant 0 : i32
        %dma_start3A_117 = tpu.memref_slice %arg4[%add3A_48, %dma_start3A_116] : memref<2500x128xi32, #tpu.memory_space<hbm>> -> memref<1x128xi32, #tpu.memory_space<hbm>>
        %dma_start3A_118 = arith.constant 0 : i32
        %dma_start3A_119 = arith.constant 0 : i32
        %dma_start3A_120 = tpu.memref_slice %arg9[%dma_start3A_118, %dma_start3A_119] : memref<6x128xi32, #tpu.memory_space<vmem>> -> memref<1x128xi32, #tpu.memory_space<vmem>>
        %dma_start3A_121 = arith.constant 0 : i32
        %dma_start3A_122 = tpu.memref_slice %arg4[%add3A_48, %dma_start3A_121] : memref<2500x128xi32, #tpu.memory_space<hbm>> -> memref<1x128xi32, #tpu.memory_space<hbm>>
        tpu.enqueue_dma source(%dma_start3A_122 : memref<1x128xi32, #tpu.memory_space<hbm>>) target(%dma_start3A_120 : memref<1x128xi32, #tpu.memory_space<vmem>>) target_semaphore(%run_scoped3A_112 : memref<!tpu.dma_semaphore, #tpu.memory_space<semaphore_mem>>)
        %dma_wait3A_123 = arith.constant 0 : i32
        %dma_wait3A_124 = arith.constant 0 : i32
        %dma_wait3A_125 = tpu.memref_slice %arg9[%dma_wait3A_123, %dma_wait3A_124] : memref<6x128xi32, #tpu.memory_space<vmem>> -> memref<1x128xi32, #tpu.memory_space<vmem>>
        %dma_wait3A_126 = arith.constant 0 : i32
        %dma_wait3A_127 = tpu.memref_slice %arg4[%add3A_48, %dma_wait3A_126] : memref<2500x128xi32, #tpu.memory_space<hbm>> -> memref<1x128xi32, #tpu.memory_space<hbm>>
        %dma_wait3A_128 = arith.constant 0 : i32
        %dma_wait3A_129 = arith.constant 0 : i32
        %dma_wait3A_130 = tpu.memref_slice %arg9[%dma_wait3A_128, %dma_wait3A_129] : memref<6x128xi32, #tpu.memory_space<vmem>> -> memref<1x128xi32, #tpu.memory_space<vmem>>
        %dma_wait3A_131 = arith.constant 0 : i32
        %dma_wait3A_132 = tpu.memref_slice %arg4[%add3A_48, %dma_wait3A_131] : memref<2500x128xi32, #tpu.memory_space<hbm>> -> memref<1x128xi32, #tpu.memory_space<hbm>>
        tpu.wait_dma2 semaphore(%run_scoped3A_112 : memref<!tpu.dma_semaphore, #tpu.memory_space<semaphore_mem>>) src(%dma_wait3A_132 : memref<1x128xi32, #tpu.memory_space<hbm>>) dst(%dma_wait3A_130 : memref<1x128xi32, #tpu.memory_space<vmem>>)
        tpu.yield
      }) : () -> ()
      %dma_start3A = arith.constant 0 : i32
      %dma_start3A_49 = arith.constant 0 : i32
      %dma_start3A_50 = arith.constant 0 : i32
      %dma_start3A_51 = arith.constant 0 : i32
      %dma_start3A_52 = arith.constant 0 : i32
      %dma_start3A_53 = tpu.memref_slice %arg7[%dma_start3A_49, %dma_start3A_51, %dma_start3A_52] : memref<3x128x128xf32, #tpu.memory_space<vmem>> -> memref<1x128x128xf32, #tpu.memory_space<vmem>>
      %dma_start3A_54 = tpu.memref_squeeze %dma_start3A_53 : memref<1x128x128xf32, #tpu.memory_space<vmem>> -> memref<128x128xf32, #tpu.memory_space<vmem>>
      %dma_start3A_55 = arith.constant 0 : i32
      %dma_start3A_56 = tpu.memref_slice %arg8[%dma_start3A, %dma_start3A_55] : memref<6x128xi32, #tpu.memory_space<vmem>> -> memref<1x128xi32, #tpu.memory_space<vmem>>
      %dma_start3A_57 = tpu.memref_squeeze %dma_start3A_56 : memref<1x128xi32, #tpu.memory_space<vmem>> -> memref<128xi32, #tpu.memory_space<vmem>>
      %dma_start3A_58 = arith.constant 0 : i32
      %dma_start3A_59 = arith.constant 0 : i32
      %dma_start3A_60 = tpu.memref_slice %arg2[%dma_start3A_58, %dma_start3A_59] : memref<10240x128xf32, #tpu.memory_space<hbm>> -> memref<10240x128xf32, #tpu.memory_space<hbm>>
      %dma_start3A_61 = tpu.memref_slice %arg10[%dma_start3A_50] : memref<3x!tpu.dma_semaphore, #tpu.memory_space<semaphore_mem>> -> memref<1x!tpu.dma_semaphore, #tpu.memory_space<semaphore_mem>>
      %dma_start3A_62 = tpu.memref_squeeze %dma_start3A_61 : memref<1x!tpu.dma_semaphore, #tpu.memory_space<semaphore_mem>> -> memref<!tpu.dma_semaphore, #tpu.memory_space<semaphore_mem>>
      tpu.enqueue_indirect_dma source(%dma_start3A_60 : memref<10240x128xf32, #tpu.memory_space<hbm>>) target(%dma_start3A_54 : memref<128x128xf32, #tpu.memory_space<vmem>>) offsets(%dma_start3A_57 : memref<128xi32, #tpu.memory_space<vmem>>) semaphore(%dma_start3A_62 : memref<!tpu.dma_semaphore, #tpu.memory_space<semaphore_mem>>)
      %scan3A_63 = arith.constant 0 : i32
      %scan3A_64 = arith.constant 0 : i32
      %rem3A = arith.constant 3 : i32
      %rem3A_65 = arith.remsi %scan3A_64, %rem3A : i32
      %dma_wait3A = arith.constant 0 : i32
      %dma_wait3A_66 = arith.constant 0 : i32
      %dma_wait3A_67 = tpu.memref_slice %arg7[%rem3A_65, %dma_wait3A, %dma_wait3A_66] : memref<3x128x128xf32, #tpu.memory_space<vmem>> -> memref<1x128x128xf32, #tpu.memory_space<vmem>>
      %dma_wait3A_68 = tpu.memref_squeeze %dma_wait3A_67 : memref<1x128x128xf32, #tpu.memory_space<vmem>> -> memref<128x128xf32, #tpu.memory_space<vmem>>
      %dma_wait3A_69 = arith.constant 0 : i32
      %dma_wait3A_70 = tpu.memref_slice %arg8[%scan3A_64, %dma_wait3A_69] : memref<6x128xi32, #tpu.memory_space<vmem>> -> memref<1x128xi32, #tpu.memory_space<vmem>>
      %dma_wait3A_71 = tpu.memref_squeeze %dma_wait3A_70 : memref<1x128xi32, #tpu.memory_space<vmem>> -> memref<128xi32, #tpu.memory_space<vmem>>
      %dma_wait3A_72 = arith.constant 0 : i32
      %dma_wait3A_73 = arith.constant 0 : i32
      %dma_wait3A_74 = tpu.memref_slice %arg2[%dma_wait3A_72, %dma_wait3A_73] : memref<10240x128xf32, #tpu.memory_space<hbm>> -> memref<10240x128xf32, #tpu.memory_space<hbm>>
      %dma_wait3A_75 = tpu.memref_slice %arg10[%rem3A_65] : memref<3x!tpu.dma_semaphore, #tpu.memory_space<semaphore_mem>> -> memref<1x!tpu.dma_semaphore, #tpu.memory_space<semaphore_mem>>
      %dma_wait3A_76 = tpu.memref_squeeze %dma_wait3A_75 : memref<1x!tpu.dma_semaphore, #tpu.memory_space<semaphore_mem>> -> memref<!tpu.dma_semaphore, #tpu.memory_space<semaphore_mem>>
      tpu.wait_indirect_dma semaphore(%dma_wait3A_76 : memref<!tpu.dma_semaphore, #tpu.memory_space<semaphore_mem>>) src(%dma_wait3A_74 : memref<10240x128xf32, #tpu.memory_space<hbm>>) dst(%dma_wait3A_68 : memref<128x128xf32, #tpu.memory_space<vmem>>)
      %dma_start3A_77 = arith.constant 0 : i32
      %dma_start3A_78 = arith.constant 0 : i32
      %dma_start3A_79 = tpu.memref_slice %arg7[%rem3A_65, %dma_start3A_77, %dma_start3A_78] : memref<3x128x128xf32, #tpu.memory_space<vmem>> -> memref<1x128x128xf32, #tpu.memory_space<vmem>>
      %dma_start3A_80 = tpu.memref_squeeze %dma_start3A_79 : memref<1x128x128xf32, #tpu.memory_space<vmem>> -> memref<128x128xf32, #tpu.memory_space<vmem>>
      %dma_start3A_81 = arith.constant 0 : i32
      %dma_start3A_82 = tpu.memref_slice %arg9[%scan3A_64, %dma_start3A_81] : memref<6x128xi32, #tpu.memory_space<vmem>> -> memref<1x128xi32, #tpu.memory_space<vmem>>
      %dma_start3A_83 = tpu.memref_squeeze %dma_start3A_82 : memref<1x128xi32, #tpu.memory_space<vmem>> -> memref<128xi32, #tpu.memory_space<vmem>>
      %dma_start3A_84 = arith.constant 0 : i32
      %dma_start3A_85 = arith.constant 0 : i32
      %dma_start3A_86 = tpu.memref_slice %arg6[%dma_start3A_84, %dma_start3A_85] : memref<10016x128xf32, #tpu.memory_space<vmem_shared>> -> memref<10016x128xf32, #tpu.memory_space<vmem_shared>>
      %dma_start3A_87 = tpu.memref_slice %arg11[%rem3A_65] : memref<3x!tpu.dma_semaphore, #tpu.memory_space<semaphore_mem>> -> memref<1x!tpu.dma_semaphore, #tpu.memory_space<semaphore_mem>>
      %dma_start3A_88 = tpu.memref_squeeze %dma_start3A_87 : memref<1x!tpu.dma_semaphore, #tpu.memory_space<semaphore_mem>> -> memref<!tpu.dma_semaphore, #tpu.memory_space<semaphore_mem>>
      tpu.enqueue_indirect_dma source(%dma_start3A_80 : memref<128x128xf32, #tpu.memory_space<vmem>>) target(%dma_start3A_86 : memref<10016x128xf32, #tpu.memory_space<vmem_shared>>) offsets(%dma_start3A_83 : memref<128xi32, #tpu.memory_space<vmem>>) semaphore(%dma_start3A_88 : memref<!tpu.dma_semaphore, #tpu.memory_space<semaphore_mem>>) {add = true}
      %add3A_89 = arith.constant 2 : i32
      %add3A_90 = arith.addi %scan3A_64, %add3A_89 : i32
      %lt3A_91 = arith.constant 1 : i32
      %lt3A_92 = arith.cmpi slt, %add3A_90, %lt3A_91 : i32
      %convert_element_type3A_93 = arith.extui %lt3A_92 : i1 to i32
      %cond3A_94 = arith.constant 0 : i32
      %cond3A_95 = arith.cmpi ne, %convert_element_type3A_93, %cond3A_94 : i32
      scf.if %cond3A_95 {
        %add3A_112 = arith.constant 2 : i32
        %add3A_113 = arith.addi %scan3A_64, %add3A_112 : i32
        %rem3A_114 = arith.constant 3 : i32
        %rem3A_115 = arith.remsi %add3A_113, %rem3A_114 : i32
        %ge3A = arith.constant 1 : i32
        %ge3A_116 = arith.cmpi sge, %scan3A_64, %ge3A : i32
        %convert_element_type3A_117 = arith.extui %ge3A_116 : i1 to i32
        %cond3A_118 = arith.constant 0 : i32
        %cond3A_119 = arith.cmpi ne, %convert_element_type3A_117, %cond3A_118 : i32
        scf.if %cond3A_119 {
          %dma_wait3A_134 = arith.constant 0 : i32
          %dma_wait3A_135 = arith.constant 0 : i32
          %dma_wait3A_136 = tpu.memref_slice %arg7[%rem3A_115, %dma_wait3A_134, %dma_wait3A_135] : memref<3x128x128xf32, #tpu.memory_space<vmem>> -> memref<1x128x128xf32, #tpu.memory_space<vmem>>
          %dma_wait3A_137 = tpu.memref_squeeze %dma_wait3A_136 : memref<1x128x128xf32, #tpu.memory_space<vmem>> -> memref<128x128xf32, #tpu.memory_space<vmem>>
          %dma_wait3A_138 = arith.constant 0 : i32
          %dma_wait3A_139 = tpu.memref_slice %arg9[%scan3A_64, %dma_wait3A_138] : memref<6x128xi32, #tpu.memory_space<vmem>> -> memref<1x128xi32, #tpu.memory_space<vmem>>
          %dma_wait3A_140 = tpu.memref_squeeze %dma_wait3A_139 : memref<1x128xi32, #tpu.memory_space<vmem>> -> memref<128xi32, #tpu.memory_space<vmem>>
          %dma_wait3A_141 = arith.constant 0 : i32
          %dma_wait3A_142 = arith.constant 0 : i32
          %dma_wait3A_143 = tpu.memref_slice %arg6[%dma_wait3A_141, %dma_wait3A_142] : memref<10016x128xf32, #tpu.memory_space<vmem_shared>> -> memref<10016x128xf32, #tpu.memory_space<vmem_shared>>
          %dma_wait3A_144 = tpu.memref_slice %arg11[%rem3A_115] : memref<3x!tpu.dma_semaphore, #tpu.memory_space<semaphore_mem>> -> memref<1x!tpu.dma_semaphore, #tpu.memory_space<semaphore_mem>>
          %dma_wait3A_145 = tpu.memref_squeeze %dma_wait3A_144 : memref<1x!tpu.dma_semaphore, #tpu.memory_space<semaphore_mem>> -> memref<!tpu.dma_semaphore, #tpu.memory_space<semaphore_mem>>
          tpu.wait_indirect_dma semaphore(%dma_wait3A_145 : memref<!tpu.dma_semaphore, #tpu.memory_space<semaphore_mem>>) src(%dma_wait3A_137 : memref<128x128xf32, #tpu.memory_space<vmem>>) dst(%dma_wait3A_143 : memref<10016x128xf32, #tpu.memory_space<vmem_shared>>)
        } else {
        }
        %add3A_120 = arith.constant 2 : i32
        %add3A_121 = arith.addi %scan3A_64, %add3A_120 : i32
        %dma_start3A_122 = arith.constant 0 : i32
        %dma_start3A_123 = arith.constant 0 : i32
        %dma_start3A_124 = tpu.memref_slice %arg7[%rem3A_115, %dma_start3A_122, %dma_start3A_123] : memref<3x128x128xf32, #tpu.memory_space<vmem>> -> memref<1x128x128xf32, #tpu.memory_space<vmem>>
        %dma_start3A_125 = tpu.memref_squeeze %dma_start3A_124 : memref<1x128x128xf32, #tpu.memory_space<vmem>> -> memref<128x128xf32, #tpu.memory_space<vmem>>
        %dma_start3A_126 = arith.constant 0 : i32
        %dma_start3A_127 = tpu.memref_slice %arg8[%add3A_121, %dma_start3A_126] : memref<6x128xi32, #tpu.memory_space<vmem>> -> memref<1x128xi32, #tpu.memory_space<vmem>>
        %dma_start3A_128 = tpu.memref_squeeze %dma_start3A_127 : memref<1x128xi32, #tpu.memory_space<vmem>> -> memref<128xi32, #tpu.memory_space<vmem>>
        %dma_start3A_129 = arith.constant 0 : i32
        %dma_start3A_130 = arith.constant 0 : i32
        %dma_start3A_131 = tpu.memref_slice %arg2[%dma_start3A_129, %dma_start3A_130] : memref<10240x128xf32, #tpu.memory_space<hbm>> -> memref<10240x128xf32, #tpu.memory_space<hbm>>
        %dma_start3A_132 = tpu.memref_slice %arg10[%rem3A_115] : memref<3x!tpu.dma_semaphore, #tpu.memory_space<semaphore_mem>> -> memref<1x!tpu.dma_semaphore, #tpu.memory_space<semaphore_mem>>
        %dma_start3A_133 = tpu.memref_squeeze %dma_start3A_132 : memref<1x!tpu.dma_semaphore, #tpu.memory_space<semaphore_mem>> -> memref<!tpu.dma_semaphore, #tpu.memory_space<semaphore_mem>>
        tpu.enqueue_indirect_dma source(%dma_start3A_131 : memref<10240x128xf32, #tpu.memory_space<hbm>>) target(%dma_start3A_125 : memref<128x128xf32, #tpu.memory_space<vmem>>) offsets(%dma_start3A_128 : memref<128xi32, #tpu.memory_space<vmem>>) semaphore(%dma_start3A_133 : memref<!tpu.dma_semaphore, #tpu.memory_space<semaphore_mem>>)
      } else {
      }
      %scan3A_96 = arith.constant 1 : i32
      %dma_wait3A_97 = arith.constant 0 : i32
      %dma_wait3A_98 = arith.constant 0 : i32
      %dma_wait3A_99 = arith.constant 0 : i32
      %dma_wait3A_100 = arith.constant 0 : i32
      %dma_wait3A_101 = arith.constant 0 : i32
      %dma_wait3A_102 = tpu.memref_slice %arg7[%dma_wait3A_97, %dma_wait3A_100, %dma_wait3A_101] : memref<3x128x128xf32, #tpu.memory_space<vmem>> -> memref<1x128x128xf32, #tpu.memory_space<vmem>>
      %dma_wait3A_103 = tpu.memref_squeeze %dma_wait3A_102 : memref<1x128x128xf32, #tpu.memory_space<vmem>> -> memref<128x128xf32, #tpu.memory_space<vmem>>
      %dma_wait3A_104 = arith.constant 0 : i32
      %dma_wait3A_105 = tpu.memref_slice %arg9[%dma_wait3A_98, %dma_wait3A_104] : memref<6x128xi32, #tpu.memory_space<vmem>> -> memref<1x128xi32, #tpu.memory_space<vmem>>
      %dma_wait3A_106 = tpu.memref_squeeze %dma_wait3A_105 : memref<1x128xi32, #tpu.memory_space<vmem>> -> memref<128xi32, #tpu.memory_space<vmem>>
      %dma_wait3A_107 = arith.constant 0 : i32
      %dma_wait3A_108 = arith.constant 0 : i32
      %dma_wait3A_109 = tpu.memref_slice %arg6[%dma_wait3A_107, %dma_wait3A_108] : memref<10016x128xf32, #tpu.memory_space<vmem_shared>> -> memref<10016x128xf32, #tpu.memory_space<vmem_shared>>
      %dma_wait3A_110 = tpu.memref_slice %arg11[%dma_wait3A_99] : memref<3x!tpu.dma_semaphore, #tpu.memory_space<semaphore_mem>> -> memref<1x!tpu.dma_semaphore, #tpu.memory_space<semaphore_mem>>
      %dma_wait3A_111 = tpu.memref_squeeze %dma_wait3A_110 : memref<1x!tpu.dma_semaphore, #tpu.memory_space<semaphore_mem>> -> memref<!tpu.dma_semaphore, #tpu.memory_space<semaphore_mem>>
      tpu.wait_indirect_dma semaphore(%dma_wait3A_111 : memref<!tpu.dma_semaphore, #tpu.memory_space<semaphore_mem>>) src(%dma_wait3A_103 : memref<128x128xf32, #tpu.memory_space<vmem>>) dst(%dma_wait3A_109 : memref<10016x128xf32, #tpu.memory_space<vmem_shared>>)
    } else {
    }
    %barrier3A_42 = arith.constant 0 : index
    tpu.barrier barrier_id(%barrier3A_42)
    %mul3A_43 = arith.constant 626 : i32
    %mul3A_44 = arith.muli %arg1, %mul3A_43 : i32
    %mul3A_45 = arith.constant 626 : i32
    %mul3A_46 = arith.muli %arg1, %mul3A_45 : i32
    "tpu.region"() ({
      %run_scoped3A_47 = tpu.sem_alloc : memref<!tpu.dma_semaphore, #tpu.memory_space<semaphore_mem>>
      %dma_start3A = arith.constant 0 : i32
      %dma_start3A_48 = tpu.memref_slice %arg5[%arg0, %mul3A_46, %dma_start3A] : memref<2x10016x128xf32, #tpu.memory_space<hbm>> -> memref<1x626x128xf32, #tpu.memory_space<hbm>>
      %dma_start3A_49 = tpu.memref_squeeze %dma_start3A_48 : memref<1x626x128xf32, #tpu.memory_space<hbm>> -> memref<626x128xf32, #tpu.memory_space<hbm>>
      %dma_start3A_50 = arith.constant 0 : i32
      %dma_start3A_51 = tpu.memref_slice %arg6[%mul3A_44, %dma_start3A_50] : memref<10016x128xf32, #tpu.memory_space<vmem_shared>> -> memref<626x128xf32, #tpu.memory_space<vmem_shared>>
      tpu.enqueue_dma source(%dma_start3A_51 : memref<626x128xf32, #tpu.memory_space<vmem_shared>>) target(%dma_start3A_49 : memref<626x128xf32, #tpu.memory_space<hbm>>) target_semaphore(%run_scoped3A_47 : memref<!tpu.dma_semaphore, #tpu.memory_space<semaphore_mem>>)
      %dma_wait3A = arith.constant 0 : i32
      %dma_wait3A_52 = tpu.memref_slice %arg5[%arg0, %mul3A_46, %dma_wait3A] : memref<2x10016x128xf32, #tpu.memory_space<hbm>> -> memref<1x626x128xf32, #tpu.memory_space<hbm>>
      %dma_wait3A_53 = tpu.memref_squeeze %dma_wait3A_52 : memref<1x626x128xf32, #tpu.memory_space<hbm>> -> memref<626x128xf32, #tpu.memory_space<hbm>>
      %dma_wait3A_54 = arith.constant 0 : i32
      %dma_wait3A_55 = tpu.memref_slice %arg6[%mul3A_44, %dma_wait3A_54] : memref<10016x128xf32, #tpu.memory_space<vmem_shared>> -> memref<626x128xf32, #tpu.memory_space<vmem_shared>>
      tpu.wait_dma2 semaphore(%run_scoped3A_47 : memref<!tpu.dma_semaphore, #tpu.memory_space<semaphore_mem>>) src(%dma_wait3A_55 : memref<626x128xf32, #tpu.memory_space<vmem_shared>>) dst(%dma_wait3A_53 : memref<626x128xf32, #tpu.memory_space<hbm>>)
      tpu.yield
    }) : () -> ()
    return
  }
}

module attributes {stable_mosaic.version = 14 : i64} {
  func.func @_mm1_body(%arg0: i32, %arg1: memref<2048x128xf32, #tpu.memory_space<vmem>>, %arg2: memref<128x128xf32, #tpu.memory_space<vmem>>, %arg3: memref<2x10240xf32, #tpu.memory_space<vmem>>, %arg4: memref<2048x128xf32, #tpu.memory_space<vmem>>) attributes {dimension_semantics = [#tpu.dimension_semantics<arbitrary>], iteration_bounds = array<i64: 5>, scalar_prefetch = 0 : i64, scratch_operands = 0 : i64, tpu.core_type = #tpu.core_type<tc>, window_params = [{transform_indices = @transform_0, window_bounds = array<i64: 2048, 128>}, {pipeline_mode = #tpu.pipeline_mode<synchronous>, transform_indices = @transform_1, window_bounds = array<i64: 128, 128>}, {pipeline_mode = #tpu.pipeline_mode<synchronous>, transform_indices = @transform_2, window_bounds = array<i64: 2, 10240>}, {transform_indices = @transform_3, window_bounds = array<i64: 2048, 128>}]} {
    %get3A = arith.constant 0 : index
    %get3A_0 = arith.constant 0 : index
    %get3A_1 = vector.load %arg1[%get3A, %get3A_0] : memref<2048x128xf32, #tpu.memory_space<vmem>>, vector<2048x128xf32>
    %get3A_2 = arith.constant 0 : index
    %get3A_3 = arith.constant 0 : index
    %get3A_4 = vector.load %arg2[%get3A_2, %get3A_3] : memref<128x128xf32, #tpu.memory_space<vmem>>, vector<128x128xf32>
    %dot_general3A = arith.constant dense<0.000000e+00> : vector<2048x128xf32>
    %dot_general3A_5 = tpu.matmul %get3A_1, %get3A_4, %dot_general3A {dimension_numbers = #tpu.dot_dimension_numbers<[1], [0], [0], [1], [0, 0, 1, 1], [], []>, transpose_lhs_hint = false} : vector<2048x128xf32>, vector<128x128xf32>, vector<2048x128xf32> -> vector<2048x128xf32>
    %mul3A = arith.constant 2048 : i32
    %mul3A_6 = arith.muli %arg0, %mul3A : i32
    %get3A_7 = arith.constant 0 : index
    %get3A_8 = arith.index_cast %mul3A_6 : i32 to index
    %get3A_9 = vector.load %arg3[%get3A_7, %get3A_8] : memref<2x10240xf32, #tpu.memory_space<vmem>>, vector<1x2048xf32>
    %get3A_10 = vector.shape_cast %get3A_9 : vector<1x2048xf32> to vector<2048xf32>
    %mul3A_11 = arith.constant 2048 : i32
    %mul3A_12 = arith.muli %arg0, %mul3A_11 : i32
    %get3A_13 = arith.constant 1 : index
    %get3A_14 = arith.index_cast %mul3A_12 : i32 to index
    %get3A_15 = vector.load %arg3[%get3A_13, %get3A_14] : memref<2x10240xf32, #tpu.memory_space<vmem>>, vector<1x2048xf32>
    %get3A_16 = vector.shape_cast %get3A_15 : vector<1x2048xf32> to vector<2048xf32>
    %add3A = arith.addf %get3A_10, %get3A_16 : vector<2048xf32>
    %add3A_17 = arith.constant 1.000000e+00 : f32
    %add3A_18 = vector.broadcast %add3A_17 : f32 to vector<2048xf32>
    %add3A_19 = arith.addf %add3A, %add3A_18 : vector<2048xf32>
    %rsqrt3A = math.rsqrt %add3A_19 : vector<2048xf32>
    %broadcast_in_dim3A = vector.shape_cast %rsqrt3A : vector<2048xf32> to vector<2048x1xf32>
    %mul3A_20 = vector.broadcast %broadcast_in_dim3A : vector<2048x1xf32> to vector<2048x128xf32>
    %mul3A_21 = arith.mulf %dot_general3A_5, %mul3A_20 : vector<2048x128xf32>
    %swap3A = arith.constant 0 : index
    %swap3A_22 = arith.constant 0 : index
    %swap3A_23 = vector.load %arg4[%swap3A, %swap3A_22] : memref<2048x128xf32, #tpu.memory_space<vmem>>, vector<2048x128xf32>
    tpu.vector_store %arg4[%swap3A, %swap3A_22], %mul3A_21 {strides = array<i32>} : memref<2048x128xf32, #tpu.memory_space<vmem>>, vector<2048x128xf32>,
    return
  }
  func.func @transform_0(%arg0: i32) -> (i32, i32) {
    %c0_i32 = arith.constant 0 : i32
    %c0_i32_0 = arith.constant 0 : i32
    return %arg0, %c0_i32 : i32, i32
  }
  func.func @transform_1(%arg0: i32) -> (i32, i32) {
    %c0_i32 = arith.constant 0 : i32
    %c0_i32_0 = arith.constant 0 : i32
    %c0_i32_1 = arith.constant 0 : i32
    return %c0_i32, %c0_i32_0 : i32, i32
  }
  func.func @transform_2(%arg0: i32) -> (i32, i32) {
    %c0_i32 = arith.constant 0 : i32
    %c0_i32_0 = arith.constant 0 : i32
    %c0_i32_1 = arith.constant 0 : i32
    return %c0_i32, %c0_i32_0 : i32, i32
  }
  func.func @transform_3(%arg0: i32) -> (i32, i32) {
    %c0_i32 = arith.constant 0 : i32
    %c0_i32_0 = arith.constant 0 : i32
    return %arg0, %c0_i32 : i32, i32
  }
}

module attributes {stable_mosaic.version = 14 : i64} {
  func.func @_layer2_body(%arg0: i32, %arg1: memref<1x2048x128xf32, #tpu.memory_space<vmem>>, %arg2: memref<1x2048x128xf32, #tpu.memory_space<vmem>>, %arg3: memref<2048x128xf32, #tpu.memory_space<vmem>>, %arg4: memref<2x10240xf32, #tpu.memory_space<vmem>>, %arg5: memref<128xf32, #tpu.memory_space<vmem>>, %arg6: memref<128x128xf32, #tpu.memory_space<vmem>>, %arg7: memref<2048x128xf32, #tpu.memory_space<vmem>>) attributes {dimension_semantics = [#tpu.dimension_semantics<arbitrary>], iteration_bounds = array<i64: 5>, scalar_prefetch = 0 : i64, scratch_operands = 0 : i64, tpu.core_type = #tpu.core_type<tc>, window_params = [{transform_indices = @transform_0, window_bounds = array<i64: 1, 2048, 128>}, {transform_indices = @transform_1, window_bounds = array<i64: 1, 2048, 128>}, {transform_indices = @transform_2, window_bounds = array<i64: 2048, 128>}, {pipeline_mode = #tpu.pipeline_mode<synchronous>, transform_indices = @transform_3, window_bounds = array<i64: 2, 10240>}, {pipeline_mode = #tpu.pipeline_mode<synchronous>, transform_indices = @transform_4, window_bounds = array<i64: 128>}, {pipeline_mode = #tpu.pipeline_mode<synchronous>, transform_indices = @transform_5, window_bounds = array<i64: 128, 128>}, {transform_indices = @transform_6, window_bounds = array<i64: 2048, 128>}]} {
    %mul3A = arith.constant 2048 : i32
    %mul3A_0 = arith.muli %arg0, %mul3A : i32
    %get3A = arith.constant 0 : index
    %get3A_1 = arith.index_cast %mul3A_0 : i32 to index
    %get3A_2 = vector.load %arg4[%get3A, %get3A_1] : memref<2x10240xf32, #tpu.memory_space<vmem>>, vector<1x2048xf32>
    %get3A_3 = vector.shape_cast %get3A_2 : vector<1x2048xf32> to vector<2048xf32>
    %mul3A_4 = arith.constant 2048 : i32
    %mul3A_5 = arith.muli %arg0, %mul3A_4 : i32
    %get3A_6 = arith.constant 1 : index
    %get3A_7 = arith.index_cast %mul3A_5 : i32 to index
    %get3A_8 = vector.load %arg4[%get3A_6, %get3A_7] : memref<2x10240xf32, #tpu.memory_space<vmem>>, vector<1x2048xf32>
    %get3A_9 = vector.shape_cast %get3A_8 : vector<1x2048xf32> to vector<2048xf32>
    %add3A = arith.addf %get3A_3, %get3A_9 : vector<2048xf32>
    %add3A_10 = arith.constant 1.000000e+00 : f32
    %add3A_11 = vector.broadcast %add3A_10 : f32 to vector<2048xf32>
    %add3A_12 = arith.addf %add3A, %add3A_11 : vector<2048xf32>
    %rsqrt3A = math.rsqrt %add3A_12 : vector<2048xf32>
    %broadcast_in_dim3A = vector.shape_cast %rsqrt3A : vector<2048xf32> to vector<2048x1xf32>
    %get3A_13 = arith.constant 0 : index
    %get3A_14 = arith.constant 0 : index
    %get3A_15 = arith.constant 0 : index
    %get3A_16 = vector.load %arg1[%get3A_13, %get3A_14, %get3A_15] : memref<1x2048x128xf32, #tpu.memory_space<vmem>>, vector<1x2048x128xf32>
    %get3A_17 = vector.shape_cast %get3A_16 : vector<1x2048x128xf32> to vector<2048x128xf32>
    %get3A_18 = arith.constant 0 : index
    %get3A_19 = arith.constant 0 : index
    %get3A_20 = arith.constant 0 : index
    %get3A_21 = vector.load %arg2[%get3A_18, %get3A_19, %get3A_20] : memref<1x2048x128xf32, #tpu.memory_space<vmem>>, vector<1x2048x128xf32>
    %get3A_22 = vector.shape_cast %get3A_21 : vector<1x2048x128xf32> to vector<2048x128xf32>
    %add3A_23 = arith.addf %get3A_17, %get3A_22 : vector<2048x128xf32>
    %get3A_24 = arith.constant 0 : index
    %get3A_25 = arith.constant 0 : index
    %get3A_26 = vector.load %arg3[%get3A_24, %get3A_25] : memref<2048x128xf32, #tpu.memory_space<vmem>>, vector<2048x128xf32>
    %add3A_27 = arith.addf %add3A_23, %get3A_26 : vector<2048x128xf32>
    %mul3A_28 = vector.broadcast %broadcast_in_dim3A : vector<2048x1xf32> to vector<2048x128xf32>
    %mul3A_29 = arith.mulf %add3A_27, %mul3A_28 : vector<2048x128xf32>
    %get3A_30 = arith.constant 0 : index
    %get3A_31 = vector.load %arg5[%get3A_30] : memref<128xf32, #tpu.memory_space<vmem>>, vector<128xf32>
    %broadcast_in_dim3A_32 = vector.shape_cast %get3A_31 : vector<128xf32> to vector<1x128xf32>
    %add3A_33 = vector.broadcast %broadcast_in_dim3A_32 : vector<1x128xf32> to vector<2048x128xf32>
    %add3A_34 = arith.addf %mul3A_29, %add3A_33 : vector<2048x128xf32>
    %mul3A_35 = arith.constant 5.000000e-01 : f32
    %mul3A_36 = vector.broadcast %mul3A_35 : f32 to vector<2048x128xf32>
    %mul3A_37 = arith.mulf %add3A_34, %mul3A_36 : vector<2048x128xf32>
    %mul3A_38 = arith.constant 0.707106769 : f32
    %mul3A_39 = vector.broadcast %mul3A_38 : f32 to vector<2048x128xf32>
    %mul3A_40 = arith.mulf %add3A_34, %mul3A_39 : vector<2048x128xf32>
    %erf3A = math.erf %mul3A_40 : vector<2048x128xf32>
    %add3A_41 = arith.constant 1.000000e+00 : f32
    %add3A_42 = vector.broadcast %add3A_41 : f32 to vector<2048x128xf32>
    %add3A_43 = arith.addf %add3A_42, %erf3A : vector<2048x128xf32>
    %mul3A_44 = arith.mulf %mul3A_37, %add3A_43 : vector<2048x128xf32>
    %get3A_45 = arith.constant 0 : index
    %get3A_46 = arith.constant 0 : index
    %get3A_47 = vector.load %arg6[%get3A_45, %get3A_46] : memref<128x128xf32, #tpu.memory_space<vmem>>, vector<128x128xf32>
    %dot_general3A = arith.constant dense<0.000000e+00> : vector<2048x128xf32>
    %dot_general3A_48 = tpu.matmul %mul3A_44, %get3A_47, %dot_general3A {dimension_numbers = #tpu.dot_dimension_numbers<[1], [0], [0], [1], [0, 0, 1, 1], [], []>, transpose_lhs_hint = false} : vector<2048x128xf32>, vector<128x128xf32>, vector<2048x128xf32> -> vector<2048x128xf32>
    %mul3A_49 = vector.broadcast %broadcast_in_dim3A : vector<2048x1xf32> to vector<2048x128xf32>
    %mul3A_50 = arith.mulf %dot_general3A_48, %mul3A_49 : vector<2048x128xf32>
    %swap3A = arith.constant 0 : index
    %swap3A_51 = arith.constant 0 : index
    %swap3A_52 = vector.load %arg7[%swap3A, %swap3A_51] : memref<2048x128xf32, #tpu.memory_space<vmem>>, vector<2048x128xf32>
    tpu.vector_store %arg7[%swap3A, %swap3A_51], %mul3A_50 {strides = array<i32>} : memref<2048x128xf32, #tpu.memory_space<vmem>>, vector<2048x128xf32>,
    return
  }
  func.func @transform_0(%arg0: i32) -> (i32, i32, i32) {
    %c0_i32 = arith.constant 0 : i32
    %c0_i32_0 = arith.constant 0 : i32
    %c0_i32_1 = arith.constant 0 : i32
    return %c0_i32, %arg0, %c0_i32_0 : i32, i32, i32
  }
  func.func @transform_1(%arg0: i32) -> (i32, i32, i32) {
    %c1_i32 = arith.constant 1 : i32
    %c0_i32 = arith.constant 0 : i32
    %c0_i32_0 = arith.constant 0 : i32
    return %c1_i32, %arg0, %c0_i32 : i32, i32, i32
  }
  func.func @transform_2(%arg0: i32) -> (i32, i32) {
    %c0_i32 = arith.constant 0 : i32
    %c0_i32_0 = arith.constant 0 : i32
    return %arg0, %c0_i32 : i32, i32
  }
  func.func @transform_3(%arg0: i32) -> (i32, i32) {
    %c0_i32 = arith.constant 0 : i32
    %c0_i32_0 = arith.constant 0 : i32
    %c0_i32_1 = arith.constant 0 : i32
    return %c0_i32, %c0_i32_0 : i32, i32
  }
  func.func @transform_4(%arg0: i32) -> i32 {
    %c0_i32 = arith.constant 0 : i32
    %c0_i32_0 = arith.constant 0 : i32
    return %c0_i32 : i32
  }
  func.func @transform_5(%arg0: i32) -> (i32, i32) {
    %c0_i32 = arith.constant 0 : i32
    %c0_i32_0 = arith.constant 0 : i32
    %c0_i32_1 = arith.constant 0 : i32
    return %c0_i32, %c0_i32_0 : i32, i32
  }
  func.func @transform_6(%arg0: i32) -> (i32, i32) {
    %c0_i32 = arith.constant 0 : i32
    %c0_i32_0 = arith.constant 0 : i32
    return %arg0, %c0_i32 : i32, i32
  }
}

module attributes {stable_mosaic.version = 14 : i64} {
  func.func @_final_body(%arg0: i32, %arg1: memref<1x2048x128xf32, #tpu.memory_space<vmem>>, %arg2: memref<1x2048x128xf32, #tpu.memory_space<vmem>>, %arg3: memref<2048x128xf32, #tpu.memory_space<vmem>>, %arg4: memref<2x10240xf32, #tpu.memory_space<vmem>>, %arg5: memref<128xf32, #tpu.memory_space<vmem>>, %arg6: memref<2048x128xf32, #tpu.memory_space<vmem>>) attributes {dimension_semantics = [#tpu.dimension_semantics<arbitrary>], iteration_bounds = array<i64: 5>, scalar_prefetch = 0 : i64, scratch_operands = 0 : i64, tpu.core_type = #tpu.core_type<tc>, window_params = [{transform_indices = @transform_0, window_bounds = array<i64: 1, 2048, 128>}, {transform_indices = @transform_1, window_bounds = array<i64: 1, 2048, 128>}, {transform_indices = @transform_2, window_bounds = array<i64: 2048, 128>}, {pipeline_mode = #tpu.pipeline_mode<synchronous>, transform_indices = @transform_3, window_bounds = array<i64: 2, 10240>}, {pipeline_mode = #tpu.pipeline_mode<synchronous>, transform_indices = @transform_4, window_bounds = array<i64: 128>}, {transform_indices = @transform_5, window_bounds = array<i64: 2048, 128>}]} {
    %get3A = arith.constant 0 : index
    %get3A_0 = arith.constant 0 : index
    %get3A_1 = arith.constant 0 : index
    %get3A_2 = vector.load %arg1[%get3A, %get3A_0, %get3A_1] : memref<1x2048x128xf32, #tpu.memory_space<vmem>>, vector<1x2048x128xf32>
    %get3A_3 = vector.shape_cast %get3A_2 : vector<1x2048x128xf32> to vector<2048x128xf32>
    %get3A_4 = arith.constant 0 : index
    %get3A_5 = arith.constant 0 : index
    %get3A_6 = arith.constant 0 : index
    %get3A_7 = vector.load %arg2[%get3A_4, %get3A_5, %get3A_6] : memref<1x2048x128xf32, #tpu.memory_space<vmem>>, vector<1x2048x128xf32>
    %get3A_8 = vector.shape_cast %get3A_7 : vector<1x2048x128xf32> to vector<2048x128xf32>
    %add3A = arith.addf %get3A_3, %get3A_8 : vector<2048x128xf32>
    %get3A_9 = arith.constant 0 : index
    %get3A_10 = arith.constant 0 : index
    %get3A_11 = vector.load %arg3[%get3A_9, %get3A_10] : memref<2048x128xf32, #tpu.memory_space<vmem>>, vector<2048x128xf32>
    %add3A_12 = arith.addf %add3A, %get3A_11 : vector<2048x128xf32>
    %mul3A = arith.constant 2048 : i32
    %mul3A_13 = arith.muli %arg0, %mul3A : i32
    %get3A_14 = arith.constant 0 : index
    %get3A_15 = arith.index_cast %mul3A_13 : i32 to index
    %get3A_16 = vector.load %arg4[%get3A_14, %get3A_15] : memref<2x10240xf32, #tpu.memory_space<vmem>>, vector<1x2048xf32>
    %get3A_17 = vector.shape_cast %get3A_16 : vector<1x2048xf32> to vector<2048xf32>
    %mul3A_18 = arith.constant 2048 : i32
    %mul3A_19 = arith.muli %arg0, %mul3A_18 : i32
    %get3A_20 = arith.constant 1 : index
    %get3A_21 = arith.index_cast %mul3A_19 : i32 to index
    %get3A_22 = vector.load %arg4[%get3A_20, %get3A_21] : memref<2x10240xf32, #tpu.memory_space<vmem>>, vector<1x2048xf32>
    %get3A_23 = vector.shape_cast %get3A_22 : vector<1x2048xf32> to vector<2048xf32>
    %add3A_24 = arith.addf %get3A_17, %get3A_23 : vector<2048xf32>
    %add3A_25 = arith.constant 1.000000e+00 : f32
    %add3A_26 = vector.broadcast %add3A_25 : f32 to vector<2048xf32>
    %add3A_27 = arith.addf %add3A_24, %add3A_26 : vector<2048xf32>
    %rsqrt3A = math.rsqrt %add3A_27 : vector<2048xf32>
    %broadcast_in_dim3A = vector.shape_cast %rsqrt3A : vector<2048xf32> to vector<2048x1xf32>
    %mul3A_28 = vector.broadcast %broadcast_in_dim3A : vector<2048x1xf32> to vector<2048x128xf32>
    %mul3A_29 = arith.mulf %add3A_12, %mul3A_28 : vector<2048x128xf32>
    %get3A_30 = arith.constant 0 : index
    %get3A_31 = vector.load %arg5[%get3A_30] : memref<128xf32, #tpu.memory_space<vmem>>, vector<128xf32>
    %broadcast_in_dim3A_32 = vector.shape_cast %get3A_31 : vector<128xf32> to vector<1x128xf32>
    %add3A_33 = vector.broadcast %broadcast_in_dim3A_32 : vector<1x128xf32> to vector<2048x128xf32>
    %add3A_34 = arith.addf %mul3A_29, %add3A_33 : vector<2048x128xf32>
    %swap3A = arith.constant 0 : index
    %swap3A_35 = arith.constant 0 : index
    %swap3A_36 = vector.load %arg6[%swap3A, %swap3A_35] : memref<2048x128xf32, #tpu.memory_space<vmem>>, vector<2048x128xf32>
    tpu.vector_store %arg6[%swap3A, %swap3A_35], %add3A_34 {strides = array<i32>} : memref<2048x128xf32, #tpu.memory_space<vmem>>, vector<2048x128xf32>,
    return
  }
  func.func @transform_0(%arg0: i32) -> (i32, i32, i32) {
    %c0_i32 = arith.constant 0 : i32
    %c0_i32_0 = arith.constant 0 : i32
    %c0_i32_1 = arith.constant 0 : i32
    return %c0_i32, %arg0, %c0_i32_0 : i32, i32, i32
  }
  func.func @transform_1(%arg0: i32) -> (i32, i32, i32) {
    %c1_i32 = arith.constant 1 : i32
    %c0_i32 = arith.constant 0 : i32
    %c0_i32_0 = arith.constant 0 : i32
    return %c1_i32, %arg0, %c0_i32 : i32, i32, i32
  }
  func.func @transform_2(%arg0: i32) -> (i32, i32) {
    %c0_i32 = arith.constant 0 : i32
    %c0_i32_0 = arith.constant 0 : i32
    return %arg0, %c0_i32 : i32, i32
  }
  func.func @transform_3(%arg0: i32) -> (i32, i32) {
    %c0_i32 = arith.constant 0 : i32
    %c0_i32_0 = arith.constant 0 : i32
    %c0_i32_1 = arith.constant 0 : i32
    return %c0_i32, %c0_i32_0 : i32, i32
  }
  func.func @transform_4(%arg0: i32) -> i32 {
    %c0_i32 = arith.constant 0 : i32
    %c0_i32_0 = arith.constant 0 : i32
    return %c0_i32 : i32
  }
  func.func @transform_5(%arg0: i32) -> (i32, i32) {
    %c0_i32 = arith.constant 0 : i32
    %c0_i32_0 = arith.constant 0 : i32
    return %arg0, %c0_i32 : i32, i32
  }
}

</mosaic_0001>

<sc_bundles>
// kernel: kernel.11.cloned.1.call-start
scs
__scs_entry_jumppad:
0x0: {  	(pc) =	sbr.rel $0x88, $3  }
0x1: {  	(tag) =	ssettag $0x0;
	lr =	simm.s32 $0x1  }
0x2: {  	[smem:$0x3F9B] =	sst lr;
	_ =	strace $0xD0000000  }
0x3: {  	_ = 	snop  }
0x4: {  	_ = 	snop  }
0x5: {  	_ = 	snop  }
0x6: {  	_ = 	snop  }
0x7: {  	_ = 	snop  }
__scs_overlays_trampoline_lowered:
0x8: {  	[smem:$0x3FAA] =	sst s0  }
0x9: {  	[smem:$0x3FAB] =	sst s1  }
0xa: {  	[smem:$0x3FAC] =	sst s2  }
0xb: {  	[smem:$0x3FAD] =	sst s3  }
0xc: {  	[smem:$0x3FAE] =	sst s4  }
0xd: {  	[smem:$0x3FAF] =	sst s5  }
0xe: {  	[smem:$0x3FB0] =	sst s6  }
0xf: {  	[smem:$0x3FB1] =	sst s7  }
0x10: {  	[smem:$0x3FB2] =	sst s8  }
0x11: {  	[smem:$0x3FB3] =	sst s9;
	s0 =	simm.s32 @!p0 $0x0  }
0x12: {  	s1 =	sld [smem:$0x3F99];
	s0 =	simm.s32 @p0 $0x1  }
0x13: {  	[smem:$0x3FB4] =	sst s0;
	s0 =	simm.s32 @!p1 $0x0  }
0x14: {  	s2 =	sld [smem:$0x3F98];
	s0 =	simm.s32 @p1 $0x1  }
0x15: {  	[smem:$0x3FB5] =	sst s0;
	s0 =	simm.s32 @!p2 $0x0  }
0x16: {  	s3 =	sld [smem:$0x3FDB];
	s0 =	simm.s32 @p2 $0x1  }
0x17: {  	s4 =	simm.s32 $0x1BF5;
	[smem:$0x3FB7] =	sst s0  }
0x18: {  	s0 =	sld [smem:$0x3F9A];
	_ =	swait.ge [sflag:s4], $0x0  }
0x19: {  	s7 =	sld [smem:$0x3F9B]  }
0x1a: {  	s8 =	sadd.s32 $0xFFFFE003, lr  }
0x1b: {  	s9 =	sadd.s32 $0xFFFFFEF7, lr;
	s5 =	simm.s32 $0xFFFFFFFF;
	p2 =	slt.u32 s8, $0xFFFFF086  }
0x1c: {  	p1 =	slt.u32 s9, $0xF7A;
	s5 =	simm.s32 @!p2 $0x0  }
0x1d: {  	s5 =	simm.s32 @p1 $0x1;
	p0 =	seq.s32 s7, s2  }
0x1e: {  	s7 =	smul.u32 @!p0 $0xF7A, s2;
	p2 =	seq.s32 @!p0 s5, $0x0  }
0x1f: {  	s9 =	smul.u32 $0xF7A, s1;
	s8 =	simm.s32 @!p0 $0x1BF5;
	p2 =	por !p2, p0  }
0x20: {  	[sflag:s8] =	ssyncset.s32 @!p0 $0xFFFFF086;
	s6 =	sadd.s32 @!p0 s3, s7;
	s7 =	simm.s32 @!p0 $0x108  }
0x21: {  	s3 =	sadd.s32 s3, s9;
	s6 =	sadd.s32 @!p0 $0x88, s6;
	s7 =	simm.s32 @p2 $0x1082  }
0x22: {  	[simem:s7], [sflag:s8] =	dma.local @!p0 [hbm:s6], $0xF7A  }
0x23: {  	s9 =	sor.u32 $0xD0000000, s2;
	s6 =	simm.s32 $0x108;
	_ =	swait.ge @!p0 [sflag:s8], $0x0  }
0x24: {  	s3 =	sadd.s32 $0x88, s3;
	s6 =	simm.s32 @!p1 $0x1082;
	[sflag:s4] =	ssyncset.s32 $0xFFFFF086  }
0x25: {  	[simem:s6], [sflag:s4] =	dma.local [hbm:s3], $0xF7A  }
0x26: {  	[smem:$0x3F9B] =	sst s1;
	(tag) =	ssettag s2;
	_ =	strace s9  }
0x27: {  	s1 =	sld [smem:$0x3FAB]  }
0x28: {  	s2 =	sld [smem:$0x3FAC]  }
0x29: {  	s4 =	sld [smem:$0x3FAE]  }
0x2a: {  	p0 =	seq.s32 s5, $0x0;
	s5 =	sld [smem:$0x3FAF]  }
0x2b: {  	s6 =	sld [smem:$0x3FB0]  }
0x2c: {  	s7 =	sld [smem:$0x3FB1]  }
0x2d: {  	s3 =	simm.s32 $0x108;
	s8 =	sld [smem:$0x3FB2]  }
0x2e: {  	s3 =	simm.s32 @!p0 $0x1082;
	s9 =	sld [smem:$0x3FB3]  }
0x2f: {  	lr =	sadd.s32 s0, s3;
	s0 =	sld [smem:$0x3FAA]  }
0x30: {  	s3 =	sld [smem:$0x3FAD]  }
0x31: {  	[smem:$0x3FB6] =	sst s10  }
0x32: {  	s10 =	sld [smem:$0x3FB4];
	_ =	sdelay $0x3  }
0x33: {  	p0 =	seq.s32 s10, $0x1;
	s10 =	sld [smem:$0x3FB6];
	_ =	sdelay $0x3  }
0x34: {  	[smem:$0x3FB6] =	sst s10  }
0x35: {  	s10 =	sld [smem:$0x3FB5];
	_ =	sdelay $0x3  }
0x36: {  	p1 =	seq.s32 s10, $0x1;
	s10 =	sld [smem:$0x3FB6];
	_ =	sdelay $0x3  }
0x37: {  	[smem:$0x3FB6] =	sst s10  }
0x38: {  	s10 =	sld [smem:$0x3FB7]  }
0x39: {  	_ = 	snop;
	(pc) =	sbr.ind lr, $3  }
0x3a: {  	_ = 	snop  }
0x3b: {  	_ = 	snop  }
0x3c: {  	p2 =	seq.s32 s10, $0x1;
	s10 =	sld [smem:$0x3FB6]  }
0x3d: {  	_ =	shalt  }
0x3e: {  	_ =	shalt  }
0x3f: {  	_ =	shalt  }
0x40: {  	_ =	shalt  }
0x41: {  	_ =	shalt  }
0x42: {  	_ =	shalt  }
0x43: {  	_ =	shalt  }
0x44: {  	_ =	shalt  }
0x45: {  	_ =	shalt  }
0x46: {  	_ =	shalt  }
0x47: {  	_ =	shalt  }
0x48: {  	_ =	shalt  }
0x49: {  	_ =	shalt  }
0x4a: {  	_ =	shalt  }
0x4b: {  	_ =	shalt  }
0x4c: {  	_ =	shalt  }
0x4d: {  	_ =	shalt  }
0x4e: {  	_ =	shalt  }
0x4f: {  	_ =	shalt  }
0x50: {  	_ =	shalt  }
0x51: {  	_ =	shalt  }
0x52: {  	_ =	shalt  }
0x53: {  	_ =	shalt  }
0x54: {  	_ =	shalt  }
0x55: {  	_ =	shalt  }
0x56: {  	_ =	shalt  }
0x57: {  	_ =	shalt  }
0x58: {  	_ =	shalt  }
0x59: {  	_ =	shalt  }
0x5a: {  	_ =	shalt  }
0x5b: {  	_ =	shalt  }
0x5c: {  	_ =	shalt  }
0x5d: {  	_ =	shalt  }
0x5e: {  	_ =	shalt  }
0x5f: {  	_ =	shalt  }
0x60: {  	_ =	shalt  }
0x61: {  	_ =	shalt  }
0x62: {  	_ =	shalt  }
0x63: {  	_ =	shalt  }
0x64: {  	_ =	shalt  }
0x65: {  	_ =	shalt  }
0x66: {  	_ =	shalt  }
0x67: {  	_ =	shalt  }
0x68: {  	_ =	shalt  }
0x69: {  	_ =	shalt  }
0x6a: {  	_ =	shalt  }
0x6b: {  	_ =	shalt  }
0x6c: {  	_ =	shalt  }
0x6d: {  	_ =	shalt  }
0x6e: {  	_ =	shalt  }
0x6f: {  	_ =	shalt  }
0x70: {  	_ =	shalt  }
0x71: {  	_ =	shalt  }
0x72: {  	_ =	shalt  }
0x73: {  	_ =	shalt  }
0x74: {  	_ =	shalt  }
0x75: {  	_ =	shalt  }
0x76: {  	_ =	shalt  }
0x77: {  	_ =	shalt  }
0x78: {  	_ =	shalt  }
0x79: {  	_ =	shalt  }
0x7a: {  	_ =	shalt  }
0x7b: {  	_ =	shalt  }
0x7c: {  	_ =	shalt  }
0x7d: {  	_ =	shalt  }
0x7e: {  	_ =	shalt  }
0x7f: {  	_ =	shalt  }
0x80: {  	_ =	shalt  }
0x81: {  	_ =	shalt  }
0x82: {  	_ =	shalt  }
0x83: {  	_ =	shalt  }
0x84: {  	_ =	shalt  }
0x85: {  	_ =	shalt  }
0x86: {  	_ =	shalt  }
0x87: {  	_ =	shalt  }
.Lfunc_end0:
.L_simem_size_0:
called_computation.1_lowered:
.L_overlay_start_0:
0x88: {  	s2 =	sld [smem:$0x3FD9]  }
0x89: {  	s3 =	sld [smem:$0x3FFE];
	_ =	sdelay $0x1  }
0x8a: {  	s1 =	srdreg.scid  }
0x8b: {  	s0 =	sand.u32 $0x1, s1  }
0x8c: {  	s17 =	sshll.u32 s0, $0xA;
	s2 =	sadd.s32 s3, s2  }
0x8d: {  	s2 =	sadd.s32 s2, s17  }
0x8e: {  	[smem:$0x3FC2] =	sst s2  }
0x8f: {  	_ = 	snop  }
0x90: {  	s2 =	sld [smem:$0x3FD0];
	(tm) =	ssettm $0x1  }
0x91: {  	s18 =	sld [smem:$0x3FFB];
	_ =	sdelay $0x3  }
0x92: {  	_ =	strace s18  }
0x93: {  	s3 =	sld [smem:$0x3FFC];
	_ =	sdelay $0x3  }
0x94: {  	_ =	strace s3  }
0x95: {  	s3 =	sld [smem:$0x3FFD];
	_ =	sdelay $0x3  }
0x96: {  	_ =	strace s3  }
0x97: {  	_ =	strace $0x8FFFFFFF  }
0x98: {  	s19 =	sld [smem:$0x3FDB];
	_ =	sdelay $0x1  }
0x99: {  	s4 =	simm.s32 $_scs_section_size  }
0x9a: {  	s5 =	simm.s32 $_size__tile_overlayer_lowered;
	s6 =	simm.s32 $_tile_overlayer_lowered  }
0x9b: {  	s22 =	simm.s32 $0x1BFF;
	s21 =	sshll.u32 s6, $0x1;
	s3 =	sadd.s32 s4, s19  }
0x9c: {  	s7 =	simm.s32 $0x0;
	s20 =	sshll.u32 s5, $0x1;
	s5 =	sadd.s32 s21, s3  }
0x9d: {  	[timem:s7], [sflag:s22] =	dma.local [hbm:s5], s20  }
0x9e: {  	_ =	swait.ge [sflag:s22], s20  }
0x9f: {  	s4 =	ssub.s32 $0x0, s20;
	[sflag:s22] =	ssyncset.done $0x0  }
0xa0: {  	[sflag:s22] =	ssyncadd.s32 s4;
	_ =	sdelay $0x1  }
0xa1: {  	s23 =	simm.s32 $0x1B8B  }
0xa2: {  	_ =	swait.ge [sflag:s23], $0x1  }
0xa3: {  	[sflag:s23] =	ssyncset.done $0x0  }
0xa4: {  	s25 =	simm.s32 $0x1B8E;
	s24 =	sld [smem:$0x3FFE];
	[sflag:s23] =	ssyncadd.s32 $0xFFFFFFFF  }
0xa5: {  	s26 =	simm.s32 $execute0_lowered;
	[smem:$0x3FD2] =	sst s25  }
0xa6: {  	s5 =	sshll.u32 s26, $0x1;
	_ =	strace $0x80000049;
	[dreg:$0x1] =	wrdreg $0xFFFFFFFF  }
0xa7: {  	s28 =	simm.s32 $_size_execute0_lowered;
	s3 =	sadd.s32 s3, s5;
	[dreg:$0x0] =	wrdreg $0x0  }
0xa8: {  	s5 =	sshll.u32 s28, $0x1;
	[dreg:$0x2] =	wrdreg s3  }
0xa9: {  	[dreg:$0x3] =	wrdreg s5  }
0xaa: {  	[dreg:$0x4] =	wrdreg $0xC0  }
0xab: {  	_ =	task [dreg:s7], $0x5FFFF  }
0xac: {  	[dreg:$0x1] =	wrdreg $0xFFFFFFFF  }
0xad: {  	[dreg:$0x0] =	wrdreg $0x60  }
0xae: {  	[dreg:$0x2] =	wrdreg s24  }
0xaf: {  	[dreg:$0x3] =	wrdreg s2  }
0xb0: {  	[dreg:$0x4] =	wrdreg $0x0  }
0xb1: {  	[dreg:$0x5] =	wrdreg $0x9  }
0xb2: {  	_ =	task.clear_ibuf [dreg:s7], $0x6FFFF;
	_ =	strace $0x90000049  }
0xb3: {  	s29 =	simm.s32 $0x9;
	_ =	strace $0x8000004B  }
0xb4: {  	_ =	swait.ge [sflag:s29], $0x1  }
0xb5: {  	[sflag:s29] =	ssyncadd.s32 $0xFFFFFFFF  }
0xb6: {  	_ =	strace $0x9000004B  }
0xb7: {  	_ =	sfence  }
0xb8: {  	s30 =	sld [smem:$0x0];
	_ =	sdelay $0x2  }
0xb9: {  	s31 =	sshll.u32 s1, $0xD;
	s1 =	sshrl.u32 s1, $0x2  }
0xba: {  	s3 =	sand.u32 $0x4000, s31;
	s1 =	sadd.s32 s1, s30  }
0xbb: {  	s0 =	sor.u32 s3, s0;
	s1 =	sshll.u32 s1, $0x11  }
0xbc: {  	s0 =	sor.u32 s1, s0  }
0xbd: {  	s0 =	sadd.s32 $0x8F2B, s0  }
0xbe: {  	[sflag:s0] =	ssyncadd.remote.s32 $0x1  }
0xbf: {  	_ =	sfence.sel $0xFFFF  }
0xc0: {  	[dreg:$0x0] =	wrdreg $0xFFFFFFFF;
	(pc) =	sbr.abs _section_cstart, $3  }
0xc1: {  	[dreg:$0x1] =	wrdreg $0xFFFFFFFF  }
0xc2: {  	_ =	task.clear_ibuf [dreg:s7], $0x2FFFF;
	_ =	strace $0x9FFFFFFF  }
0xc3: {  	(tm) =	ssettm $0x7FFFFFFF  }
tec
execute0_lowered:
.L_overlay_start_1:
0x0: {  	(tag) =	ssettag $0x1  }
0x1: {  	s0 =	rddreg [dreg:$0x0]  }
0x2: {  	s1 =	rddreg [dreg:$0x1]  }
0x3: {  	s2 =	rddreg [dreg:$0x2]  }
0x4: {  	s4 =	srdreg.scid;
	s14 =	stileid.u32  }
0x5: {  	s3 =	simm.s32 $0x0;
	s28 =	simm.s32 $0x4;
	s29 =	simm.s32 $0x1FA80  }
0x6: {  	s30 =	simm.s32 $0x3;
	s31 =	simm.s32 $0x1FD00;
	s6 =	smul.u32 $0x13900, s14  }
0x7: {  	s5 =	sand.u32 $0x1, s4;
	[smem:$0x7FF] =	sst s3;
	s12 =	smul.u32 $0x4E400, s14  }
0x8: {  	s4 =	sadd.s32 $0xCA00, s0;
	s8 =	sadd.s32 $0x2C00, s0;
	s7 =	smul.u32 $0x139000, s5  }
0x9: {  	_ =	strace $0x8000004A;
	s9 =	ssub.s32 $0x2, s5;
	s10 =	sshll.u32 s5, $0x4  }
0xa: {  	s13 =	smul.u32 $0x4E0, s5;
	s11 =	sshrl.u32 s9, $0x1;
	s10 =	sor.u32 s14, s10  }
0xb: {  	s12 =	sshrl.u32 s12, $0x2;
	s14 =	smul.u32 $0x4E, s14;
	s15 =	sadd.s32 s6, s2  }
0xc: {  	s7 =	sadd.s32 s6, s7;
	s25 =	smul.u32 $0x4E, s10;
	s26 =	smin.u32 s10, $0x4  }
0xd: {  	s12 =	sadd.s32 s12, s2;
	[dreg:$0x5] =	wrdreg s15;
	s15 =	simm.s32 $0x13900  }
0xe: {  	p0 =	sgt.u32 s10, $0x3;
	s10 =	simm.s32 $0x1FE80;
	s16 =	sadd.s32 $0x4000, s12  }
0xf: {  	s7 =	sshrl.u32 s7, $0x3;
	s17 =	sadd.s32 $0x8000, s12;
	[dreg:$0x6] =	wrdreg s16  }
0x10: {  	s18 =	sadd.s32 $0xC000, s12;
	s20 =	sadd.s32 s14, s13;
	[dreg:$0x7] =	wrdreg s17  }
0x11: {  	s21 =	sadd.s32 $0x10000, s12;
	s0 =	sadd.s32 s7, s0;
	[dreg:$0x8] =	wrdreg s18  }
0x12: {  	s7 =	ssub.s32 s9, s11;
	s9 =	sadd.s32 s26, s25;
	[dreg:$0x9] =	wrdreg s21  }
0x13: {  	s16 =	simm.s32 $0x7;
	s17 =	simm.s32 $0x1F900;
	s18 =	simm.s32 $0x1FC00  }
0x14: {  	s21 =	simm.s32 $0x17900;
	s11 =	simm.s32 $0x0;
	s19 =	sshll.u32 s9, $0x4  }
0x15: {  	s9 =	sadd.s32 s26, s20;
	s0 =	sadd.s32 $0x34A00, s0;
	s25 =	smax.u32 s7, $0x1  }
0x16: {  	s20 =	simm.s32 $0x1F980;
	s7 =	simm.s32 $0x6;
	[dreg:$0xc] =	wrdreg s0  }
0x17: {  	s6 =	sadd.s32 $0x4E0, s19;
	s24 =	sshll.u32 s9, $0x4;
	[dreg:$0xd] =	wrdreg s25  }
0x18: {  	s19 =	simm.s32 $0x80;
	s25 =	simm.s32 $0x2;
	s0 =	simm.s32 $0x5  }
0x19: {  	s9 =	simm.s32 $0x1FE00;
	s22 =	sadd.s32 s1, s6;
	s23 =	sadd.s32 s8, s6  }
0x1a: {  	s26 =	sadd.s32 s24, s1;
	s14 =	sadd.s32 s24, s8;
	[dreg:$0xa] =	wrdreg s22  }
0x1b: {  	s24 =	simm.s32 $0x1B900;
	s1 =	simm.s32 $0x1FB00;
	[dreg:$0xb] =	wrdreg s23  }
0x1c: {  	s6 =	simm.s32 $0x1FD80;
	s8 =	simm.s32 $0x1FB80;
	[dreg:$0x4] =	wrdreg s26  }
0x1d: {  	v0 =	vimm.f32 $0.0e+00;
	s22 =	simm.s32 $0x1;
	s23 =	simm.s32 $0x1FA00;
	s26 =	simm.s32 $0x1FC80  }
.LBB2_1:
0x1e: {  	s12 =	simm.s32 $0x0;
	s13 =	simm.s32 $0x200  }
.LBB2_2:
0x1f: {  	p1 =	sne.s32 s13, $0xFE00;
	[tilespmem:s12+$0x13970] =	vst v0  }
0x20: {  	[tilespmem:s12+$0x13900] =	vst v0  }
0x21: {  	[tilespmem:s12+$0x13910] =	vst v0  }
.Ltmp0:
0x22: {  	[tilespmem:s12+$0x13920] =	vst v0;
	(pc) =	sbr.rel @p1 .LBB2_2-.Ltmp0, $4  }
0x23: {  	[tilespmem:s12+$0x13930] =	vst v0  }
0x24: {  	[tilespmem:s12+$0x13940] =	vst v0  }
0x25: {  	[tilespmem:s12+$0x13950] =	vst v0  }
0x26: {  	[tilespmem:s12+$0x13960] =	vst v0;
	s12 =	sshra.s32 s13, $0x2;
	s13 =	sadd.s32 $0x200, s13  }
0x27: {  	[tilespmem:s12+$0x13970] =	vst v0  }
0x28: {  	[tilespmem:s12+$0x13900] =	vst v0  }
0x29: {  	[tilespmem:s12+$0x13910] =	vst v0  }
0x2a: {  	[tilespmem:s12+$0x13920] =	vst v0  }
0x2b: {  	[tilespmem:s12+$0x13930] =	vst v0  }
0x2c: {  	[tilespmem:s12+$0x13940] =	vst v0  }
0x2d: {  	[dreg:$0xe] =	wrdreg s11;
	[tilespmem:s12+$0x13950] =	vst v0  }
0x2e: {  	[tilespmem:s12+$0x13960] =	vst v0;
	s5 =	rddreg [dreg:$0x5]  }
0x2f: {  	[spmem:s5] =	stream.linear.scatter [tilespmem:s15], [sflag:$0x7], $0x4000, $0x38;
	[tilespmem:$0x1FF00] =	vst v63  }
0x30: {  	_ =	swait.ge [sflag:s16], $0x4000  }
0x31: {  	[sflag:s16] =	ssyncset.done $0x0  }
0x32: {  	s13 =	rddreg [dreg:$0x6];
	[sflag:s16] =	ssyncadd.s32 $0xFFFFC000  }
0x33: {  	[spmem:s13] =	stream.linear.scatter [tilespmem:s15], [sflag:$0x7], $0x4000, $0x38;
	[tilespmem:$0x1FF00] =	vst v63  }
0x34: {  	_ =	swait.ge [sflag:s16], $0x4000  }
0x35: {  	[sflag:s16] =	ssyncset.done $0x0  }
0x36: {  	s11 =	rddreg [dreg:$0x7];
	[sflag:s16] =	ssyncadd.s32 $0xFFFFC000  }
0x37: {  	[spmem:s11] =	stream.linear.scatter [tilespmem:s15], [sflag:$0x7], $0x4000, $0x38;
	[tilespmem:$0x1FF00] =	vst v63  }
0x38: {  	_ =	swait.ge [sflag:s16], $0x4000  }
0x39: {  	[sflag:s16] =	ssyncset.done $0x0  }
0x3a: {  	s12 =	rddreg [dreg:$0x8];
	[sflag:s16] =	ssyncadd.s32 $0xFFFFC000  }
0x3b: {  	[spmem:s12] =	stream.linear.scatter [tilespmem:s15], [sflag:$0x7], $0x4000, $0x38;
	[tilespmem:$0x1FF00] =	vst v63  }
0x3c: {  	_ =	swait.ge [sflag:s16], $0x4000  }
0x3d: {  	[sflag:s16] =	ssyncset.done $0x0  }
0x3e: {  	s13 =	rddreg [dreg:$0x9];
	[sflag:s16] =	ssyncadd.s32 $0xFFFFC000  }
0x3f: {  	[spmem:s13] =	stream.linear.scatter [tilespmem:s15], [sflag:$0x7], $0x3900, $0x38;
	[tilespmem:$0x1FF00] =	vst v63  }
0x40: {  	_ =	swait.ge [sflag:s16], $0x3900  }
0x41: {  	[sflag:s16] =	ssyncset.done $0x0  }
0x42: {  	[sflag:s16] =	ssyncadd.s32 $0xFFFFC700  }
0x43: {  	[bflag:$0x0] =	sbarrier.arrive $0xFFFF  }
0x44: {  	s11 =	rddreg [dreg:$0x4]  }
0x45: {  	s12 =	sadd.s32 $0x0, s11  }
0x46: {  	[tilespmem:s17], [sflag:$0x7] =	stream.linear.gather [hbm4b:s12+s3], $0x300, $0x38;
	[tilespmem:$0x1FF00] =	vst v63  }
0x47: {  	_ =	swait.ge [sflag:s16], $0x300  }
0x48: {  	[sflag:s16] =	ssyncset.done $0x0  }
0x49: {  	s13 =	sadd.s32 $0x0, s14;
	[sflag:s16] =	ssyncadd.s32 $0xFFFFFD00  }
0x4a: {  	[tilespmem:s18], [sflag:$0x7] =	stream.linear.gather [hbm4b:s13+s3], $0x300, $0x38;
	[tilespmem:$0x1FF00] =	vst v63  }
0x4b: {  	_ =	swait.ge [sflag:s16], $0x300  }
0x4c: {  	[sflag:s16] =	ssyncset.done $0x0  }
0x4d: {  	[sflag:s16] =	ssyncadd.s32 $0xFFFFFD00  }
0x4e: {  	[tilespmem:s15], [sflag:$0x1] =	stream.indirect.gather [hbm4b:s4+s19], $0x80, s17, s19, $0xb8;
	[tilespmem:$0x1FF00] =	vst v63  }
0x4f: {  	_ = 	snop  }
0x50: {  	[tilespmem:s21], [sflag:$0x2] =	stream.indirect.gather [hbm4b:s4+s19], $0x80, s20, s19, $0xb8;
	[tilespmem:$0x1FF00] =	vst v63  }
0x51: {  	_ =	swait.ge [sflag:s22], $0x4000  }
0x52: {  	[sflag:s22] =	ssyncset.done $0x0  }
0x53: {  	[sflag:s22] =	ssyncadd.s32 $0xFFFFC000  }
0x54: {  	[spmem:s2] =	stream.indirect.scatter.add.f32 [tilespmem:s15], [sflag:$0x4], $0x80, s18, s19, $0xb8;
	[tilespmem:$0x1FF00] =	vst v63  }
0x55: {  	_ = 	snop  }
0x56: {  	[tilespmem:s24], [sflag:$0x3] =	stream.indirect.gather [hbm4b:s4+s19], $0x80, s23, s19, $0xb8;
	[tilespmem:$0x1FF00] =	vst v63  }
0x57: {  	_ =	swait.ge [sflag:s25], $0x4000  }
0x58: {  	[sflag:s25] =	ssyncset.done $0x0  }
0x59: {  	[sflag:s25] =	ssyncadd.s32 $0xFFFFC000  }
0x5a: {  	[spmem:s2] =	stream.indirect.scatter.add.f32 [tilespmem:s21], [sflag:$0x5], $0x80, s26, s19, $0xb8;
	[tilespmem:$0x1FF00] =	vst v63  }
0x5b: {  	_ =	swait.ge [sflag:s28], $0x4000  }
0x5c: {  	[sflag:s28] =	ssyncset.done $0x0  }
0x5d: {  	[sflag:s28] =	ssyncadd.s32 $0xFFFFC000  }
0x5e: {  	[tilespmem:s15], [sflag:$0x1] =	stream.indirect.gather [hbm4b:s4+s19], $0x80, s29, s19, $0xb8;
	[tilespmem:$0x1FF00] =	vst v63  }
0x5f: {  	_ =	swait.ge [sflag:s30], $0x4000  }
0x60: {  	[sflag:s30] =	ssyncset.done $0x0  }
0x61: {  	[sflag:s30] =	ssyncadd.s32 $0xFFFFC000  }
0x62: {  	[spmem:s2] =	stream.indirect.scatter.add.f32 [tilespmem:s24], [sflag:$0x6], $0x80, s31, s19, $0xb8;
	[tilespmem:$0x1FF00] =	vst v63  }
0x63: {  	_ =	swait.ge [sflag:s0], $0x4000  }
0x64: {  	[sflag:s0] =	ssyncset.done $0x0  }
0x65: {  	[sflag:s0] =	ssyncadd.s32 $0xFFFFC000  }
0x66: {  	[tilespmem:s21], [sflag:$0x2] =	stream.indirect.gather [hbm4b:s4+s19], $0x80, s1, s19, $0xb8;
	[tilespmem:$0x1FF00] =	vst v63  }
0x67: {  	_ =	swait.ge [sflag:s22], $0x4000  }
0x68: {  	[sflag:s22] =	ssyncset.done $0x0  }
0x69: {  	[sflag:s22] =	ssyncadd.s32 $0xFFFFC000  }
0x6a: {  	[spmem:s2] =	stream.indirect.scatter.add.f32 [tilespmem:s15], [sflag:$0x4], $0x80, s6, s19, $0xb8;
	[tilespmem:$0x1FF00] =	vst v63  }
0x6b: {  	_ =	swait.ge [sflag:s7], $0x4000  }
0x6c: {  	[sflag:s7] =	ssyncset.done $0x0  }
0x6d: {  	[sflag:s7] =	ssyncadd.s32 $0xFFFFC000  }
0x6e: {  	[tilespmem:s24], [sflag:$0x3] =	stream.indirect.gather [hbm4b:s4+s19], $0x80, s8, s19, $0xb8;
	[tilespmem:$0x1FF00] =	vst v63  }
0x6f: {  	_ =	swait.ge [sflag:s25], $0x4000  }
0x70: {  	[sflag:s25] =	ssyncset.done $0x0  }
0x71: {  	[sflag:s25] =	ssyncadd.s32 $0xFFFFC000  }
0x72: {  	[spmem:s2] =	stream.indirect.scatter.add.f32 [tilespmem:s21], [sflag:$0x5], $0x80, s9, s19, $0xb8;
	[tilespmem:$0x1FF00] =	vst v63  }
0x73: {  	_ =	swait.ge [sflag:s30], $0x4000  }
0x74: {  	[sflag:s30] =	ssyncset.done $0x0  }
0x75: {  	[sflag:s30] =	ssyncadd.s32 $0xFFFFC000  }
0x76: {  	[spmem:s2] =	stream.indirect.scatter.add.f32 [tilespmem:s24], [sflag:$0x6], $0x80, s10, s19, $0xb8;
	[tilespmem:$0x1FF00] =	vst v63  }
0x77: {  	_ =	swait.ge [sflag:s28], $0x4000  }
0x78: {  	[sflag:s28] =	ssyncset.done $0x0  }
0x79: {  	[sflag:s28] =	ssyncadd.s32 $0xFFFFC000  }
0x7a: {  	_ =	swait.ge [sflag:s0], $0x4000  }
0x7b: {  	[sflag:s0] =	ssyncset.done $0x0  }
0x7c: {  	[sflag:s0] =	ssyncadd.s32 $0xFFFFC000  }
0x7d: {  	s12 =	simm.s32 $0x60;
	_ =	swait.ge [sflag:s7], $0x4000  }
.LBB2_4:
0x7e: {  	s13 =	rddreg [dreg:$0x4];
	s5 =	smov.u32 s12;
	[sflag:s7] =	ssyncset.done $0x0  }
0x7f: {  	s13 =	sadd.s32 s5, s13;
	[sflag:s7] =	ssyncadd.s32 $0xFFFFC000  }
0x80: {  	[tilespmem:s17], [sflag:$0x7] =	stream.linear.gather [hbm4b:s13+s3], $0x300, $0x38;
	[tilespmem:$0x1FF00] =	vst v63  }
0x81: {  	_ =	swait.ge [sflag:s16], $0x300  }
0x82: {  	[sflag:s16] =	ssyncset.done $0x0  }
0x83: {  	s5 =	sadd.s32 s5, s14;
	[sflag:s16] =	ssyncadd.s32 $0xFFFFFD00  }
0x84: {  	[tilespmem:s18], [sflag:$0x7] =	stream.linear.gather [hbm4b:s5+s3], $0x300, $0x38;
	[tilespmem:$0x1FF00] =	vst v63  }
0x85: {  	_ =	swait.ge [sflag:s16], $0x300  }
0x86: {  	[sflag:s16] =	ssyncset.done $0x0  }
0x87: {  	[sflag:s16] =	ssyncadd.s32 $0xFFFFFD00  }
0x88: {  	[tilespmem:s15], [sflag:$0x1] =	stream.indirect.gather [hbm4b:s4+s19], $0x80, s17, s19, $0xb8;
	[tilespmem:$0x1FF00] =	vst v63  }
0x89: {  	_ = 	snop  }
0x8a: {  	[tilespmem:s21], [sflag:$0x2] =	stream.indirect.gather [hbm4b:s4+s19], $0x80, s20, s19, $0xb8;
	[tilespmem:$0x1FF00] =	vst v63  }
0x8b: {  	_ =	swait.ge [sflag:s22], $0x4000  }
0x8c: {  	[sflag:s22] =	ssyncset.done $0x0  }
0x8d: {  	[sflag:s22] =	ssyncadd.s32 $0xFFFFC000  }
0x8e: {  	[spmem:s2] =	stream.indirect.scatter.add.f32 [tilespmem:s15], [sflag:$0x4], $0x80, s18, s19, $0xb8;
	[tilespmem:$0x1FF00] =	vst v63  }
0x8f: {  	_ = 	snop  }
0x90: {  	[tilespmem:s24], [sflag:$0x3] =	stream.indirect.gather [hbm4b:s4+s19], $0x80, s23, s19, $0xb8;
	[tilespmem:$0x1FF00] =	vst v63  }
0x91: {  	_ =	swait.ge [sflag:s25], $0x4000  }
0x92: {  	[sflag:s25] =	ssyncset.done $0x0  }
0x93: {  	[sflag:s25] =	ssyncadd.s32 $0xFFFFC000  }
0x94: {  	[spmem:s2] =	stream.indirect.scatter.add.f32 [tilespmem:s21], [sflag:$0x5], $0x80, s26, s19, $0xb8;
	[tilespmem:$0x1FF00] =	vst v63  }
0x95: {  	_ =	swait.ge [sflag:s28], $0x4000  }
0x96: {  	[sflag:s28] =	ssyncset.done $0x0  }
0x97: {  	[sflag:s28] =	ssyncadd.s32 $0xFFFFC000  }
0x98: {  	[tilespmem:s15], [sflag:$0x1] =	stream.indirect.gather [hbm4b:s4+s19], $0x80, s29, s19, $0xb8;
	[tilespmem:$0x1FF00] =	vst v63  }
0x99: {  	_ =	swait.ge [sflag:s30], $0x4000  }
0x9a: {  	[sflag:s30] =	ssyncset.done $0x0  }
0x9b: {  	[sflag:s30] =	ssyncadd.s32 $0xFFFFC000  }
0x9c: {  	[spmem:s2] =	stream.indirect.scatter.add.f32 [tilespmem:s24], [sflag:$0x6], $0x80, s31, s19, $0xb8;
	[tilespmem:$0x1FF00] =	vst v63  }
0x9d: {  	_ =	swait.ge [sflag:s0], $0x4000  }
0x9e: {  	[sflag:s0] =	ssyncset.done $0x0  }
0x9f: {  	[sflag:s0] =	ssyncadd.s32 $0xFFFFC000  }
0xa0: {  	[tilespmem:s21], [sflag:$0x2] =	stream.indirect.gather [hbm4b:s4+s19], $0x80, s1, s19, $0xb8;
	[tilespmem:$0x1FF00] =	vst v63  }
0xa1: {  	_ =	swait.ge [sflag:s22], $0x4000  }
0xa2: {  	[sflag:s22] =	ssyncset.done $0x0  }
0xa3: {  	[sflag:s22] =	ssyncadd.s32 $0xFFFFC000  }
0xa4: {  	[spmem:s2] =	stream.indirect.scatter.add.f32 [tilespmem:s15], [sflag:$0x4], $0x80, s6, s19, $0xb8;
	[tilespmem:$0x1FF00] =	vst v63  }
0xa5: {  	_ =	swait.ge [sflag:s7], $0x4000  }
0xa6: {  	[sflag:s7] =	ssyncset.done $0x0  }
0xa7: {  	[sflag:s7] =	ssyncadd.s32 $0xFFFFC000  }
0xa8: {  	[tilespmem:s24], [sflag:$0x3] =	stream.indirect.gather [hbm4b:s4+s19], $0x80, s8, s19, $0xb8;
	[tilespmem:$0x1FF00] =	vst v63  }
0xa9: {  	_ =	swait.ge [sflag:s25], $0x4000  }
0xaa: {  	[sflag:s25] =	ssyncset.done $0x0  }
0xab: {  	[sflag:s25] =	ssyncadd.s32 $0xFFFFC000  }
0xac: {  	[spmem:s2] =	stream.indirect.scatter.add.f32 [tilespmem:s21], [sflag:$0x5], $0x80, s9, s19, $0xb8;
	[tilespmem:$0x1FF00] =	vst v63  }
0xad: {  	_ =	swait.ge [sflag:s30], $0x4000  }
0xae: {  	[sflag:s30] =	ssyncset.done $0x0  }
0xaf: {  	[sflag:s30] =	ssyncadd.s32 $0xFFFFC000  }
0xb0: {  	[spmem:s2] =	stream.indirect.scatter.add.f32 [tilespmem:s24], [sflag:$0x6], $0x80, s10, s19, $0xb8;
	[tilespmem:$0x1FF00] =	vst v63  }
0xb1: {  	_ =	swait.ge [sflag:s28], $0x4000  }
0xb2: {  	p1 =	sne.s32 s12, $0x480;
	[sflag:s28] =	ssyncset.done $0x0  }
.Ltmp1:
0xb3: {  	[sflag:s28] =	ssyncadd.s32 $0xFFFFC000;
	(pc) =	sbr.rel @p1 .LBB2_4-.Ltmp1, $4  }
0xb4: {  	_ =	swait.ge [sflag:s0], $0x4000  }
0xb5: {  	[sflag:s0] =	ssyncset.done $0x0  }
0xb6: {  	[sflag:s0] =	ssyncadd.s32 $0xFFFFC000  }
0xb7: {  	s12 =	sadd.s32 $0x60, s12;
	_ =	swait.ge [sflag:s7], $0x4000  }
0xb8: {  	[sflag:s7] =	ssyncset.done $0x0;
	s5 =	simm.s32 @!p0 $0x0;
	s12 =	simm.s32 @!p0 $0x1F900  }
0xb9: {  	s11 =	rddreg [dreg:$0xa];
	s13 =	simm.s32 @!p0 $0x7;
	[sflag:s7] =	ssyncadd.s32 $0xFFFFC000  }
0xba: {  	[tilespmem:s12], [sflag:$0x7] =	stream.linear.gather @!p0 [hbm4b:s11+s5], $0x80, $0x38;
	[tilespmem:$0x1FF00] =	vst v63  }
0xbb: {  	_ =	swait.ge @!p0 [sflag:s13], $0x80  }
0xbc: {  	[sflag:s13] =	ssyncset.done @!p0 $0x0  }
0xbd: {  	s11 =	simm.s32 @!p0 $0x1FC00;
	s12 =	rddreg [dreg:$0xb];
	[sflag:s13] =	ssyncadd.s32 @!p0 $0xFFFFFF80  }
0xbe: {  	[tilespmem:s11], [sflag:$0x7] =	stream.linear.gather @!p0 [hbm4b:s12+s5], $0x80, $0x38;
	[tilespmem:$0x1FF00] =	vst v63  }
0xbf: {  	_ =	swait.ge @!p0 [sflag:s13], $0x80  }
0xc0: {  	s5 =	simm.s32 @!p0 $0x80;
	[sflag:s13] =	ssyncset.done @!p0 $0x0  }
0xc1: {  	s12 =	simm.s32 @!p0 $0x1F900;
	[sflag:s13] =	ssyncadd.s32 @!p0 $0xFFFFFF80;
	s13 =	simm.s32 @!p0 $0x13900  }
0xc2: {  	[tilespmem:s13], [sflag:$0x1] =	stream.indirect.gather @!p0 [hbm4b:s4+s5], $0x80, s12, s5, $0xb8;
	[tilespmem:$0x1FF00] =	vst v63  }
0xc3: {  	s12 =	simm.s32 @!p0 $0x1  }
0xc4: {  	_ =	swait.ge @!p0 [sflag:s12], $0x4000  }
0xc5: {  	[sflag:s12] =	ssyncset.done @!p0 $0x0  }
0xc6: {  	[sflag:s12] =	ssyncadd.s32 @!p0 $0xFFFFC000  }
0xc7: {  	[spmem:s2] =	stream.indirect.scatter.add.f32 @!p0 [tilespmem:s13], [sflag:$0x4], $0x80, s11, s5, $0xb8;
	[tilespmem:$0x1FF00] =	vst v63  }
0xc8: {  	s5 =	simm.s32 @!p0 $0x4  }
0xc9: {  	_ =	swait.ge @!p0 [sflag:s5], $0x4000  }
0xca: {  	[sflag:s5] =	ssyncset.done @!p0 $0x0  }
0xcb: {  	[sflag:s5] =	ssyncadd.s32 @!p0 $0xFFFFC000  }
0xcc: {  	s11 =	stileid.u32;
	[bflag:$0x0] =	sbarrier.arrive $0xFFFF  }
0xcd: {  	s5 =	sshll.u32 s11, $0x6;
	s12 =	rddreg [dreg:$0x5]  }
0xce: {  	s5 =	sor.u32 $0x1C07, s5;
	s13 =	rddreg [dreg:$0xc];
	s11 =	sshrl.u32 s12, $0x3  }
0xcf: {  	[hbm:s13], [sflag:s5] =	dma.local [spmem:s11], $0x2720  }
0xd0: {  	_ =	swait.ge [sflag:s16], $0x2720  }
0xd1: {  	s12 =	rddreg [dreg:$0xe]  }
0xd2: {  	s13 =	rddreg [dreg:$0xd];
	s11 =	sadd.s32 $0x1, s12  }
0xd3: {  	p1 =	sne.s32 s11, s13  }
.Ltmp2:
0xd4: {  	_ = 	snop;
	(pc) =	sbr.rel @p1 .LBB2_1-.Ltmp2, $3  }
0xd5: {  	_ =	sdelay $0x1  }
0xd6: {  	[sflag:s16] =	ssyncset.done $0x0  }
0xd7: {  	[sflag:s16] =	ssyncadd.s32 $0xFFFFD8E0  }
0xd8: {  	_ =	sfence.sel $0x180000  }
0xd9: {  	[bflag:$0x0] =	sbarrier.arrive $0xFFFF  }
0xda: {  	_ =	strace $0x9000004A  }
0xdb: {  	s0 =	stileid.u32;
	[bflag:$0x2] =	sbarrier.arrive $0xFFFF  }
0xdc: {  	p0 =	sne.s32 s0, $0x0;
	s0 =	rddreg [dreg:$0x3]  }
0xdd: {  	s0 =	sadd.s32 @!p0 $0x100000, s0  }
0xde: {  	[sflag:s0] =	ssyncadd.tile.s32 @!p0 $0x1;
	_ =	shalt  }
.Lfunc_end2:
_tile_overlayer_lowered:
.L_overlay_start_2:
0xdf: {  	(tag) =	ssettag $0x2  }
0xe0: {  	s0 =	rddreg [dreg:$0x0];
	s2 =	stileid.u32  }
0xe1: {  	s1 =	rddreg [dreg:$0x1];
	p0 =	sne.s32 s2, $0x0  }
0xe2: {  	s3 =	rddreg [dreg:$0x2];
	[bflag:$0x3] =	sbarrier.arrive $0xFFFF;
	s2 =	simm.s32 @!p0 $0x1C07  }
0xe3: {  	[timem:s3], [sflag:s2] =	dma.local @!p0 [hbm:s0], s1  }
0xe4: {  	s0 =	simm.s32 @!p0 $0x7  }
0xe5: {  	_ =	swait.ge @!p0 [sflag:s0], s1  }
0xe6: {  	s1 =	ssub.s32 @!p0 $0x0, s1;
	[sflag:s0] =	ssyncset.done @!p0 $0x0  }
0xe7: {  	[sflag:s0] =	ssyncadd.s32 @!p0 s1  }
0xe8: {  	[bflag:$0x3] =	sbarrier.arrive $0xFFFF  }
0xe9: {  	_ =	shalt  }

// kernel: kernel.14.cloned.1.call-start
scs
__scs_entry_jumppad:
0x0: {  	(pc) =	sbr.rel $0x88, $3  }
0x1: {  	(tag) =	ssettag $0x0;
	lr =	simm.s32 $0x1  }
0x2: {  	[smem:$0x3F9B] =	sst lr;
	_ =	strace $0xD0000000  }
0x3: {  	_ = 	snop  }
0x4: {  	_ = 	snop  }
0x5: {  	_ = 	snop  }
0x6: {  	_ = 	snop  }
0x7: {  	_ = 	snop  }
__scs_overlays_trampoline_lowered:
0x8: {  	[smem:$0x3FAA] =	sst s0  }
0x9: {  	[smem:$0x3FAB] =	sst s1  }
0xa: {  	[smem:$0x3FAC] =	sst s2  }
0xb: {  	[smem:$0x3FAD] =	sst s3  }
0xc: {  	[smem:$0x3FAE] =	sst s4  }
0xd: {  	[smem:$0x3FAF] =	sst s5  }
0xe: {  	[smem:$0x3FB0] =	sst s6  }
0xf: {  	[smem:$0x3FB1] =	sst s7  }
0x10: {  	[smem:$0x3FB2] =	sst s8  }
0x11: {  	[smem:$0x3FB3] =	sst s9;
	s0 =	simm.s32 @!p0 $0x0  }
0x12: {  	s1 =	sld [smem:$0x3F99];
	s0 =	simm.s32 @p0 $0x1  }
0x13: {  	[smem:$0x3FB4] =	sst s0;
	s0 =	simm.s32 @!p1 $0x0  }
0x14: {  	s2 =	sld [smem:$0x3F98];
	s0 =	simm.s32 @p1 $0x1  }
0x15: {  	[smem:$0x3FB5] =	sst s0;
	s0 =	simm.s32 @!p2 $0x0  }
0x16: {  	s3 =	sld [smem:$0x3FDB];
	s0 =	simm.s32 @p2 $0x1  }
0x17: {  	s4 =	simm.s32 $0x1BF5;
	[smem:$0x3FB7] =	sst s0  }
0x18: {  	s0 =	sld [smem:$0x3F9A];
	_ =	swait.ge [sflag:s4], $0x0  }
0x19: {  	s7 =	sld [smem:$0x3F9B]  }
0x1a: {  	s8 =	sadd.s32 $0xFFFFE003, lr  }
0x1b: {  	s9 =	sadd.s32 $0xFFFFFEF7, lr;
	s5 =	simm.s32 $0xFFFFFFFF;
	p2 =	slt.u32 s8, $0xFFFFF086  }
0x1c: {  	p1 =	slt.u32 s9, $0xF7A;
	s5 =	simm.s32 @!p2 $0x0  }
0x1d: {  	s5 =	simm.s32 @p1 $0x1;
	p0 =	seq.s32 s7, s2  }
0x1e: {  	s7 =	smul.u32 @!p0 $0xF7A, s2;
	p2 =	seq.s32 @!p0 s5, $0x0  }
0x1f: {  	s9 =	smul.u32 $0xF7A, s1;
	s8 =	simm.s32 @!p0 $0x1BF5;
	p2 =	por !p2, p0  }
0x20: {  	[sflag:s8] =	ssyncset.s32 @!p0 $0xFFFFF086;
	s6 =	sadd.s32 @!p0 s3, s7;
	s7 =	simm.s32 @!p0 $0x108  }
0x21: {  	s3 =	sadd.s32 s3, s9;
	s6 =	sadd.s32 @!p0 $0x88, s6;
	s7 =	simm.s32 @p2 $0x1082  }
0x22: {  	[simem:s7], [sflag:s8] =	dma.local @!p0 [hbm:s6], $0xF7A  }
0x23: {  	s9 =	sor.u32 $0xD0000000, s2;
	s6 =	simm.s32 $0x108;
	_ =	swait.ge @!p0 [sflag:s8], $0x0  }
0x24: {  	s3 =	sadd.s32 $0x88, s3;
	s6 =	simm.s32 @!p1 $0x1082;
	[sflag:s4] =	ssyncset.s32 $0xFFFFF086  }
0x25: {  	[simem:s6], [sflag:s4] =	dma.local [hbm:s3], $0xF7A  }
0x26: {  	[smem:$0x3F9B] =	sst s1;
	(tag) =	ssettag s2;
	_ =	strace s9  }
0x27: {  	s1 =	sld [smem:$0x3FAB]  }
0x28: {  	s2 =	sld [smem:$0x3FAC]  }
0x29: {  	s4 =	sld [smem:$0x3FAE]  }
0x2a: {  	p0 =	seq.s32 s5, $0x0;
	s5 =	sld [smem:$0x3FAF]  }
0x2b: {  	s6 =	sld [smem:$0x3FB0]  }
0x2c: {  	s7 =	sld [smem:$0x3FB1]  }
0x2d: {  	s3 =	simm.s32 $0x108;
	s8 =	sld [smem:$0x3FB2]  }
0x2e: {  	s3 =	simm.s32 @!p0 $0x1082;
	s9 =	sld [smem:$0x3FB3]  }
0x2f: {  	lr =	sadd.s32 s0, s3;
	s0 =	sld [smem:$0x3FAA]  }
0x30: {  	s3 =	sld [smem:$0x3FAD]  }
0x31: {  	[smem:$0x3FB6] =	sst s10  }
0x32: {  	s10 =	sld [smem:$0x3FB4];
	_ =	sdelay $0x3  }
0x33: {  	p0 =	seq.s32 s10, $0x1;
	s10 =	sld [smem:$0x3FB6];
	_ =	sdelay $0x3  }
0x34: {  	[smem:$0x3FB6] =	sst s10  }
0x35: {  	s10 =	sld [smem:$0x3FB5];
	_ =	sdelay $0x3  }
0x36: {  	p1 =	seq.s32 s10, $0x1;
	s10 =	sld [smem:$0x3FB6];
	_ =	sdelay $0x3  }
0x37: {  	[smem:$0x3FB6] =	sst s10  }
0x38: {  	s10 =	sld [smem:$0x3FB7]  }
0x39: {  	_ = 	snop;
	(pc) =	sbr.ind lr, $3  }
0x3a: {  	_ = 	snop  }
0x3b: {  	_ = 	snop  }
0x3c: {  	p2 =	seq.s32 s10, $0x1;
	s10 =	sld [smem:$0x3FB6]  }
0x3d: {  	_ =	shalt  }
0x3e: {  	_ =	shalt  }
0x3f: {  	_ =	shalt  }
0x40: {  	_ =	shalt  }
0x41: {  	_ =	shalt  }
0x42: {  	_ =	shalt  }
0x43: {  	_ =	shalt  }
0x44: {  	_ =	shalt  }
0x45: {  	_ =	shalt  }
0x46: {  	_ =	shalt  }
0x47: {  	_ =	shalt  }
0x48: {  	_ =	shalt  }
0x49: {  	_ =	shalt  }
0x4a: {  	_ =	shalt  }
0x4b: {  	_ =	shalt  }
0x4c: {  	_ =	shalt  }
0x4d: {  	_ =	shalt  }
0x4e: {  	_ =	shalt  }
0x4f: {  	_ =	shalt  }
0x50: {  	_ =	shalt  }
0x51: {  	_ =	shalt  }
0x52: {  	_ =	shalt  }
0x53: {  	_ =	shalt  }
0x54: {  	_ =	shalt  }
0x55: {  	_ =	shalt  }
0x56: {  	_ =	shalt  }
0x57: {  	_ =	shalt  }
0x58: {  	_ =	shalt  }
0x59: {  	_ =	shalt  }
0x5a: {  	_ =	shalt  }
0x5b: {  	_ =	shalt  }
0x5c: {  	_ =	shalt  }
0x5d: {  	_ =	shalt  }
0x5e: {  	_ =	shalt  }
0x5f: {  	_ =	shalt  }
0x60: {  	_ =	shalt  }
0x61: {  	_ =	shalt  }
0x62: {  	_ =	shalt  }
0x63: {  	_ =	shalt  }
0x64: {  	_ =	shalt  }
0x65: {  	_ =	shalt  }
0x66: {  	_ =	shalt  }
0x67: {  	_ =	shalt  }
0x68: {  	_ =	shalt  }
0x69: {  	_ =	shalt  }
0x6a: {  	_ =	shalt  }
0x6b: {  	_ =	shalt  }
0x6c: {  	_ =	shalt  }
0x6d: {  	_ =	shalt  }
0x6e: {  	_ =	shalt  }
0x6f: {  	_ =	shalt  }
0x70: {  	_ =	shalt  }
0x71: {  	_ =	shalt  }
0x72: {  	_ =	shalt  }
0x73: {  	_ =	shalt  }
0x74: {  	_ =	shalt  }
0x75: {  	_ =	shalt  }
0x76: {  	_ =	shalt  }
0x77: {  	_ =	shalt  }
0x78: {  	_ =	shalt  }
0x79: {  	_ =	shalt  }
0x7a: {  	_ =	shalt  }
0x7b: {  	_ =	shalt  }
0x7c: {  	_ =	shalt  }
0x7d: {  	_ =	shalt  }
0x7e: {  	_ =	shalt  }
0x7f: {  	_ =	shalt  }
0x80: {  	_ =	shalt  }
0x81: {  	_ =	shalt  }
0x82: {  	_ =	shalt  }
0x83: {  	_ =	shalt  }
0x84: {  	_ =	shalt  }
0x85: {  	_ =	shalt  }
0x86: {  	_ =	shalt  }
0x87: {  	_ =	shalt  }
.Lfunc_end0:
.L_simem_size_0:
called_computation.2_lowered:
.L_overlay_start_0:
0x88: {  	s2 =	sld [smem:$0x3FD9]  }
0x89: {  	s3 =	sld [smem:$0x3FFE];
	_ =	sdelay $0x1  }
0x8a: {  	s1 =	srdreg.scid  }
0x8b: {  	s0 =	sand.u32 $0x1, s1  }
0x8c: {  	s17 =	sshll.u32 s0, $0xA;
	s2 =	sadd.s32 s3, s2  }
0x8d: {  	s2 =	sadd.s32 s2, s17  }
0x8e: {  	[smem:$0x3FC2] =	sst s2  }
0x8f: {  	_ = 	snop  }
0x90: {  	s2 =	sld [smem:$0x3FD0];
	(tm) =	ssettm $0x1  }
0x91: {  	s18 =	sld [smem:$0x3FFB];
	_ =	sdelay $0x3  }
0x92: {  	_ =	strace s18  }
0x93: {  	s3 =	sld [smem:$0x3FFC];
	_ =	sdelay $0x3  }
0x94: {  	_ =	strace s3  }
0x95: {  	s3 =	sld [smem:$0x3FFD];
	_ =	sdelay $0x3  }
0x96: {  	_ =	strace s3  }
0x97: {  	_ =	strace $0x8FFFFFFF  }
0x98: {  	s19 =	sld [smem:$0x3FDB];
	_ =	sdelay $0x1  }
0x99: {  	s4 =	simm.s32 $_scs_section_size  }
0x9a: {  	s5 =	simm.s32 $_size__tile_overlayer_lowered;
	s6 =	simm.s32 $_tile_overlayer_lowered  }
0x9b: {  	s22 =	simm.s32 $0x1BFF;
	s21 =	sshll.u32 s6, $0x1;
	s3 =	sadd.s32 s4, s19  }
0x9c: {  	s7 =	simm.s32 $0x0;
	s20 =	sshll.u32 s5, $0x1;
	s5 =	sadd.s32 s21, s3  }
0x9d: {  	[timem:s7], [sflag:s22] =	dma.local [hbm:s5], s20  }
0x9e: {  	_ =	swait.ge [sflag:s22], s20  }
0x9f: {  	s4 =	ssub.s32 $0x0, s20;
	[sflag:s22] =	ssyncset.done $0x0  }
0xa0: {  	[sflag:s22] =	ssyncadd.s32 s4;
	_ =	sdelay $0x1  }
0xa1: {  	s23 =	simm.s32 $0x1B8B  }
0xa2: {  	_ =	swait.ge [sflag:s23], $0x1  }
0xa3: {  	[sflag:s23] =	ssyncset.done $0x0  }
0xa4: {  	s25 =	simm.s32 $0x1B8E;
	s24 =	sld [smem:$0x3FFE];
	[sflag:s23] =	ssyncadd.s32 $0xFFFFFFFF  }
0xa5: {  	s26 =	simm.s32 $execute0_lowered;
	[smem:$0x3FD2] =	sst s25  }
0xa6: {  	s5 =	sshll.u32 s26, $0x1;
	_ =	strace $0x8000004C;
	[dreg:$0x1] =	wrdreg $0xFFFFFFFF  }
0xa7: {  	s28 =	simm.s32 $_size_execute0_lowered;
	s3 =	sadd.s32 s3, s5;
	[dreg:$0x0] =	wrdreg $0x0  }
0xa8: {  	s5 =	sshll.u32 s28, $0x1;
	[dreg:$0x2] =	wrdreg s3  }
0xa9: {  	[dreg:$0x3] =	wrdreg s5  }
0xaa: {  	[dreg:$0x4] =	wrdreg $0xC0  }
0xab: {  	_ =	task [dreg:s7], $0x5FFFF  }
0xac: {  	[dreg:$0x1] =	wrdreg $0xFFFFFFFF  }
0xad: {  	[dreg:$0x0] =	wrdreg $0x60  }
0xae: {  	[dreg:$0x2] =	wrdreg s24  }
0xaf: {  	[dreg:$0x3] =	wrdreg s2  }
0xb0: {  	[dreg:$0x4] =	wrdreg $0x0  }
0xb1: {  	[dreg:$0x5] =	wrdreg $0x9  }
0xb2: {  	_ =	task.clear_ibuf [dreg:s7], $0x6FFFF;
	_ =	strace $0x9000004C  }
0xb3: {  	s29 =	simm.s32 $0x9;
	_ =	strace $0x8000004E  }
0xb4: {  	_ =	swait.ge [sflag:s29], $0x1  }
0xb5: {  	[sflag:s29] =	ssyncadd.s32 $0xFFFFFFFF  }
0xb6: {  	_ =	strace $0x9000004E  }
0xb7: {  	_ =	sfence  }
0xb8: {  	s30 =	sld [smem:$0x0];
	_ =	sdelay $0x2  }
0xb9: {  	s31 =	sshll.u32 s1, $0xD;
	s1 =	sshrl.u32 s1, $0x2  }
0xba: {  	s3 =	sand.u32 $0x4000, s31;
	s1 =	sadd.s32 s1, s30  }
0xbb: {  	s0 =	sor.u32 s3, s0;
	s1 =	sshll.u32 s1, $0x11  }
0xbc: {  	s0 =	sor.u32 s1, s0  }
0xbd: {  	s0 =	sadd.s32 $0x8F2B, s0  }
0xbe: {  	[sflag:s0] =	ssyncadd.remote.s32 $0x1  }
0xbf: {  	_ =	sfence.sel $0xFFFF  }
0xc0: {  	[dreg:$0x0] =	wrdreg $0xFFFFFFFF;
	(pc) =	sbr.abs _section_cstart, $3  }
0xc1: {  	[dreg:$0x1] =	wrdreg $0xFFFFFFFF  }
0xc2: {  	_ =	task.clear_ibuf [dreg:s7], $0x2FFFF;
	_ =	strace $0x9FFFFFFF  }
0xc3: {  	(tm) =	ssettm $0x7FFFFFFF  }
tec
execute0_lowered:
.L_overlay_start_1:
0x0: {  	(tag) =	ssettag $0x1  }
0x1: {  	s0 =	rddreg [dreg:$0x0]  }
0x2: {  	s1 =	rddreg [dreg:$0x1]  }
0x3: {  	s2 =	rddreg [dreg:$0x2]  }
0x4: {  	s4 =	srdreg.scid;
	s14 =	stileid.u32  }
0x5: {  	s3 =	simm.s32 $0x0;
	s28 =	simm.s32 $0x4;
	s29 =	simm.s32 $0x1FA80  }
0x6: {  	s30 =	simm.s32 $0x3;
	s31 =	simm.s32 $0x1FD00;
	s6 =	smul.u32 $0x13900, s14  }
0x7: {  	s5 =	sand.u32 $0x1, s4;
	[smem:$0x7FF] =	sst s3;
	s12 =	smul.u32 $0x4E400, s14  }
0x8: {  	s4 =	sadd.s32 $0xCA00, s0;
	s8 =	sadd.s32 $0x2C00, s0;
	s7 =	smul.u32 $0x139000, s5  }
0x9: {  	_ =	strace $0x8000004D;
	s9 =	ssub.s32 $0x2, s5;
	s10 =	sshll.u32 s5, $0x4  }
0xa: {  	s13 =	smul.u32 $0x4E0, s5;
	s11 =	sshrl.u32 s9, $0x1;
	s10 =	sor.u32 s14, s10  }
0xb: {  	s12 =	sshrl.u32 s12, $0x2;
	s14 =	smul.u32 $0x4E, s14;
	s15 =	sadd.s32 s6, s2  }
0xc: {  	s7 =	sadd.s32 s6, s7;
	s25 =	smul.u32 $0x4E, s10;
	s26 =	smin.u32 s10, $0x4  }
0xd: {  	s12 =	sadd.s32 s12, s2;
	[dreg:$0x5] =	wrdreg s15;
	s15 =	simm.s32 $0x13900  }
0xe: {  	p0 =	sgt.u32 s10, $0x3;
	s10 =	simm.s32 $0x1FE80;
	s16 =	sadd.s32 $0x4000, s12  }
0xf: {  	s7 =	sshrl.u32 s7, $0x3;
	s17 =	sadd.s32 $0x8000, s12;
	[dreg:$0x6] =	wrdreg s16  }
0x10: {  	s18 =	sadd.s32 $0xC000, s12;
	s20 =	sadd.s32 s14, s13;
	[dreg:$0x7] =	wrdreg s17  }
0x11: {  	s21 =	sadd.s32 $0x10000, s12;
	s0 =	sadd.s32 s7, s0;
	[dreg:$0x8] =	wrdreg s18  }
0x12: {  	s7 =	ssub.s32 s9, s11;
	s9 =	sadd.s32 s26, s25;
	[dreg:$0x9] =	wrdreg s21  }
0x13: {  	s16 =	simm.s32 $0x7;
	s17 =	simm.s32 $0x1F900;
	s18 =	simm.s32 $0x1FC00  }
0x14: {  	s21 =	simm.s32 $0x17900;
	s11 =	simm.s32 $0x0;
	s19 =	sshll.u32 s9, $0x4  }
0x15: {  	s9 =	sadd.s32 s26, s20;
	s0 =	sadd.s32 $0x34A00, s0;
	s25 =	smax.u32 s7, $0x1  }
0x16: {  	s20 =	simm.s32 $0x1F980;
	s7 =	simm.s32 $0x6;
	[dreg:$0xc] =	wrdreg s0  }
0x17: {  	s6 =	sadd.s32 $0x4E0, s19;
	s24 =	sshll.u32 s9, $0x4;
	[dreg:$0xd] =	wrdreg s25  }
0x18: {  	s19 =	simm.s32 $0x80;
	s25 =	simm.s32 $0x2;
	s0 =	simm.s32 $0x5  }
0x19: {  	s9 =	simm.s32 $0x1FE00;
	s22 =	sadd.s32 s1, s6;
	s23 =	sadd.s32 s8, s6  }
0x1a: {  	s26 =	sadd.s32 s24, s1;
	s14 =	sadd.s32 s24, s8;
	[dreg:$0xa] =	wrdreg s22  }
0x1b: {  	s24 =	simm.s32 $0x1B900;
	s1 =	simm.s32 $0x1FB00;
	[dreg:$0xb] =	wrdreg s23  }
0x1c: {  	s6 =	simm.s32 $0x1FD80;
	s8 =	simm.s32 $0x1FB80;
	[dreg:$0x4] =	wrdreg s26  }
0x1d: {  	v0 =	vimm.f32 $0.0e+00;
	s22 =	simm.s32 $0x1;
	s23 =	simm.s32 $0x1FA00;
	s26 =	simm.s32 $0x1FC80  }
.LBB2_1:
0x1e: {  	s12 =	simm.s32 $0x0;
	s13 =	simm.s32 $0x200  }
.LBB2_2:
0x1f: {  	p1 =	sne.s32 s13, $0xFE00;
	[tilespmem:s12+$0x13970] =	vst v0  }
0x20: {  	[tilespmem:s12+$0x13900] =	vst v0  }
0x21: {  	[tilespmem:s12+$0x13910] =	vst v0  }
.Ltmp0:
0x22: {  	[tilespmem:s12+$0x13920] =	vst v0;
	(pc) =	sbr.rel @p1 .LBB2_2-.Ltmp0, $4  }
0x23: {  	[tilespmem:s12+$0x13930] =	vst v0  }
0x24: {  	[tilespmem:s12+$0x13940] =	vst v0  }
0x25: {  	[tilespmem:s12+$0x13950] =	vst v0  }
0x26: {  	[tilespmem:s12+$0x13960] =	vst v0;
	s12 =	sshra.s32 s13, $0x2;
	s13 =	sadd.s32 $0x200, s13  }
0x27: {  	[tilespmem:s12+$0x13970] =	vst v0  }
0x28: {  	[tilespmem:s12+$0x13900] =	vst v0  }
0x29: {  	[tilespmem:s12+$0x13910] =	vst v0  }
0x2a: {  	[tilespmem:s12+$0x13920] =	vst v0  }
0x2b: {  	[tilespmem:s12+$0x13930] =	vst v0  }
0x2c: {  	[tilespmem:s12+$0x13940] =	vst v0  }
0x2d: {  	[dreg:$0xe] =	wrdreg s11;
	[tilespmem:s12+$0x13950] =	vst v0  }
0x2e: {  	[tilespmem:s12+$0x13960] =	vst v0;
	s5 =	rddreg [dreg:$0x5]  }
0x2f: {  	[spmem:s5] =	stream.linear.scatter [tilespmem:s15], [sflag:$0x7], $0x4000, $0x38;
	[tilespmem:$0x1FF00] =	vst v63  }
0x30: {  	_ =	swait.ge [sflag:s16], $0x4000  }
0x31: {  	[sflag:s16] =	ssyncset.done $0x0  }
0x32: {  	s13 =	rddreg [dreg:$0x6];
	[sflag:s16] =	ssyncadd.s32 $0xFFFFC000  }
0x33: {  	[spmem:s13] =	stream.linear.scatter [tilespmem:s15], [sflag:$0x7], $0x4000, $0x38;
	[tilespmem:$0x1FF00] =	vst v63  }
0x34: {  	_ =	swait.ge [sflag:s16], $0x4000  }
0x35: {  	[sflag:s16] =	ssyncset.done $0x0  }
0x36: {  	s11 =	rddreg [dreg:$0x7];
	[sflag:s16] =	ssyncadd.s32 $0xFFFFC000  }
0x37: {  	[spmem:s11] =	stream.linear.scatter [tilespmem:s15], [sflag:$0x7], $0x4000, $0x38;
	[tilespmem:$0x1FF00] =	vst v63  }
0x38: {  	_ =	swait.ge [sflag:s16], $0x4000  }
0x39: {  	[sflag:s16] =	ssyncset.done $0x0  }
0x3a: {  	s12 =	rddreg [dreg:$0x8];
	[sflag:s16] =	ssyncadd.s32 $0xFFFFC000  }
0x3b: {  	[spmem:s12] =	stream.linear.scatter [tilespmem:s15], [sflag:$0x7], $0x4000, $0x38;
	[tilespmem:$0x1FF00] =	vst v63  }
0x3c: {  	_ =	swait.ge [sflag:s16], $0x4000  }
0x3d: {  	[sflag:s16] =	ssyncset.done $0x0  }
0x3e: {  	s13 =	rddreg [dreg:$0x9];
	[sflag:s16] =	ssyncadd.s32 $0xFFFFC000  }
0x3f: {  	[spmem:s13] =	stream.linear.scatter [tilespmem:s15], [sflag:$0x7], $0x3900, $0x38;
	[tilespmem:$0x1FF00] =	vst v63  }
0x40: {  	_ =	swait.ge [sflag:s16], $0x3900  }
0x41: {  	[sflag:s16] =	ssyncset.done $0x0  }
0x42: {  	[sflag:s16] =	ssyncadd.s32 $0xFFFFC700  }
0x43: {  	[bflag:$0x0] =	sbarrier.arrive $0xFFFF  }
0x44: {  	s11 =	rddreg [dreg:$0x4]  }
0x45: {  	s12 =	sadd.s32 $0x0, s11  }
0x46: {  	[tilespmem:s17], [sflag:$0x7] =	stream.linear.gather [hbm4b:s12+s3], $0x300, $0x38;
	[tilespmem:$0x1FF00] =	vst v63  }
0x47: {  	_ =	swait.ge [sflag:s16], $0x300  }
0x48: {  	[sflag:s16] =	ssyncset.done $0x0  }
0x49: {  	s13 =	sadd.s32 $0x0, s14;
	[sflag:s16] =	ssyncadd.s32 $0xFFFFFD00  }
0x4a: {  	[tilespmem:s18], [sflag:$0x7] =	stream.linear.gather [hbm4b:s13+s3], $0x300, $0x38;
	[tilespmem:$0x1FF00] =	vst v63  }
0x4b: {  	_ =	swait.ge [sflag:s16], $0x300  }
0x4c: {  	[sflag:s16] =	ssyncset.done $0x0  }
0x4d: {  	[sflag:s16] =	ssyncadd.s32 $0xFFFFFD00  }
0x4e: {  	[tilespmem:s15], [sflag:$0x1] =	stream.indirect.gather [hbm4b:s4+s19], $0x80, s17, s19, $0xb8;
	[tilespmem:$0x1FF00] =	vst v63  }
0x4f: {  	_ = 	snop  }
0x50: {  	[tilespmem:s21], [sflag:$0x2] =	stream.indirect.gather [hbm4b:s4+s19], $0x80, s20, s19, $0xb8;
	[tilespmem:$0x1FF00] =	vst v63  }
0x51: {  	_ =	swait.ge [sflag:s22], $0x4000  }
0x52: {  	[sflag:s22] =	ssyncset.done $0x0  }
0x53: {  	[sflag:s22] =	ssyncadd.s32 $0xFFFFC000  }
0x54: {  	[spmem:s2] =	stream.indirect.scatter.add.f32 [tilespmem:s15], [sflag:$0x4], $0x80, s18, s19, $0xb8;
	[tilespmem:$0x1FF00] =	vst v63  }
0x55: {  	_ = 	snop  }
0x56: {  	[tilespmem:s24], [sflag:$0x3] =	stream.indirect.gather [hbm4b:s4+s19], $0x80, s23, s19, $0xb8;
	[tilespmem:$0x1FF00] =	vst v63  }
0x57: {  	_ =	swait.ge [sflag:s25], $0x4000  }
0x58: {  	[sflag:s25] =	ssyncset.done $0x0  }
0x59: {  	[sflag:s25] =	ssyncadd.s32 $0xFFFFC000  }
0x5a: {  	[spmem:s2] =	stream.indirect.scatter.add.f32 [tilespmem:s21], [sflag:$0x5], $0x80, s26, s19, $0xb8;
	[tilespmem:$0x1FF00] =	vst v63  }
0x5b: {  	_ =	swait.ge [sflag:s28], $0x4000  }
0x5c: {  	[sflag:s28] =	ssyncset.done $0x0  }
0x5d: {  	[sflag:s28] =	ssyncadd.s32 $0xFFFFC000  }
0x5e: {  	[tilespmem:s15], [sflag:$0x1] =	stream.indirect.gather [hbm4b:s4+s19], $0x80, s29, s19, $0xb8;
	[tilespmem:$0x1FF00] =	vst v63  }
0x5f: {  	_ =	swait.ge [sflag:s30], $0x4000  }
0x60: {  	[sflag:s30] =	ssyncset.done $0x0  }
0x61: {  	[sflag:s30] =	ssyncadd.s32 $0xFFFFC000  }
0x62: {  	[spmem:s2] =	stream.indirect.scatter.add.f32 [tilespmem:s24], [sflag:$0x6], $0x80, s31, s19, $0xb8;
	[tilespmem:$0x1FF00] =	vst v63  }
0x63: {  	_ =	swait.ge [sflag:s0], $0x4000  }
0x64: {  	[sflag:s0] =	ssyncset.done $0x0  }
0x65: {  	[sflag:s0] =	ssyncadd.s32 $0xFFFFC000  }
0x66: {  	[tilespmem:s21], [sflag:$0x2] =	stream.indirect.gather [hbm4b:s4+s19], $0x80, s1, s19, $0xb8;
	[tilespmem:$0x1FF00] =	vst v63  }
0x67: {  	_ =	swait.ge [sflag:s22], $0x4000  }
0x68: {  	[sflag:s22] =	ssyncset.done $0x0  }
0x69: {  	[sflag:s22] =	ssyncadd.s32 $0xFFFFC000  }
0x6a: {  	[spmem:s2] =	stream.indirect.scatter.add.f32 [tilespmem:s15], [sflag:$0x4], $0x80, s6, s19, $0xb8;
	[tilespmem:$0x1FF00] =	vst v63  }
0x6b: {  	_ =	swait.ge [sflag:s7], $0x4000  }
0x6c: {  	[sflag:s7] =	ssyncset.done $0x0  }
0x6d: {  	[sflag:s7] =	ssyncadd.s32 $0xFFFFC000  }
0x6e: {  	[tilespmem:s24], [sflag:$0x3] =	stream.indirect.gather [hbm4b:s4+s19], $0x80, s8, s19, $0xb8;
	[tilespmem:$0x1FF00] =	vst v63  }
0x6f: {  	_ =	swait.ge [sflag:s25], $0x4000  }
0x70: {  	[sflag:s25] =	ssyncset.done $0x0  }
0x71: {  	[sflag:s25] =	ssyncadd.s32 $0xFFFFC000  }
0x72: {  	[spmem:s2] =	stream.indirect.scatter.add.f32 [tilespmem:s21], [sflag:$0x5], $0x80, s9, s19, $0xb8;
	[tilespmem:$0x1FF00] =	vst v63  }
0x73: {  	_ =	swait.ge [sflag:s30], $0x4000  }
0x74: {  	[sflag:s30] =	ssyncset.done $0x0  }
0x75: {  	[sflag:s30] =	ssyncadd.s32 $0xFFFFC000  }
0x76: {  	[spmem:s2] =	stream.indirect.scatter.add.f32 [tilespmem:s24], [sflag:$0x6], $0x80, s10, s19, $0xb8;
	[tilespmem:$0x1FF00] =	vst v63  }
0x77: {  	_ =	swait.ge [sflag:s28], $0x4000  }
0x78: {  	[sflag:s28] =	ssyncset.done $0x0  }
0x79: {  	[sflag:s28] =	ssyncadd.s32 $0xFFFFC000  }
0x7a: {  	_ =	swait.ge [sflag:s0], $0x4000  }
0x7b: {  	[sflag:s0] =	ssyncset.done $0x0  }
0x7c: {  	[sflag:s0] =	ssyncadd.s32 $0xFFFFC000  }
0x7d: {  	s12 =	simm.s32 $0x60;
	_ =	swait.ge [sflag:s7], $0x4000  }
.LBB2_4:
0x7e: {  	s13 =	rddreg [dreg:$0x4];
	s5 =	smov.u32 s12;
	[sflag:s7] =	ssyncset.done $0x0  }
0x7f: {  	s13 =	sadd.s32 s5, s13;
	[sflag:s7] =	ssyncadd.s32 $0xFFFFC000  }
0x80: {  	[tilespmem:s17], [sflag:$0x7] =	stream.linear.gather [hbm4b:s13+s3], $0x300, $0x38;
	[tilespmem:$0x1FF00] =	vst v63  }
0x81: {  	_ =	swait.ge [sflag:s16], $0x300  }
0x82: {  	[sflag:s16] =	ssyncset.done $0x0  }
0x83: {  	s5 =	sadd.s32 s5, s14;
	[sflag:s16] =	ssyncadd.s32 $0xFFFFFD00  }
0x84: {  	[tilespmem:s18], [sflag:$0x7] =	stream.linear.gather [hbm4b:s5+s3], $0x300, $0x38;
	[tilespmem:$0x1FF00] =	vst v63  }
0x85: {  	_ =	swait.ge [sflag:s16], $0x300  }
0x86: {  	[sflag:s16] =	ssyncset.done $0x0  }
0x87: {  	[sflag:s16] =	ssyncadd.s32 $0xFFFFFD00  }
0x88: {  	[tilespmem:s15], [sflag:$0x1] =	stream.indirect.gather [hbm4b:s4+s19], $0x80, s17, s19, $0xb8;
	[tilespmem:$0x1FF00] =	vst v63  }
0x89: {  	_ = 	snop  }
0x8a: {  	[tilespmem:s21], [sflag:$0x2] =	stream.indirect.gather [hbm4b:s4+s19], $0x80, s20, s19, $0xb8;
	[tilespmem:$0x1FF00] =	vst v63  }
0x8b: {  	_ =	swait.ge [sflag:s22], $0x4000  }
0x8c: {  	[sflag:s22] =	ssyncset.done $0x0  }
0x8d: {  	[sflag:s22] =	ssyncadd.s32 $0xFFFFC000  }
0x8e: {  	[spmem:s2] =	stream.indirect.scatter.add.f32 [tilespmem:s15], [sflag:$0x4], $0x80, s18, s19, $0xb8;
	[tilespmem:$0x1FF00] =	vst v63  }
0x8f: {  	_ = 	snop  }
0x90: {  	[tilespmem:s24], [sflag:$0x3] =	stream.indirect.gather [hbm4b:s4+s19], $0x80, s23, s19, $0xb8;
	[tilespmem:$0x1FF00] =	vst v63  }
0x91: {  	_ =	swait.ge [sflag:s25], $0x4000  }
0x92: {  	[sflag:s25] =	ssyncset.done $0x0  }
0x93: {  	[sflag:s25] =	ssyncadd.s32 $0xFFFFC000  }
0x94: {  	[spmem:s2] =	stream.indirect.scatter.add.f32 [tilespmem:s21], [sflag:$0x5], $0x80, s26, s19, $0xb8;
	[tilespmem:$0x1FF00] =	vst v63  }
0x95: {  	_ =	swait.ge [sflag:s28], $0x4000  }
0x96: {  	[sflag:s28] =	ssyncset.done $0x0  }
0x97: {  	[sflag:s28] =	ssyncadd.s32 $0xFFFFC000  }
0x98: {  	[tilespmem:s15], [sflag:$0x1] =	stream.indirect.gather [hbm4b:s4+s19], $0x80, s29, s19, $0xb8;
	[tilespmem:$0x1FF00] =	vst v63  }
0x99: {  	_ =	swait.ge [sflag:s30], $0x4000  }
0x9a: {  	[sflag:s30] =	ssyncset.done $0x0  }
0x9b: {  	[sflag:s30] =	ssyncadd.s32 $0xFFFFC000  }
0x9c: {  	[spmem:s2] =	stream.indirect.scatter.add.f32 [tilespmem:s24], [sflag:$0x6], $0x80, s31, s19, $0xb8;
	[tilespmem:$0x1FF00] =	vst v63  }
0x9d: {  	_ =	swait.ge [sflag:s0], $0x4000  }
0x9e: {  	[sflag:s0] =	ssyncset.done $0x0  }
0x9f: {  	[sflag:s0] =	ssyncadd.s32 $0xFFFFC000  }
0xa0: {  	[tilespmem:s21], [sflag:$0x2] =	stream.indirect.gather [hbm4b:s4+s19], $0x80, s1, s19, $0xb8;
	[tilespmem:$0x1FF00] =	vst v63  }
0xa1: {  	_ =	swait.ge [sflag:s22], $0x4000  }
0xa2: {  	[sflag:s22] =	ssyncset.done $0x0  }
0xa3: {  	[sflag:s22] =	ssyncadd.s32 $0xFFFFC000  }
0xa4: {  	[spmem:s2] =	stream.indirect.scatter.add.f32 [tilespmem:s15], [sflag:$0x4], $0x80, s6, s19, $0xb8;
	[tilespmem:$0x1FF00] =	vst v63  }
0xa5: {  	_ =	swait.ge [sflag:s7], $0x4000  }
0xa6: {  	[sflag:s7] =	ssyncset.done $0x0  }
0xa7: {  	[sflag:s7] =	ssyncadd.s32 $0xFFFFC000  }
0xa8: {  	[tilespmem:s24], [sflag:$0x3] =	stream.indirect.gather [hbm4b:s4+s19], $0x80, s8, s19, $0xb8;
	[tilespmem:$0x1FF00] =	vst v63  }
0xa9: {  	_ =	swait.ge [sflag:s25], $0x4000  }
0xaa: {  	[sflag:s25] =	ssyncset.done $0x0  }
0xab: {  	[sflag:s25] =	ssyncadd.s32 $0xFFFFC000  }
0xac: {  	[spmem:s2] =	stream.indirect.scatter.add.f32 [tilespmem:s21], [sflag:$0x5], $0x80, s9, s19, $0xb8;
	[tilespmem:$0x1FF00] =	vst v63  }
0xad: {  	_ =	swait.ge [sflag:s30], $0x4000  }
0xae: {  	[sflag:s30] =	ssyncset.done $0x0  }
0xaf: {  	[sflag:s30] =	ssyncadd.s32 $0xFFFFC000  }
0xb0: {  	[spmem:s2] =	stream.indirect.scatter.add.f32 [tilespmem:s24], [sflag:$0x6], $0x80, s10, s19, $0xb8;
	[tilespmem:$0x1FF00] =	vst v63  }
0xb1: {  	_ =	swait.ge [sflag:s28], $0x4000  }
0xb2: {  	p1 =	sne.s32 s12, $0x480;
	[sflag:s28] =	ssyncset.done $0x0  }
.Ltmp1:
0xb3: {  	[sflag:s28] =	ssyncadd.s32 $0xFFFFC000;
	(pc) =	sbr.rel @p1 .LBB2_4-.Ltmp1, $4  }
0xb4: {  	_ =	swait.ge [sflag:s0], $0x4000  }
0xb5: {  	[sflag:s0] =	ssyncset.done $0x0  }
0xb6: {  	[sflag:s0] =	ssyncadd.s32 $0xFFFFC000  }
0xb7: {  	s12 =	sadd.s32 $0x60, s12;
	_ =	swait.ge [sflag:s7], $0x4000  }
0xb8: {  	[sflag:s7] =	ssyncset.done $0x0;
	s5 =	simm.s32 @!p0 $0x0;
	s12 =	simm.s32 @!p0 $0x1F900  }
0xb9: {  	s11 =	rddreg [dreg:$0xa];
	s13 =	simm.s32 @!p0 $0x7;
	[sflag:s7] =	ssyncadd.s32 $0xFFFFC000  }
0xba: {  	[tilespmem:s12], [sflag:$0x7] =	stream.linear.gather @!p0 [hbm4b:s11+s5], $0x80, $0x38;
	[tilespmem:$0x1FF00] =	vst v63  }
0xbb: {  	_ =	swait.ge @!p0 [sflag:s13], $0x80  }
0xbc: {  	[sflag:s13] =	ssyncset.done @!p0 $0x0  }
0xbd: {  	s11 =	simm.s32 @!p0 $0x1FC00;
	s12 =	rddreg [dreg:$0xb];
	[sflag:s13] =	ssyncadd.s32 @!p0 $0xFFFFFF80  }
0xbe: {  	[tilespmem:s11], [sflag:$0x7] =	stream.linear.gather @!p0 [hbm4b:s12+s5], $0x80, $0x38;
	[tilespmem:$0x1FF00] =	vst v63  }
0xbf: {  	_ =	swait.ge @!p0 [sflag:s13], $0x80  }
0xc0: {  	s5 =	simm.s32 @!p0 $0x80;
	[sflag:s13] =	ssyncset.done @!p0 $0x0  }
0xc1: {  	s12 =	simm.s32 @!p0 $0x1F900;
	[sflag:s13] =	ssyncadd.s32 @!p0 $0xFFFFFF80;
	s13 =	simm.s32 @!p0 $0x13900  }
0xc2: {  	[tilespmem:s13], [sflag:$0x1] =	stream.indirect.gather @!p0 [hbm4b:s4+s5], $0x80, s12, s5, $0xb8;
	[tilespmem:$0x1FF00] =	vst v63  }
0xc3: {  	s12 =	simm.s32 @!p0 $0x1  }
0xc4: {  	_ =	swait.ge @!p0 [sflag:s12], $0x4000  }
0xc5: {  	[sflag:s12] =	ssyncset.done @!p0 $0x0  }
0xc6: {  	[sflag:s12] =	ssyncadd.s32 @!p0 $0xFFFFC000  }
0xc7: {  	[spmem:s2] =	stream.indirect.scatter.add.f32 @!p0 [tilespmem:s13], [sflag:$0x4], $0x80, s11, s5, $0xb8;
	[tilespmem:$0x1FF00] =	vst v63  }
0xc8: {  	s5 =	simm.s32 @!p0 $0x4  }
0xc9: {  	_ =	swait.ge @!p0 [sflag:s5], $0x4000  }
0xca: {  	[sflag:s5] =	ssyncset.done @!p0 $0x0  }
0xcb: {  	[sflag:s5] =	ssyncadd.s32 @!p0 $0xFFFFC000  }
0xcc: {  	s11 =	stileid.u32;
	[bflag:$0x0] =	sbarrier.arrive $0xFFFF  }
0xcd: {  	s5 =	sshll.u32 s11, $0x6;
	s12 =	rddreg [dreg:$0x5]  }
0xce: {  	s5 =	sor.u32 $0x1C07, s5;
	s13 =	rddreg [dreg:$0xc];
	s11 =	sshrl.u32 s12, $0x3  }
0xcf: {  	[hbm:s13], [sflag:s5] =	dma.local [spmem:s11], $0x2720  }
0xd0: {  	_ =	swait.ge [sflag:s16], $0x2720  }
0xd1: {  	s12 =	rddreg [dreg:$0xe]  }
0xd2: {  	s13 =	rddreg [dreg:$0xd];
	s11 =	sadd.s32 $0x1, s12  }
0xd3: {  	p1 =	sne.s32 s11, s13  }
.Ltmp2:
0xd4: {  	_ = 	snop;
	(pc) =	sbr.rel @p1 .LBB2_1-.Ltmp2, $3  }
0xd5: {  	_ =	sdelay $0x1  }
0xd6: {  	[sflag:s16] =	ssyncset.done $0x0  }
0xd7: {  	[sflag:s16] =	ssyncadd.s32 $0xFFFFD8E0  }
0xd8: {  	_ =	sfence.sel $0x180000  }
0xd9: {  	[bflag:$0x0] =	sbarrier.arrive $0xFFFF  }
0xda: {  	_ =	strace $0x9000004D  }
0xdb: {  	s0 =	stileid.u32;
	[bflag:$0x2] =	sbarrier.arrive $0xFFFF  }
0xdc: {  	p0 =	sne.s32 s0, $0x0;
	s0 =	rddreg [dreg:$0x3]  }
0xdd: {  	s0 =	sadd.s32 @!p0 $0x100000, s0  }
0xde: {  	[sflag:s0] =	ssyncadd.tile.s32 @!p0 $0x1;
	_ =	shalt  }
.Lfunc_end2:
_tile_overlayer_lowered:
.L_overlay_start_2:
0xdf: {  	(tag) =	ssettag $0x2  }
0xe0: {  	s0 =	rddreg [dreg:$0x0];
	s2 =	stileid.u32  }
0xe1: {  	s1 =	rddreg [dreg:$0x1];
	p0 =	sne.s32 s2, $0x0  }
0xe2: {  	s3 =	rddreg [dreg:$0x2];
	[bflag:$0x3] =	sbarrier.arrive $0xFFFF;
	s2 =	simm.s32 @!p0 $0x1C07  }
0xe3: {  	[timem:s3], [sflag:s2] =	dma.local @!p0 [hbm:s0], s1  }
0xe4: {  	s0 =	simm.s32 @!p0 $0x7  }
0xe5: {  	_ =	swait.ge @!p0 [sflag:s0], s1  }
0xe6: {  	s1 =	ssub.s32 @!p0 $0x0, s1;
	[sflag:s0] =	ssyncset.done @!p0 $0x0  }
0xe7: {  	[sflag:s0] =	ssyncadd.s32 @!p0 s1  }
0xe8: {  	[bflag:$0x3] =	sbarrier.arrive $0xFFFF  }
0xe9: {  	_ =	shalt  }

// kernel: kernel.8.cloned.1.call-start
scs
__scs_entry_jumppad:
0x0: {  	(pc) =	sbr.rel $0x88, $3  }
0x1: {  	(tag) =	ssettag $0x0;
	lr =	simm.s32 $0x1  }
0x2: {  	[smem:$0x3F9B] =	sst lr;
	_ =	strace $0xD0000000  }
0x3: {  	_ = 	snop  }
0x4: {  	_ = 	snop  }
0x5: {  	_ = 	snop  }
0x6: {  	_ = 	snop  }
0x7: {  	_ = 	snop  }
__scs_overlays_trampoline_lowered:
0x8: {  	[smem:$0x3FAA] =	sst s0  }
0x9: {  	[smem:$0x3FAB] =	sst s1  }
0xa: {  	[smem:$0x3FAC] =	sst s2  }
0xb: {  	[smem:$0x3FAD] =	sst s3  }
0xc: {  	[smem:$0x3FAE] =	sst s4  }
0xd: {  	[smem:$0x3FAF] =	sst s5  }
0xe: {  	[smem:$0x3FB0] =	sst s6  }
0xf: {  	[smem:$0x3FB1] =	sst s7  }
0x10: {  	[smem:$0x3FB2] =	sst s8  }
0x11: {  	[smem:$0x3FB3] =	sst s9;
	s0 =	simm.s32 @!p0 $0x0  }
0x12: {  	s1 =	sld [smem:$0x3F99];
	s0 =	simm.s32 @p0 $0x1  }
0x13: {  	[smem:$0x3FB4] =	sst s0;
	s0 =	simm.s32 @!p1 $0x0  }
0x14: {  	s2 =	sld [smem:$0x3F98];
	s0 =	simm.s32 @p1 $0x1  }
0x15: {  	[smem:$0x3FB5] =	sst s0;
	s0 =	simm.s32 @!p2 $0x0  }
0x16: {  	s3 =	sld [smem:$0x3FDB];
	s0 =	simm.s32 @p2 $0x1  }
0x17: {  	s4 =	simm.s32 $0x1BF5;
	[smem:$0x3FB7] =	sst s0  }
0x18: {  	s0 =	sld [smem:$0x3F9A];
	_ =	swait.ge [sflag:s4], $0x0  }
0x19: {  	s7 =	sld [smem:$0x3F9B]  }
0x1a: {  	s8 =	sadd.s32 $0xFFFFE003, lr  }
0x1b: {  	s9 =	sadd.s32 $0xFFFFFEF7, lr;
	s5 =	simm.s32 $0xFFFFFFFF;
	p2 =	slt.u32 s8, $0xFFFFF086  }
0x1c: {  	p1 =	slt.u32 s9, $0xF7A;
	s5 =	simm.s32 @!p2 $0x0  }
0x1d: {  	s5 =	simm.s32 @p1 $0x1;
	p0 =	seq.s32 s7, s2  }
0x1e: {  	s7 =	smul.u32 @!p0 $0xF7A, s2;
	p2 =	seq.s32 @!p0 s5, $0x0  }
0x1f: {  	s9 =	smul.u32 $0xF7A, s1;
	s8 =	simm.s32 @!p0 $0x1BF5;
	p2 =	por !p2, p0  }
0x20: {  	[sflag:s8] =	ssyncset.s32 @!p0 $0xFFFFF086;
	s6 =	sadd.s32 @!p0 s3, s7;
	s7 =	simm.s32 @!p0 $0x108  }
0x21: {  	s3 =	sadd.s32 s3, s9;
	s6 =	sadd.s32 @!p0 $0x88, s6;
	s7 =	simm.s32 @p2 $0x1082  }
0x22: {  	[simem:s7], [sflag:s8] =	dma.local @!p0 [hbm:s6], $0xF7A  }
0x23: {  	s9 =	sor.u32 $0xD0000000, s2;
	s6 =	simm.s32 $0x108;
	_ =	swait.ge @!p0 [sflag:s8], $0x0  }
0x24: {  	s3 =	sadd.s32 $0x88, s3;
	s6 =	simm.s32 @!p1 $0x1082;
	[sflag:s4] =	ssyncset.s32 $0xFFFFF086  }
0x25: {  	[simem:s6], [sflag:s4] =	dma.local [hbm:s3], $0xF7A  }
0x26: {  	[smem:$0x3F9B] =	sst s1;
	(tag) =	ssettag s2;
	_ =	strace s9  }
0x27: {  	s1 =	sld [smem:$0x3FAB]  }
0x28: {  	s2 =	sld [smem:$0x3FAC]  }
0x29: {  	s4 =	sld [smem:$0x3FAE]  }
0x2a: {  	p0 =	seq.s32 s5, $0x0;
	s5 =	sld [smem:$0x3FAF]  }
0x2b: {  	s6 =	sld [smem:$0x3FB0]  }
0x2c: {  	s7 =	sld [smem:$0x3FB1]  }
0x2d: {  	s3 =	simm.s32 $0x108;
	s8 =	sld [smem:$0x3FB2]  }
0x2e: {  	s3 =	simm.s32 @!p0 $0x1082;
	s9 =	sld [smem:$0x3FB3]  }
0x2f: {  	lr =	sadd.s32 s0, s3;
	s0 =	sld [smem:$0x3FAA]  }
0x30: {  	s3 =	sld [smem:$0x3FAD]  }
0x31: {  	[smem:$0x3FB6] =	sst s10  }
0x32: {  	s10 =	sld [smem:$0x3FB4];
	_ =	sdelay $0x3  }
0x33: {  	p0 =	seq.s32 s10, $0x1;
	s10 =	sld [smem:$0x3FB6];
	_ =	sdelay $0x3  }
0x34: {  	[smem:$0x3FB6] =	sst s10  }
0x35: {  	s10 =	sld [smem:$0x3FB5];
	_ =	sdelay $0x3  }
0x36: {  	p1 =	seq.s32 s10, $0x1;
	s10 =	sld [smem:$0x3FB6];
	_ =	sdelay $0x3  }
0x37: {  	[smem:$0x3FB6] =	sst s10  }
0x38: {  	s10 =	sld [smem:$0x3FB7]  }
0x39: {  	_ = 	snop;
	(pc) =	sbr.ind lr, $3  }
0x3a: {  	_ = 	snop  }
0x3b: {  	_ = 	snop  }
0x3c: {  	p2 =	seq.s32 s10, $0x1;
	s10 =	sld [smem:$0x3FB6]  }
0x3d: {  	_ =	shalt  }
0x3e: {  	_ =	shalt  }
0x3f: {  	_ =	shalt  }
0x40: {  	_ =	shalt  }
0x41: {  	_ =	shalt  }
0x42: {  	_ =	shalt  }
0x43: {  	_ =	shalt  }
0x44: {  	_ =	shalt  }
0x45: {  	_ =	shalt  }
0x46: {  	_ =	shalt  }
0x47: {  	_ =	shalt  }
0x48: {  	_ =	shalt  }
0x49: {  	_ =	shalt  }
0x4a: {  	_ =	shalt  }
0x4b: {  	_ =	shalt  }
0x4c: {  	_ =	shalt  }
0x4d: {  	_ =	shalt  }
0x4e: {  	_ =	shalt  }
0x4f: {  	_ =	shalt  }
0x50: {  	_ =	shalt  }
0x51: {  	_ =	shalt  }
0x52: {  	_ =	shalt  }
0x53: {  	_ =	shalt  }
0x54: {  	_ =	shalt  }
0x55: {  	_ =	shalt  }
0x56: {  	_ =	shalt  }
0x57: {  	_ =	shalt  }
0x58: {  	_ =	shalt  }
0x59: {  	_ =	shalt  }
0x5a: {  	_ =	shalt  }
0x5b: {  	_ =	shalt  }
0x5c: {  	_ =	shalt  }
0x5d: {  	_ =	shalt  }
0x5e: {  	_ =	shalt  }
0x5f: {  	_ =	shalt  }
0x60: {  	_ =	shalt  }
0x61: {  	_ =	shalt  }
0x62: {  	_ =	shalt  }
0x63: {  	_ =	shalt  }
0x64: {  	_ =	shalt  }
0x65: {  	_ =	shalt  }
0x66: {  	_ =	shalt  }
0x67: {  	_ =	shalt  }
0x68: {  	_ =	shalt  }
0x69: {  	_ =	shalt  }
0x6a: {  	_ =	shalt  }
0x6b: {  	_ =	shalt  }
0x6c: {  	_ =	shalt  }
0x6d: {  	_ =	shalt  }
0x6e: {  	_ =	shalt  }
0x6f: {  	_ =	shalt  }
0x70: {  	_ =	shalt  }
0x71: {  	_ =	shalt  }
0x72: {  	_ =	shalt  }
0x73: {  	_ =	shalt  }
0x74: {  	_ =	shalt  }
0x75: {  	_ =	shalt  }
0x76: {  	_ =	shalt  }
0x77: {  	_ =	shalt  }
0x78: {  	_ =	shalt  }
0x79: {  	_ =	shalt  }
0x7a: {  	_ =	shalt  }
0x7b: {  	_ =	shalt  }
0x7c: {  	_ =	shalt  }
0x7d: {  	_ =	shalt  }
0x7e: {  	_ =	shalt  }
0x7f: {  	_ =	shalt  }
0x80: {  	_ =	shalt  }
0x81: {  	_ =	shalt  }
0x82: {  	_ =	shalt  }
0x83: {  	_ =	shalt  }
0x84: {  	_ =	shalt  }
0x85: {  	_ =	shalt  }
0x86: {  	_ =	shalt  }
0x87: {  	_ =	shalt  }
.Lfunc_end0:
.L_simem_size_0:
called_computation_lowered:
.L_overlay_start_0:
0x88: {  	s2 =	sld [smem:$0x3FD9]  }
0x89: {  	s3 =	sld [smem:$0x3FFE];
	_ =	sdelay $0x1  }
0x8a: {  	s1 =	srdreg.scid  }
0x8b: {  	s0 =	sand.u32 $0x1, s1  }
0x8c: {  	s16 =	sshll.u32 s0, $0xA;
	s2 =	sadd.s32 s3, s2  }
0x8d: {  	s2 =	sadd.s32 s2, s16  }
0x8e: {  	[smem:$0x3FC2] =	sst s2  }
0x8f: {  	_ = 	snop  }
0x90: {  	(tm) =	ssettm $0x1  }
0x91: {  	s17 =	sld [smem:$0x3FFB];
	_ =	sdelay $0x3  }
0x92: {  	_ =	strace s17  }
0x93: {  	s2 =	sld [smem:$0x3FFC];
	_ =	sdelay $0x3  }
0x94: {  	_ =	strace s2  }
0x95: {  	s2 =	sld [smem:$0x3FFD];
	_ =	sdelay $0x3  }
0x96: {  	_ =	strace s2  }
0x97: {  	_ =	strace $0x8FFFFFFF  }
0x98: {  	s18 =	sld [smem:$0x3FDB];
	_ =	sdelay $0x1  }
0x99: {  	s19 =	simm.s32 $_scs_section_size  }
0x9a: {  	s4 =	simm.s32 $_size__tile_overlayer_lowered;
	s5 =	simm.s32 $_tile_overlayer_lowered  }
0x9b: {  	s22 =	simm.s32 $0x1BFF;
	s21 =	sshll.u32 s5, $0x1;
	s2 =	sadd.s32 s19, s18  }
0x9c: {  	s6 =	simm.s32 $0x0;
	s20 =	sshll.u32 s4, $0x1;
	s4 =	sadd.s32 s21, s2  }
0x9d: {  	[timem:s6], [sflag:s22] =	dma.local [hbm:s4], s20  }
0x9e: {  	_ =	swait.ge [sflag:s22], s20  }
0x9f: {  	s3 =	ssub.s32 $0x0, s20;
	[sflag:s22] =	ssyncset.done $0x0  }
0xa0: {  	[sflag:s22] =	ssyncadd.s32 s3;
	_ =	sdelay $0x1  }
0xa1: {  	s23 =	simm.s32 $0x1B8B  }
0xa2: {  	_ =	swait.ge [sflag:s23], $0x1  }
0xa3: {  	[sflag:s23] =	ssyncset.done $0x0  }
0xa4: {  	s25 =	simm.s32 $0x1B8E;
	s24 =	sld [smem:$0x3FFE];
	[sflag:s23] =	ssyncadd.s32 $0xFFFFFFFF  }
0xa5: {  	s26 =	simm.s32 $execute0_lowered;
	[smem:$0x3FD2] =	sst s25  }
0xa6: {  	s4 =	sshll.u32 s26, $0x1;
	_ =	strace $0x80000046;
	[dreg:$0x1] =	wrdreg $0xFFFFFFFF  }
0xa7: {  	s28 =	simm.s32 $_size_execute0_lowered;
	s2 =	sadd.s32 s2, s4;
	[dreg:$0x0] =	wrdreg $0x0  }
0xa8: {  	s4 =	sshll.u32 s28, $0x1;
	[dreg:$0x2] =	wrdreg s2  }
0xa9: {  	[dreg:$0x3] =	wrdreg s4  }
0xaa: {  	[dreg:$0x4] =	wrdreg $0xC0  }
0xab: {  	_ =	task [dreg:s6], $0x5FFFF  }
0xac: {  	[dreg:$0x1] =	wrdreg $0xFFFFFFFF  }
0xad: {  	[dreg:$0x0] =	wrdreg $0x60  }
0xae: {  	[dreg:$0x2] =	wrdreg s24  }
0xaf: {  	[dreg:$0x3] =	wrdreg $0x0  }
0xb0: {  	[dreg:$0x4] =	wrdreg $0x9  }
0xb1: {  	_ =	task.clear_ibuf [dreg:s6], $0x5FFFF;
	_ =	strace $0x90000046  }
0xb2: {  	s29 =	simm.s32 $0x9;
	_ =	strace $0x80000048  }
0xb3: {  	_ =	swait.ge [sflag:s29], $0x1  }
0xb4: {  	[sflag:s29] =	ssyncadd.s32 $0xFFFFFFFF  }
0xb5: {  	_ =	strace $0x90000048  }
0xb6: {  	_ =	sfence  }
0xb7: {  	s30 =	sld [smem:$0x0];
	_ =	sdelay $0x2  }
0xb8: {  	s31 =	sshll.u32 s1, $0xD;
	s1 =	sshrl.u32 s1, $0x2  }
0xb9: {  	s3 =	sand.u32 $0x4000, s31;
	s1 =	sadd.s32 s1, s30  }
0xba: {  	s0 =	sor.u32 s3, s0;
	s1 =	sshll.u32 s1, $0x11  }
0xbb: {  	s0 =	sor.u32 s1, s0  }
0xbc: {  	s0 =	sadd.s32 $0x8F2B, s0  }
0xbd: {  	[sflag:s0] =	ssyncadd.remote.s32 $0x1  }
0xbe: {  	_ =	sfence.sel $0xFFFF  }
0xbf: {  	[dreg:$0x0] =	wrdreg $0xFFFFFFFF;
	(pc) =	sbr.abs _section_cstart, $3  }
0xc0: {  	[dreg:$0x1] =	wrdreg $0xFFFFFFFF  }
0xc1: {  	_ =	task.clear_ibuf [dreg:s6], $0x2FFFF;
	_ =	strace $0x9FFFFFFF  }
0xc2: {  	(tm) =	ssettm $0x7FFFFFFF  }
0xc3: {  	_ =	shalt  }
tec
execute0_lowered:
.L_overlay_start_1:
0x0: {  	(tag) =	ssettag $0x1  }
0x1: {  	s4 =	rddreg [dreg:$0x0]  }
0x2: {  	s2 =	rddreg [dreg:$0x1];
	s3 =	srdreg.scid  }
0x3: {  	s0 =	rddreg [dreg:$0x2];
	s1 =	stileid.u32  }
0x4: {  	s13 =	simm.s32 $0x280;
	s14 =	simm.s32 $0x380;
	s15 =	simm.s32 $0x400  }
0x5: {  	s16 =	simm.s32 $0x480;
	s17 =	simm.s32 $0x500;
	s18 =	simm.s32 $0x580  }
0x6: {  	s21 =	simm.s32 $0x0;
	s5 =	sand.u32 $0x1, s3;
	s6 =	smul.u32 $0x280, s1  }
0x7: {  	s3 =	simm.s32 $0x0;
	s9 =	sadd.s32 $0x2C00, s4;
	s12 =	smul.u32 $0x4E, s1  }
0x8: {  	s31 =	sshll.u32 s1, $0x6;
	s7 =	sshll.u32 s5, $0x4;
	s8 =	smul.u32 $0x2800, s5  }
0x9: {  	[smem:$0x7FF] =	sst s3;
	s10 =	smul.u32 $0x4E0, s5;
	s28 =	ssub.s32 $0x2, s5  }
0xa: {  	s19 =	sor.u32 s1, s7;
	_ =	strace $0x80000047;
	s30 =	sshrl.u32 s28, $0x1  }
0xb: {  	s7 =	smul.u32 $0x4E, s19;
	s8 =	sadd.s32 s6, s8;
	s11 =	smin.u32 s19, $0x4  }
0xc: {  	s10 =	sadd.s32 s12, s10;
	s12 =	simm.s32 $0x80;
	p0 =	sgt.u32 s19, $0x3  }
0xd: {  	s19 =	sor.u32 $0x1C01, s31;
	s8 =	sshrl.u32 s8, $0x3;
	s10 =	sadd.s32 s11, s10  }
0xe: {  	s8 =	sadd.s32 s8, s4;
	s29 =	sadd.s32 s11, s7;
	s7 =	ssub.s32 s28, s30  }
0xf: {  	s4 =	sadd.s32 s6, s2;
	s10 =	sshll.u32 s10, $0x4;
	s11 =	simm.s32 $0x300  }
0x10: {  	s5 =	sshll.u32 s29, $0x4;
	s6 =	sadd.s32 $0xCA00, s8;
	s7 =	smax.u32 s7, $0x1  }
0x11: {  	s8 =	sadd.s32 s10, s9;
	s10 =	simm.s32 $0x1;
	s5 =	sadd.s32 s5, s9  }
0x12: {  	v0 =	vimm.f32 $0.0e+00;
	v1 =	vimm.f32 $1.000000000e+00;
	s20 =	sshrl.u32 s4, $0x3;
	s9 =	simm.s32 $0x600;
	s5 =	sadd.s32 $0x4E0, s5  }
.LBB2_1:
0x13: {  	[tilespmem:$0x600] =	vst v0  }
0x14: {  	[tilespmem:$0x610] =	vst v0  }
0x15: {  	[tilespmem:$0x620] =	vst v0  }
0x16: {  	[tilespmem:$0x630] =	vst v0  }
0x17: {  	[tilespmem:$0x640] =	vst v0  }
0x18: {  	[tilespmem:$0x650] =	vst v0  }
0x19: {  	[tilespmem:$0x660] =	vst v0  }
0x1a: {  	[tilespmem:$0x670] =	vst v0  }
0x1b: {  	[tilespmem:$0x680] =	vst v0  }
0x1c: {  	[tilespmem:$0x690] =	vst v0  }
0x1d: {  	[tilespmem:$0x6A0] =	vst v0  }
0x1e: {  	[tilespmem:$0x6B0] =	vst v0  }
0x1f: {  	[tilespmem:$0x6C0] =	vst v0  }
0x20: {  	[tilespmem:$0x6D0] =	vst v0  }
0x21: {  	[tilespmem:$0x6E0] =	vst v0  }
0x22: {  	[tilespmem:$0x6F0] =	vst v0  }
0x23: {  	[tilespmem:$0x700] =	vst v0  }
0x24: {  	[tilespmem:$0x710] =	vst v0  }
0x25: {  	[tilespmem:$0x720] =	vst v0  }
0x26: {  	[tilespmem:$0x730] =	vst v0  }
0x27: {  	[tilespmem:$0x740] =	vst v0  }
0x28: {  	[tilespmem:$0x750] =	vst v0  }
0x29: {  	[tilespmem:$0x760] =	vst v0  }
0x2a: {  	[tilespmem:$0x770] =	vst v0  }
0x2b: {  	[tilespmem:$0x780] =	vst v0  }
0x2c: {  	[tilespmem:$0x790] =	vst v0  }
0x2d: {  	[tilespmem:$0x7A0] =	vst v0  }
0x2e: {  	[tilespmem:$0x7B0] =	vst v0  }
0x2f: {  	[tilespmem:$0x7C0] =	vst v0  }
0x30: {  	[tilespmem:$0x7D0] =	vst v0  }
0x31: {  	[tilespmem:$0x7E0] =	vst v0  }
0x32: {  	[tilespmem:$0x7F0] =	vst v0  }
0x33: {  	[tilespmem:$0x800] =	vst v0  }
0x34: {  	[tilespmem:$0x810] =	vst v0  }
0x35: {  	[tilespmem:$0x820] =	vst v0  }
0x36: {  	[tilespmem:$0x830] =	vst v0  }
0x37: {  	[tilespmem:$0x840] =	vst v0  }
0x38: {  	[tilespmem:$0x850] =	vst v0  }
0x39: {  	[tilespmem:$0x860] =	vst v0  }
0x3a: {  	[tilespmem:$0x870] =	vst v0  }
0x3b: {  	[tilespmem:$0x280] =	vst v1  }
0x3c: {  	[tilespmem:$0x290] =	vst v1  }
0x3d: {  	[tilespmem:$0x2A0] =	vst v1  }
0x3e: {  	[tilespmem:$0x2B0] =	vst v1  }
0x3f: {  	[tilespmem:$0x2C0] =	vst v1  }
0x40: {  	[tilespmem:$0x2D0] =	vst v1  }
0x41: {  	[tilespmem:$0x2E0] =	vst v1  }
0x42: {  	[tilespmem:$0x2F0] =	vst v1  }
0x43: {  	[spmem:s4] =	stream.linear.scatter [tilespmem:s9], [sflag:$0x1], $0x280, $0x38;
	[tilespmem:$0x880] =	vst v63  }
0x44: {  	_ =	swait.ge [sflag:s10], $0x280  }
0x45: {  	[sflag:s10] =	ssyncset.done $0x0  }
0x46: {  	[sflag:s10] =	ssyncadd.s32 $0xFFFFFD80  }
0x47: {  	s22 =	sadd.s32 $0x0, s8;
	[bflag:$0x0] =	sbarrier.arrive $0xFFFF  }
0x48: {  	[tilespmem:s11], [sflag:$0x1] =	stream.linear.gather [hbm4b:s22+s3], $0x300, $0x38;
	[tilespmem:$0x880] =	vst v63  }
0x49: {  	_ =	swait.ge [sflag:s10], $0x300  }
0x4a: {  	[sflag:s10] =	ssyncset.done $0x0  }
0x4b: {  	[sflag:s10] =	ssyncadd.s32 $0xFFFFFD00  }
0x4c: {  	[spmem:s2] =	stream.indirect.scatter.add.f32 [tilespmem:s13], [sflag:$0x1], $0x1, s11, s12, $0xb8;
	[tilespmem:$0x880] =	vst v63  }
0x4d: {  	_ =	swait.ge [sflag:s10], $0x80  }
0x4e: {  	[sflag:s10] =	ssyncset.done $0x0  }
0x4f: {  	[sflag:s10] =	ssyncadd.s32 $0xFFFFFF80  }
0x50: {  	[spmem:s2] =	stream.indirect.scatter.add.f32 [tilespmem:s13], [sflag:$0x1], $0x1, s14, s12, $0xb8;
	[tilespmem:$0x880] =	vst v63  }
0x51: {  	_ =	swait.ge [sflag:s10], $0x80  }
0x52: {  	[sflag:s10] =	ssyncset.done $0x0  }
0x53: {  	[sflag:s10] =	ssyncadd.s32 $0xFFFFFF80  }
0x54: {  	[spmem:s2] =	stream.indirect.scatter.add.f32 [tilespmem:s13], [sflag:$0x1], $0x1, s15, s12, $0xb8;
	[tilespmem:$0x880] =	vst v63  }
0x55: {  	_ =	swait.ge [sflag:s10], $0x80  }
0x56: {  	[sflag:s10] =	ssyncset.done $0x0  }
0x57: {  	[sflag:s10] =	ssyncadd.s32 $0xFFFFFF80  }
0x58: {  	[spmem:s2] =	stream.indirect.scatter.add.f32 [tilespmem:s13], [sflag:$0x1], $0x1, s16, s12, $0xb8;
	[tilespmem:$0x880] =	vst v63  }
0x59: {  	_ =	swait.ge [sflag:s10], $0x80  }
0x5a: {  	[sflag:s10] =	ssyncset.done $0x0  }
0x5b: {  	[sflag:s10] =	ssyncadd.s32 $0xFFFFFF80  }
0x5c: {  	[spmem:s2] =	stream.indirect.scatter.add.f32 [tilespmem:s13], [sflag:$0x1], $0x1, s17, s12, $0xb8;
	[tilespmem:$0x880] =	vst v63  }
0x5d: {  	_ =	swait.ge [sflag:s10], $0x80  }
0x5e: {  	[sflag:s10] =	ssyncset.done $0x0  }
0x5f: {  	[sflag:s10] =	ssyncadd.s32 $0xFFFFFF80  }
0x60: {  	[spmem:s2] =	stream.indirect.scatter.add.f32 [tilespmem:s13], [sflag:$0x1], $0x1, s18, s12, $0xb8;
	[tilespmem:$0x880] =	vst v63  }
0x61: {  	_ =	swait.ge [sflag:s10], $0x80  }
0x62: {  	s23 =	simm.s32 $0xC0;
	s22 =	simm.s32 $0x60;
	[sflag:s10] =	ssyncset.done $0x0  }
.LBB2_2:
0x63: {  	s24 =	sadd.s32 s22, s8  }
0x64: {  	[sflag:s10] =	ssyncadd.s32 $0xFFFFFF80;
	s22 =	smov.u32 s23;
	s25 =	sadd.s32 $0x60, s23  }
0x65: {  	[tilespmem:s11], [sflag:$0x1] =	stream.linear.gather [hbm4b:s24+s3], $0x300, $0x38;
	[tilespmem:$0x880] =	vst v63  }
0x66: {  	p1 =	sne.s32 s23, $0x480;
	_ =	swait.ge [sflag:s10], $0x300  }
0x67: {  	[sflag:s10] =	ssyncset.done $0x0  }
0x68: {  	[sflag:s10] =	ssyncadd.s32 $0xFFFFFD00  }
0x69: {  	[spmem:s2] =	stream.indirect.scatter.add.f32 [tilespmem:s13], [sflag:$0x1], $0x1, s11, s12, $0xb8;
	[tilespmem:$0x880] =	vst v63  }
0x6a: {  	_ =	swait.ge [sflag:s10], $0x80  }
0x6b: {  	[sflag:s10] =	ssyncset.done $0x0  }
0x6c: {  	[sflag:s10] =	ssyncadd.s32 $0xFFFFFF80  }
0x6d: {  	[spmem:s2] =	stream.indirect.scatter.add.f32 [tilespmem:s13], [sflag:$0x1], $0x1, s14, s12, $0xb8;
	[tilespmem:$0x880] =	vst v63  }
0x6e: {  	_ =	swait.ge [sflag:s10], $0x80  }
0x6f: {  	[sflag:s10] =	ssyncset.done $0x0  }
0x70: {  	[sflag:s10] =	ssyncadd.s32 $0xFFFFFF80  }
0x71: {  	[spmem:s2] =	stream.indirect.scatter.add.f32 [tilespmem:s13], [sflag:$0x1], $0x1, s15, s12, $0xb8;
	[tilespmem:$0x880] =	vst v63  }
0x72: {  	_ =	swait.ge [sflag:s10], $0x80  }
0x73: {  	[sflag:s10] =	ssyncset.done $0x0  }
0x74: {  	[sflag:s10] =	ssyncadd.s32 $0xFFFFFF80  }
0x75: {  	[spmem:s2] =	stream.indirect.scatter.add.f32 [tilespmem:s13], [sflag:$0x1], $0x1, s16, s12, $0xb8;
	[tilespmem:$0x880] =	vst v63  }
0x76: {  	_ =	swait.ge [sflag:s10], $0x80  }
0x77: {  	[sflag:s10] =	ssyncset.done $0x0  }
0x78: {  	[sflag:s10] =	ssyncadd.s32 $0xFFFFFF80  }
0x79: {  	[spmem:s2] =	stream.indirect.scatter.add.f32 [tilespmem:s13], [sflag:$0x1], $0x1, s17, s12, $0xb8;
	[tilespmem:$0x880] =	vst v63  }
0x7a: {  	_ =	swait.ge [sflag:s10], $0x80  }
.Ltmp0:
0x7b: {  	[sflag:s10] =	ssyncset.done $0x0;
	(pc) =	sbr.rel @p1 .LBB2_2-.Ltmp0, $4  }
0x7c: {  	[sflag:s10] =	ssyncadd.s32 $0xFFFFFF80  }
0x7d: {  	[spmem:s2] =	stream.indirect.scatter.add.f32 [tilespmem:s13], [sflag:$0x1], $0x1, s18, s12, $0xb8;
	[tilespmem:$0x880] =	vst v63  }
0x7e: {  	_ =	swait.ge [sflag:s10], $0x80  }
0x7f: {  	s23 =	smov.u32 s25;
	[sflag:s10] =	ssyncset.done $0x0  }
0x80: {  	s22 =	sadd.s32 s22, s8;
	[sflag:s10] =	ssyncadd.s32 $0xFFFFFF80  }
0x81: {  	[tilespmem:s11], [sflag:$0x1] =	stream.linear.gather [hbm4b:s22+s3], $0x300, $0x38;
	[tilespmem:$0x880] =	vst v63  }
0x82: {  	_ =	swait.ge [sflag:s10], $0x300  }
0x83: {  	[sflag:s10] =	ssyncset.done $0x0  }
0x84: {  	[sflag:s10] =	ssyncadd.s32 $0xFFFFFD00  }
0x85: {  	[spmem:s2] =	stream.indirect.scatter.add.f32 [tilespmem:s13], [sflag:$0x1], $0x1, s11, s12, $0xb8;
	[tilespmem:$0x880] =	vst v63  }
0x86: {  	_ =	swait.ge [sflag:s10], $0x80  }
0x87: {  	[sflag:s10] =	ssyncset.done $0x0  }
0x88: {  	[sflag:s10] =	ssyncadd.s32 $0xFFFFFF80  }
0x89: {  	[spmem:s2] =	stream.indirect.scatter.add.f32 [tilespmem:s13], [sflag:$0x1], $0x1, s14, s12, $0xb8;
	[tilespmem:$0x880] =	vst v63  }
0x8a: {  	_ =	swait.ge [sflag:s10], $0x80  }
0x8b: {  	[sflag:s10] =	ssyncset.done $0x0  }
0x8c: {  	[sflag:s10] =	ssyncadd.s32 $0xFFFFFF80  }
0x8d: {  	[spmem:s2] =	stream.indirect.scatter.add.f32 [tilespmem:s13], [sflag:$0x1], $0x1, s15, s12, $0xb8;
	[tilespmem:$0x880] =	vst v63  }
0x8e: {  	_ =	swait.ge [sflag:s10], $0x80  }
0x8f: {  	[sflag:s10] =	ssyncset.done $0x0  }
0x90: {  	[sflag:s10] =	ssyncadd.s32 $0xFFFFFF80  }
0x91: {  	[spmem:s2] =	stream.indirect.scatter.add.f32 [tilespmem:s13], [sflag:$0x1], $0x1, s16, s12, $0xb8;
	[tilespmem:$0x880] =	vst v63  }
0x92: {  	_ =	swait.ge [sflag:s10], $0x80  }
0x93: {  	[sflag:s10] =	ssyncset.done $0x0  }
0x94: {  	[sflag:s10] =	ssyncadd.s32 $0xFFFFFF80  }
0x95: {  	[spmem:s2] =	stream.indirect.scatter.add.f32 [tilespmem:s13], [sflag:$0x1], $0x1, s17, s12, $0xb8;
	[tilespmem:$0x880] =	vst v63  }
0x96: {  	_ =	swait.ge [sflag:s10], $0x80  }
0x97: {  	[sflag:s10] =	ssyncset.done $0x0  }
0x98: {  	[sflag:s10] =	ssyncadd.s32 $0xFFFFFF80  }
0x99: {  	[spmem:s2] =	stream.indirect.scatter.add.f32 [tilespmem:s13], [sflag:$0x1], $0x1, s18, s12, $0xb8;
	[tilespmem:$0x880] =	vst v63  }
0x9a: {  	_ =	swait.ge [sflag:s10], $0x80  }
0x9b: {  	[sflag:s10] =	ssyncset.done $0x0  }
0x9c: {  	s23 =	simm.s32 @!p0 $0x300;
	s22 =	simm.s32 @!p0 $0x0;
	[sflag:s10] =	ssyncadd.s32 $0xFFFFFF80  }
0x9d: {  	[tilespmem:s23], [sflag:$0x1] =	stream.linear.gather @!p0 [hbm4b:s5+s22], $0x80, $0x38;
	[tilespmem:$0x880] =	vst v63  }
0x9e: {  	s22 =	simm.s32 @!p0 $0x1  }
0x9f: {  	_ =	swait.ge @!p0 [sflag:s22], $0x80  }
0xa0: {  	[sflag:s22] =	ssyncset.done @!p0 $0x0  }
0xa1: {  	s24 =	simm.s32 @!p0 $0x80;
	s25 =	simm.s32 @!p0 $0x280;
	[sflag:s22] =	ssyncadd.s32 @!p0 $0xFFFFFF80  }
0xa2: {  	[spmem:s2] =	stream.indirect.scatter.add.f32 @!p0 [tilespmem:s25], [sflag:$0x1], $0x1, s23, s24, $0xb8;
	[tilespmem:$0x880] =	vst v63  }
0xa3: {  	_ =	swait.ge @!p0 [sflag:s22], $0x80  }
0xa4: {  	s21 =	sadd.s32 $0x1, s21;
	[sflag:s22] =	ssyncset.done @!p0 $0x0  }
0xa5: {  	p1 =	sne.s32 s21, s7;
	[sflag:s22] =	ssyncadd.s32 @!p0 $0xFFFFFF80  }
.Ltmp1:
0xa6: {  	[bflag:$0x0] =	sbarrier.arrive $0xFFFF;
	(pc) =	sbr.rel @p1 .LBB2_1-.Ltmp1, $4  }
0xa7: {  	[hbm:s6], [sflag:s19] =	dma.local [spmem:s20], $0x50  }
0xa8: {  	_ =	swait.ge [sflag:s10], $0x50  }
0xa9: {  	[sflag:s10] =	ssyncset.done $0x0  }
0xaa: {  	[sflag:s10] =	ssyncadd.s32 $0xFFFFFFB0  }
0xab: {  	_ =	sfence.sel $0x180000  }
0xac: {  	[bflag:$0x0] =	sbarrier.arrive $0xFFFF  }
0xad: {  	p0 =	sne.s32 s1, $0x0;
	_ =	strace $0x90000047  }
0xae: {  	s0 =	sadd.s32 @!p0 $0x100000, s0;
	[bflag:$0x2] =	sbarrier.arrive $0xFFFF  }
0xaf: {  	[sflag:s0] =	ssyncadd.tile.s32 @!p0 $0x1;
	_ =	shalt  }
.Lfunc_end2:
_tile_overlayer_lowered:
.L_overlay_start_2:
0xb0: {  	(tag) =	ssettag $0x2  }
0xb1: {  	s0 =	rddreg [dreg:$0x0];
	s2 =	stileid.u32  }
0xb2: {  	s1 =	rddreg [dreg:$0x1];
	p0 =	sne.s32 s2, $0x0  }
0xb3: {  	s3 =	rddreg [dreg:$0x2];
	[bflag:$0x3] =	sbarrier.arrive $0xFFFF;
	s2 =	simm.s32 @!p0 $0x1C01  }
0xb4: {  	[timem:s3], [sflag:s2] =	dma.local @!p0 [hbm:s0], s1  }
0xb5: {  	s0 =	simm.s32 @!p0 $0x1  }
0xb6: {  	_ =	swait.ge @!p0 [sflag:s0], s1  }
0xb7: {  	s1 =	ssub.s32 @!p0 $0x0, s1;
	[sflag:s0] =	ssyncset.done @!p0 $0x0  }
0xb8: {  	[sflag:s0] =	ssyncadd.s32 @!p0 s1  }
0xb9: {  	[bflag:$0x3] =	sbarrier.arrive $0xFFFF  }
0xba: {  	_ =	shalt  }

</sc_bundles>
